<compile_context>
chip_gen: v7x
topology: tpu7x:2x2x1
jax: 0.10.2.dev20260603
libtpu: 0.0.44.dev20260713+nightly
codegen_flags: <defaults>
</compile_context>

<pallas_src>
import functools
import math

import jax
import jax.numpy as jnp
from jax import lax
from jax.experimental import pallas as pl
from jax.experimental.pallas import tpu as pltpu
from jax.experimental.pallas import tpu_sc as plsc

N_USER = 10000
N_ITEM = 10000
N_ALL = N_USER + N_ITEM
E = 160000
D = 128
H = 8
DK = 16
E_PAD = 163840
CHUNK = 128
PER_W = (2 * E_PAD) // 32
PER_T = E_PAD // 16
N_SUB = 16
ROWS_A = 624
ROWS_B = 640
RB_LAST = ROWS_A * (N_SUB - 1)


def _fold(w, b, wh, scale):
    wf = jnp.einsum("nhi,hij->nhj", w.reshape(D, H, DK), wh)
    bf = jnp.einsum("hi,hij->hj", b.reshape(H, DK), wh)
    if scale is not None:
        wf = wf * scale[None, :, None]
        bf = bf * scale[:, None]
    return wf.reshape(D, D), bf.reshape(D)


def _p1_body(f_ref, wq_ref, wkv_ref, bq_ref, bkv_ref, q_ref, kv_ref):
    f = f_ref[...]
    q_ref[...] = jnp.dot(f, wq_ref[0], preferred_element_type=jnp.float32) + bq_ref[0]
    kv_ref[...] = jnp.dot(f, wkv_ref[0], preferred_element_type=jnp.float32) + bkv_ref[0]


def _p1(feats, wq, wkv, bq, bkv, interpret=False):
    blk = 1000
    grid = (N_ALL // blk,)
    nt = lambda i: i // (N_USER // blk)
    return pl.pallas_call(
        _p1_body,
        grid=grid,
        in_specs=[
            pl.BlockSpec((blk, D), lambda i: (i, 0)),
            pl.BlockSpec((1, D, D), lambda i: (nt(i), 0, 0)),
            pl.BlockSpec((1, D, 2 * D), lambda i: (nt(i), 0, 0)),
            pl.BlockSpec((1, 1, D), lambda i: (nt(i), 0, 0)),
            pl.BlockSpec((1, 1, 2 * D), lambda i: (nt(i), 0, 0)),
        ],
        out_specs=[
            pl.BlockSpec((blk, D), lambda i: (i, 0)),
            pl.BlockSpec((blk, 2 * D), lambda i: (i, 0)),
        ],
        out_shape=[
            jax.ShapeDtypeStruct((N_ALL, D), jnp.float32),
            jax.ShapeDtypeStruct((N_ALL, 2 * D), jnp.float32),
        ],
        interpret=interpret,
    )(feats, wq, wkv, bq.reshape(2, 1, D), bkv.reshape(2, 1, 2 * D))


def _sc_gather(q_tab, kv_tab, dst_g, src_g):
    mesh = plsc.VectorSubcoreMesh(core_axis_name="c", subcore_axis_name="s")

    @functools.partial(
        pl.kernel,
        mesh=mesh,
        out_type=[
            jax.ShapeDtypeStruct((2 * E_PAD, D), jnp.float32),
            jax.ShapeDtypeStruct((2 * E_PAD, 2 * D), jnp.float32),
        ],
        scratch_types=[
            pltpu.VMEM((PER_W,), jnp.int32),
            pltpu.VMEM((PER_W,), jnp.int32),
            pltpu.VMEM((CHUNK, D), jnp.float32),
            pltpu.VMEM((CHUNK, D), jnp.float32),
            pltpu.VMEM((CHUNK, 2 * D), jnp.float32),
            pltpu.VMEM((CHUNK, 2 * D), jnp.float32),
            pltpu.SemaphoreType.DMA,
            pltpu.SemaphoreType.DMA,
        ],
    )
    def g(q_hbm, kv_hbm, dstg_hbm, srcg_hbm, qd_hbm, kvs_hbm,
          idxd_v, idxs_v, q0, q1, kv0, kv1, sem0, sem1):
        wid = lax.axis_index("s") * 2 + lax.axis_index("c")
        tbase = wid * PER_W
        pltpu.sync_copy(dstg_hbm.at[pl.ds(tbase, PER_W)], idxd_v)
        pltpu.sync_copy(srcg_hbm.at[pl.ds(tbase, PER_W)], idxs_v)
        nc = PER_W // CHUNK

        def fire(c, bq, bkv, sem):
            b = c * CHUNK
            pltpu.async_copy(q_hbm.at[idxd_v.at[pl.ds(b, CHUNK)]], bq, sem)
            pltpu.async_copy(kv_hbm.at[idxs_v.at[pl.ds(b, CHUNK)]], bkv, sem)

        def drain(bq, bkv, sem):
            pltpu.make_async_copy(qd_hbm.at[pl.ds(0, CHUNK)], bq, sem).wait()
            pltpu.make_async_copy(kvs_hbm.at[pl.ds(0, CHUNK)], bkv, sem).wait()

        def write(c, bq, bkv):
            b = tbase + c * CHUNK
            pltpu.sync_copy(bq, qd_hbm.at[pl.ds(b, CHUNK)])
            pltpu.sync_copy(bkv, kvs_hbm.at[pl.ds(b, CHUNK)])

        fire(0, q0, kv0, sem0)

        def body(p, carry):
            c0 = 2 * p
            fire(c0 + 1, q1, kv1, sem1)
            drain(q0, kv0, sem0)
            write(c0, q0, kv0)
            fire(c0 + 2, q0, kv0, sem0)
            drain(q1, kv1, sem1)
            write(c0 + 1, q1, kv1)
            return carry

        lax.fori_loop(0, nc // 2 - 1, body, 0)
        fire(nc - 1, q1, kv1, sem1)
        drain(q0, kv0, sem0)
        write(nc - 2, q0, kv0)
        drain(q1, kv1, sem1)
        write(nc - 1, q1, kv1)

    return g(q_tab, kv_tab, dst_g, src_g)


def _p2_body(qd_ref, kvs_ref, msg_ref, e_ref):
    blk = qd_ref.shape[0]
    qd = qd_ref[...]
    ks = kvs_ref[:, :D]
    vs = kvs_ref[:, D:]
    ri = lax.broadcasted_iota(jnp.int32, (D, H), 0) // DK
    ci = lax.broadcasted_iota(jnp.int32, (D, H), 1)
    sel = (ri == ci).astype(jnp.float32)
    t = jnp.dot(qd * ks, sel, preferred_element_type=jnp.float32)
    rows = pl.program_id(0) * blk + lax.broadcasted_iota(jnp.int32, (blk, 1), 0)
    r2 = jnp.where(rows >= E_PAD, rows - E_PAD, rows)
    e = jnp.exp(t) * (r2 < E).astype(jnp.float32)
    e_rep = jnp.dot(e, sel.T, preferred_element_type=jnp.float32)
    msg_ref[...] = vs * e_rep
    e_ref[...] = e_rep


def _p2(qd, kvs, interpret=False):
    blk = 1280
    grid = ((2 * E_PAD) // blk,)
    return pl.pallas_call(
        _p2_body,
        grid=grid,
        in_specs=[
            pl.BlockSpec((blk, D), lambda i: (i, 0)),
            pl.BlockSpec((blk, 2 * D), lambda i: (i, 0)),
        ],
        out_specs=[
            pl.BlockSpec((blk, D), lambda i: (i, 0)),
            pl.BlockSpec((blk, D), lambda i: (i, 0)),
        ],
        out_shape=[
            jax.ShapeDtypeStruct((2 * E_PAD, D), jnp.float32),
            jax.ShapeDtypeStruct((2 * E_PAD, D), jnp.float32),
        ],
        interpret=interpret,
    )(qd, kvs)


def _sc_scatter_one(vals, dst_l, zeros, width):
    mesh = plsc.VectorSubcoreMesh(core_axis_name="c", subcore_axis_name="s")

    @functools.partial(
        pl.kernel,
        mesh=mesh,
        out_type=jax.ShapeDtypeStruct((N_ALL, width), jnp.float32),
        scratch_types=[
            pltpu.VMEM((CHUNK,), jnp.int32),
            pltpu.VMEM((CHUNK,), jnp.int32),
            pltpu.VMEM((CHUNK, width), jnp.float32),
            pltpu.VMEM((CHUNK, width), jnp.float32),
            pltpu.VMEM_SHARED((N_USER, width), jnp.float32),
            pltpu.SemaphoreType.DMA,
            pltpu.SemaphoreType.DMA,
        ],
    )
    def s(vals_hbm, dstl_hbm, z_hbm, agg_hbm, i0, i1, v0, v1, acc_sh, sem0, sem1):
        cid = lax.axis_index("c")
        sid = lax.axis_index("s")
        rb = sid * ROWS_A

        @pl.when(sid < N_SUB - 1)
        def _init_a():
            pltpu.sync_copy(z_hbm.at[pl.ds(rb, ROWS_A)], acc_sh.at[pl.ds(rb, ROWS_A)])

        @pl.when(sid == N_SUB - 1)
        def _init_b():
            pltpu.sync_copy(z_hbm.at[pl.ds(RB_LAST, ROWS_B)],
                            acc_sh.at[pl.ds(RB_LAST, ROWS_B)])

        plsc.subcore_barrier()
        ebase = cid * E_PAD + sid * PER_T
        nc = PER_T // CHUNK

        def fire(c, bi, bv, sem):
            b = ebase + c * CHUNK
            pltpu.async_copy(dstl_hbm.at[pl.ds(b, CHUNK)], bi, sem)
            pltpu.async_copy(vals_hbm.at[pl.ds(b, CHUNK)], bv, sem)

        def drain(bi, bv, sem):
            pltpu.make_async_copy(dstl_hbm.at[pl.ds(0, CHUNK)], bi, sem).wait()
            pltpu.make_async_copy(vals_hbm.at[pl.ds(0, CHUNK)], bv, sem).wait()

        def scat(bi, bv):
            pltpu.sync_copy(bv, acc_sh.at[bi], add=True)

        fire(0, i0, v0, sem0)

        def body(p, carry):
            c0 = 2 * p
            fire(c0 + 1, i1, v1, sem1)
            drain(i0, v0, sem0)
            scat(i0, v0)
            fire(c0 + 2, i0, v0, sem0)
            drain(i1, v1, sem1)
            scat(i1, v1)
            return carry

        lax.fori_loop(0, nc // 2 - 1, body, 0)
        fire(nc - 1, i1, v1, sem1)
        drain(i0, v0, sem0)
        scat(i0, v0)
        drain(i1, v1, sem1)
        scat(i1, v1)
        plsc.subcore_barrier()
        no = (1 - cid) * N_USER

        @pl.when(sid < N_SUB - 1)
        def _dump_a():
            pltpu.sync_copy(acc_sh.at[pl.ds(rb, ROWS_A)],
                            agg_hbm.at[pl.ds(no + rb, ROWS_A)])

        @pl.when(sid == N_SUB - 1)
        def _dump_b():
            pltpu.sync_copy(acc_sh.at[pl.ds(RB_LAST, ROWS_B)],
                            agg_hbm.at[pl.ds(no + RB_LAST, ROWS_B)])

    return s(vals, dst_l, zeros)


def _sc_scatter(msg, e_rep, dst_l, zmsg):
    aggm = _sc_scatter_one(msg, dst_l, zmsg, D)
    aggs = _sc_scatter_one(e_rep, dst_l, zmsg, D)
    return aggm, aggs


def _p4_body(aggm_ref, aggs_ref, f_ref, aw_ref, ab_ref, al_ref, lg_ref, lb_ref, o_ref):
    s_rep = aggs_ref[...]
    agg = jnp.where(s_rep > 0.0,
                    aggm_ref[...] / jnp.where(s_rep > 0.0, s_rep, 1.0), 0.0)
    trans = jnp.dot(agg, aw_ref[0], preferred_element_type=jnp.float32) + ab_ref[0]
    alpha = al_ref[0]
    o = alpha * trans + (1.0 - alpha) * f_ref[...]
    mu = jnp.mean(o, axis=-1, keepdims=True)
    var = jnp.mean((o - mu) ** 2, axis=-1, keepdims=True)
    o_ref[...] = (o - mu) * lax.rsqrt(var + 1e-5) * lg_ref[0] + lb_ref[0]


def _p4(aggm, aggs, feats, aw, ab, alpha, lng, lnb, interpret=False):
    blk = 1000
    grid = (N_ALL // blk,)
    nt = lambda i: i // (N_USER // blk)
    return pl.pallas_call(
        _p4_body,
        grid=grid,
        in_specs=[
            pl.BlockSpec((blk, D), lambda i: (i, 0)),
            pl.BlockSpec((blk, D), lambda i: (i, 0)),
            pl.BlockSpec((blk, D), lambda i: (i, 0)),
            pl.BlockSpec((1, D, D), lambda i: (nt(i), 0, 0)),
            pl.BlockSpec((1, 1, D), lambda i: (nt(i), 0, 0)),
            pl.BlockSpec((1, 1, 1), lambda i: (nt(i), 0, 0)),
            pl.BlockSpec((1, 1, D), lambda i: (nt(i), 0, 0)),
            pl.BlockSpec((1, 1, D), lambda i: (nt(i), 0, 0)),
        ],
        out_specs=pl.BlockSpec((blk, D), lambda i: (i, 0)),
        out_shape=jax.ShapeDtypeStruct((N_ALL, D), jnp.float32),
        interpret=interpret,
    )(aggm, aggs, feats, aw, ab.reshape(2, 1, D), alpha.reshape(2, 1, 1),
      lng.reshape(2, 1, D), lnb.reshape(2, 1, D))


def kernel(feat_user, feat_item, edge_index_clicks, edge_index_clicked_by, params):
    p = params
    inv = 1.0 / math.sqrt(DK)
    wk_u, bk_u = _fold(p["k_w"]["user"], p["k_b"]["user"], p["w_att"]["clicks"],
                       p["mu"]["clicks"] * inv)
    wv_u, bv_u = _fold(p["v_w"]["user"], p["v_b"]["user"], p["w_msg"]["clicks"], None)
    wk_i, bk_i = _fold(p["k_w"]["item"], p["k_b"]["item"], p["w_att"]["clicked_by"],
                       p["mu"]["clicked_by"] * inv)
    wv_i, bv_i = _fold(p["v_w"]["item"], p["v_b"]["item"], p["w_msg"]["clicked_by"], None)
    wq = jnp.stack([p["q_w"]["user"], p["q_w"]["item"]])
    bq = jnp.stack([p["q_b"]["user"], p["q_b"]["item"]])
    wkv = jnp.stack([jnp.concatenate([wk_u, wv_u], axis=1),
                     jnp.concatenate([wk_i, wv_i], axis=1)])
    bkv = jnp.stack([jnp.concatenate([bk_u, bv_u]), jnp.concatenate([bk_i, bv_i])])
    feats = jnp.concatenate([feat_user, feat_item], axis=0)

    pad = E_PAD - E
    src_c = jnp.pad(edge_index_clicks[0], (0, pad))
    dst_c = jnp.pad(edge_index_clicks[1], (0, pad))
    src_b = jnp.pad(edge_index_clicked_by[0], (0, pad))
    dst_b = jnp.pad(edge_index_clicked_by[1], (0, pad))
    src_g = jnp.concatenate([src_c, src_b + N_USER])
    dst_g = jnp.concatenate([dst_c + N_USER, dst_b])
    dst_l = jnp.concatenate([dst_c, dst_b])

    q_tab, kv_tab = _p1(feats, wq, wkv, bq, bkv)
    qd, kvs = _sc_gather(q_tab, kv_tab, dst_g, src_g)
    msg, e_rep = _p2(qd, kvs)
    zmsg = jnp.zeros((N_USER, D), jnp.float32)
    aggm, aggs = _sc_scatter(msg, e_rep, dst_l, zmsg)

    aw = jnp.stack([p["a_w"]["user"], p["a_w"]["item"]])
    ab = jnp.stack([p["a_b"]["user"], p["a_b"]["item"]])
    alpha = jax.nn.sigmoid(jnp.stack([p["skip"]["user"], p["skip"]["item"]]))
    lng = jnp.stack([p["ln_g"]["user"], p["ln_g"]["item"]])
    lnb = jnp.stack([p["ln_b"]["user"], p["ln_b"]["item"]])
    return _p4(aggm, aggs, feats, aw, ab, alpha, lng, lnb)

# --- scband reference (transcript-rebuilt; emitter-appended) ---
"""Pipeline reference for scband-hgtlayer-53188874994368 (READ-ONLY COPY).

The authoritative reference and input builder live on the scoring server;
editing this copy changes nothing except your own understanding.
"""

import math
import jax, jax.numpy as jnp
import numpy as np

N_USER = 10000
N_ITEM = 10000
E = 160000
D_IN = 128
D_OUT = 128
H = 8
DK = D_OUT // H
NNODES = {"user": N_USER, "item": N_ITEM}
CANON = [("user", "clicks", "item"), ("item", "clicked_by", "user")]
NTYPES = ["user", "item"]
ETYPES = ["clicks", "clicked_by"]


def _xavier(key, shape, fan_in, fan_out):
    a = math.sqrt(6.0 / (fan_in + fan_out))
    return jax.random.uniform(key, shape, minval=-a, maxval=a, dtype=jnp.float32)


def setup_inputs(seed: int = 0):
    key = jax.random.key(seed)
    ks = jax.random.split(key, 64)
    it = iter(range(64))
    feat_user = jax.random.normal(ks[next(it)], (N_USER, D_IN), dtype=jnp.float32)
    feat_item = jax.random.normal(ks[next(it)], (N_ITEM, D_IN), dtype=jnp.float32)
    edge_index_clicks = jax.random.randint(ks[next(it)], (2, E), 0, N_USER, dtype=jnp.int32)
    edge_index_clicked_by = jax.random.randint(ks[next(it)], (2, E), 0, N_ITEM, dtype=jnp.int32)
    params = {"k_w": {}, "k_b": {}, "q_w": {}, "q_b": {}, "v_w": {}, "v_b": {}, "a_w": {}, "a_b": {}, "ln_g": {}, "ln_b": {}, "skip": {}, "mu": {}, "w_att": {}, "w_msg": {}}
    bound = 1.0 / math.sqrt(D_IN)
    for nt in NTYPES:
        for pname in ["k", "q", "v", "a"]:
            params[pname + "_w"][nt] = jax.random.uniform(ks[next(it)], (D_IN, D_OUT), minval=-bound, maxval=bound, dtype=jnp.float32)
            params[pname + "_b"][nt] = jax.random.uniform(ks[next(it)], (D_OUT,), minval=-bound, maxval=bound, dtype=jnp.float32)
        params["ln_g"][nt] = jnp.ones((D_OUT,), jnp.float32)
        params["ln_b"][nt] = jnp.zeros((D_OUT,), jnp.float32)
        params["skip"][nt] = jnp.ones((1,), jnp.float32)
    for et in ETYPES:
        params["mu"][et] = jnp.ones((H,), jnp.float32)
        params["w_att"][et] = _xavier(ks[next(it)], (H, DK, DK), DK * DK, H * DK)
        params["w_msg"][et] = _xavier(ks[next(it)], (H, DK, DK), DK * DK, H * DK)
    return {"feat_user": feat_user, "feat_item": feat_item, "edge_index_clicks": edge_index_clicks, "edge_index_clicked_by": edge_index_clicked_by, "params": params}


def _edge_softmax(t, dst, num_dst):
    m = jax.ops.segment_max(t, dst, num_segments=num_dst)
    m = jnp.where(jnp.isfinite(m), m, 0.0)
    e = jnp.exp(t - m[dst])
    s = jax.ops.segment_sum(e, dst, num_segments=num_dst)
    return e / s[dst]


def _hgt_forward(feats, edges, params):
    agg = {nt: [] for nt in NTYPES}
    for (stype, etype, dtype) in CANON:
        src = edges[etype][0]
        dst = edges[etype][1]
        k = feats[stype] @ params["k_w"][stype] + params["k_b"][stype]
        v = feats[stype] @ params["v_w"][stype] + params["v_b"][stype]
        q = feats[dtype] @ params["q_w"][dtype] + params["q_b"][dtype]
        k = k.reshape(-1, H, DK)
        v = v.reshape(-1, H, DK)
        q = q.reshape(-1, H, DK)
        k = jnp.einsum('nhi,hij->nhj', k, params["w_att"][etype])
        v = jnp.einsum('nhi,hij->nhj', v, params["w_msg"][etype])
        t = jnp.sum(q[dst] * k[src], axis=-1)
        attn = t * params["mu"][etype] / math.sqrt(DK)
        attn = _edge_softmax(attn, dst, NNODES[dtype])
        msg = v[src] * attn[:, :, None]
        h = jax.ops.segment_sum(msg, dst, num_segments=NNODES[dtype])
        agg[dtype].append(h)
    outs = []
    for nt in NTYPES:
        hs = agg[nt]
        h = hs[0]
        for extra in hs[1:]:
            h = h + extra
        h = h / float(len(hs))
        h = h.reshape(-1, D_OUT)
        trans = h @ params["a_w"][nt] + params["a_b"][nt]
        alpha = jax.nn.sigmoid(params["skip"][nt])
        o = alpha * trans + (1.0 - alpha) * feats[nt]
        mu_ = jnp.mean(o, axis=-1, keepdims=True)
        var = jnp.var(o, axis=-1, keepdims=True)
        o = (o - mu_) / jnp.sqrt(var + 1e-5) * params["ln_g"][nt] + params["ln_b"][nt]
        outs.append(o)
    return jnp.concatenate(outs, axis=0)


def reference(feat_user, feat_item, edge_index_clicks, edge_index_clicked_by, params):
    feats = {"user": feat_user, "item": feat_item}
    edges = {"clicks": edge_index_clicks, "clicked_by": edge_index_clicked_by}
    return _hgt_forward(feats, edges, params)

if __name__ == "__main__":
    import jax
    _d = setup_inputs()
    print(jax.jit(kernel)(*tuple(_d.values())))

</pallas_src>

<mosaic_0001>
#map = affine_map<(d0, d1) -> (0, 0)>
#map1 = affine_map<(d0, d1) -> (0)>
module attributes {stable_mosaic.version = 14 : i64} {
  func.func @s(%arg0: i32, %arg1: i32, %arg2: memref<327680x128xf32, #tpu.memory_space<hbm>>, %arg3: memref<327680xi32, #tpu.memory_space<hbm>>, %arg4: memref<10000x128xf32, #tpu.memory_space<hbm>>, %arg5: memref<20000x128xf32, #tpu.memory_space<hbm>>, %arg6: memref<128xi32, #tpu.memory_space<vmem>>, %arg7: memref<128xi32, #tpu.memory_space<vmem>>, %arg8: memref<128x128xf32, #tpu.memory_space<vmem>>, %arg9: memref<128x128xf32, #tpu.memory_space<vmem>>, %arg10: memref<10000x128xf32, #tpu.memory_space<vmem_shared>>, %arg11: memref<!tpu.dma_semaphore, #tpu.memory_space<semaphore_mem>>, %arg12: memref<!tpu.dma_semaphore, #tpu.memory_space<semaphore_mem>>) attributes {dimension_semantics = [#tpu.dimension_semantics<core_parallel>, #tpu.dimension_semantics<subcore_parallel>], iteration_bounds = array<i64: 2, 16>, scalar_prefetch = 0 : i64, scratch_operands = 7 : i64, tpu.core_type = #tpu.core_type<sc_vector_subcore>, window_params = [{transform_indices = #map}, {transform_indices = #map1}, {transform_indices = #map}, {transform_indices = #map}]} {
    %mul3A = arith.constant 624 : i32
    %mul3A_0 = arith.muli %arg1, %mul3A : i32
    %lt3A = arith.constant 15 : i32
    %lt3A_1 = arith.cmpi slt, %arg1, %lt3A : i32
    %convert_element_type3A = arith.extui %lt3A_1 : i1 to i32
    %cond3A = arith.constant 0 : i32
    %cond3A_2 = arith.cmpi ne, %convert_element_type3A, %cond3A : i32
    scf.if %cond3A_2 {
      "tpu.region"() ({
        %run_scoped3A = tpu.sem_alloc : memref<!tpu.dma_semaphore, #tpu.memory_space<semaphore_mem>>
        %dma_start3A_64 = arith.constant 0 : i32
        %dma_start3A_65 = tpu.memref_slice %arg10[%mul3A_0, %dma_start3A_64] : memref<10000x128xf32, #tpu.memory_space<vmem_shared>> -> memref<624x128xf32, #tpu.memory_space<vmem_shared>>
        %dma_start3A_66 = arith.constant 0 : i32
        %dma_start3A_67 = tpu.memref_slice %arg4[%mul3A_0, %dma_start3A_66] : memref<10000x128xf32, #tpu.memory_space<hbm>> -> memref<624x128xf32, #tpu.memory_space<hbm>>
        tpu.enqueue_dma source(%dma_start3A_67 : memref<624x128xf32, #tpu.memory_space<hbm>>) target(%dma_start3A_65 : memref<624x128xf32, #tpu.memory_space<vmem_shared>>) target_semaphore(%run_scoped3A : memref<!tpu.dma_semaphore, #tpu.memory_space<semaphore_mem>>)
        %dma_wait3A_68 = arith.constant 0 : i32
        %dma_wait3A_69 = tpu.memref_slice %arg10[%mul3A_0, %dma_wait3A_68] : memref<10000x128xf32, #tpu.memory_space<vmem_shared>> -> memref<624x128xf32, #tpu.memory_space<vmem_shared>>
        %dma_wait3A_70 = arith.constant 0 : i32
        %dma_wait3A_71 = tpu.memref_slice %arg4[%mul3A_0, %dma_wait3A_70] : memref<10000x128xf32, #tpu.memory_space<hbm>> -> memref<624x128xf32, #tpu.memory_space<hbm>>
        tpu.wait_dma2 semaphore(%run_scoped3A : memref<!tpu.dma_semaphore, #tpu.memory_space<semaphore_mem>>) src(%dma_wait3A_71 : memref<624x128xf32, #tpu.memory_space<hbm>>) dst(%dma_wait3A_69 : memref<624x128xf32, #tpu.memory_space<vmem_shared>>)
        tpu.yield
      }) : () -> ()
    } else {
    }
    %eq3A = arith.constant 15 : i32
    %eq3A_3 = arith.cmpi eq, %arg1, %eq3A : i32
    %convert_element_type3A_4 = arith.extui %eq3A_3 : i1 to i32
    %cond3A_5 = arith.constant 0 : i32
    %cond3A_6 = arith.cmpi ne, %convert_element_type3A_4, %cond3A_5 : i32
    scf.if %cond3A_6 {
      "tpu.region"() ({
        %run_scoped3A = tpu.sem_alloc : memref<!tpu.dma_semaphore, #tpu.memory_space<semaphore_mem>>
        %dma_start3A_64 = arith.constant 9360 : i32
        %dma_start3A_65 = arith.constant 0 : i32
        %dma_start3A_66 = tpu.memref_slice %arg10[%dma_start3A_64, %dma_start3A_65] : memref<10000x128xf32, #tpu.memory_space<vmem_shared>> -> memref<640x128xf32, #tpu.memory_space<vmem_shared>>
        %dma_start3A_67 = arith.constant 9360 : i32
        %dma_start3A_68 = arith.constant 0 : i32
        %dma_start3A_69 = tpu.memref_slice %arg4[%dma_start3A_67, %dma_start3A_68] : memref<10000x128xf32, #tpu.memory_space<hbm>> -> memref<640x128xf32, #tpu.memory_space<hbm>>
        tpu.enqueue_dma source(%dma_start3A_69 : memref<640x128xf32, #tpu.memory_space<hbm>>) target(%dma_start3A_66 : memref<640x128xf32, #tpu.memory_space<vmem_shared>>) target_semaphore(%run_scoped3A : memref<!tpu.dma_semaphore, #tpu.memory_space<semaphore_mem>>)
        %dma_wait3A_70 = arith.constant 9360 : i32
        %dma_wait3A_71 = arith.constant 0 : i32
        %dma_wait3A_72 = tpu.memref_slice %arg10[%dma_wait3A_70, %dma_wait3A_71] : memref<10000x128xf32, #tpu.memory_space<vmem_shared>> -> memref<640x128xf32, #tpu.memory_space<vmem_shared>>
        %dma_wait3A_73 = arith.constant 9360 : i32
        %dma_wait3A_74 = arith.constant 0 : i32
        %dma_wait3A_75 = tpu.memref_slice %arg4[%dma_wait3A_73, %dma_wait3A_74] : memref<10000x128xf32, #tpu.memory_space<hbm>> -> memref<640x128xf32, #tpu.memory_space<hbm>>
        tpu.wait_dma2 semaphore(%run_scoped3A : memref<!tpu.dma_semaphore, #tpu.memory_space<semaphore_mem>>) src(%dma_wait3A_75 : memref<640x128xf32, #tpu.memory_space<hbm>>) dst(%dma_wait3A_72 : memref<640x128xf32, #tpu.memory_space<vmem_shared>>)
        tpu.yield
      }) : () -> ()
    } else {
    }
    %barrier3A = arith.constant 0 : index
    tpu.barrier barrier_id(%barrier3A)
    %mul3A_7 = arith.constant 163840 : i32
    %mul3A_8 = arith.muli %arg0, %mul3A_7 : i32
    %mul3A_9 = arith.constant 10240 : i32
    %mul3A_10 = arith.muli %arg1, %mul3A_9 : i32
    %add3A = arith.addi %mul3A_8, %mul3A_10 : i32
    %add3A_11 = arith.constant 0 : i32
    %add3A_12 = arith.addi %add3A, %add3A_11 : i32
    %dma_start3A = tpu.memref_slice %arg3[%add3A_12] : memref<327680xi32, #tpu.memory_space<hbm>> -> memref<128xi32, #tpu.memory_space<hbm>>
    %dma_start3A_13 = tpu.memref_slice %arg3[%add3A_12] : memref<327680xi32, #tpu.memory_space<hbm>> -> memref<128xi32, #tpu.memory_space<hbm>>
    tpu.enqueue_dma source(%dma_start3A_13 : memref<128xi32, #tpu.memory_space<hbm>>) target(%arg6 : memref<128xi32, #tpu.memory_space<vmem>>) target_semaphore(%arg11 : memref<!tpu.dma_semaphore, #tpu.memory_space<semaphore_mem>>)
    %dma_start3A_14 = arith.constant 0 : i32
    %dma_start3A_15 = tpu.memref_slice %arg2[%add3A_12, %dma_start3A_14] : memref<327680x128xf32, #tpu.memory_space<hbm>> -> memref<128x128xf32, #tpu.memory_space<hbm>>
    %dma_start3A_16 = arith.constant 0 : i32
    %dma_start3A_17 = tpu.memref_slice %arg2[%add3A_12, %dma_start3A_16] : memref<327680x128xf32, #tpu.memory_space<hbm>> -> memref<128x128xf32, #tpu.memory_space<hbm>>
    tpu.enqueue_dma source(%dma_start3A_17 : memref<128x128xf32, #tpu.memory_space<hbm>>) target(%arg8 : memref<128x128xf32, #tpu.memory_space<vmem>>) target_semaphore(%arg11 : memref<!tpu.dma_semaphore, #tpu.memory_space<semaphore_mem>>)
    %scan3A = arith.constant 0 : i32
    %scan3A_18 = arith.constant 0 : i32
    %scan3A_19 = arith.constant 39 : i32
    %scan3A_20 = arith.addi %scan3A_18, %scan3A_19 : i32
    %scan3A_21 = arith.constant 1 : i32
    scf.for %scan3A_64 = %scan3A_18 to %scan3A_20 step %scan3A_21  : i32 {
      %mul3A_65 = arith.constant 2 : i32
      %mul3A_66 = arith.muli %mul3A_65, %scan3A_64 : i32
      %add3A_67 = arith.constant 1 : i32
      %add3A_68 = arith.addi %mul3A_66, %add3A_67 : i32
      %mul3A_69 = arith.constant 128 : i32
      %mul3A_70 = arith.muli %add3A_68, %mul3A_69 : i32
      %add3A_71 = arith.addi %add3A, %mul3A_70 : i32
      %dma_start3A_72 = tpu.memref_slice %arg3[%add3A_71] : memref<327680xi32, #tpu.memory_space<hbm>> -> memref<128xi32, #tpu.memory_space<hbm>>
      %dma_start3A_73 = tpu.memref_slice %arg3[%add3A_71] : memref<327680xi32, #tpu.memory_space<hbm>> -> memref<128xi32, #tpu.memory_space<hbm>>
      tpu.enqueue_dma source(%dma_start3A_73 : memref<128xi32, #tpu.memory_space<hbm>>) target(%arg7 : memref<128xi32, #tpu.memory_space<vmem>>) target_semaphore(%arg12 : memref<!tpu.dma_semaphore, #tpu.memory_space<semaphore_mem>>)
      %dma_start3A_74 = arith.constant 0 : i32
      %dma_start3A_75 = tpu.memref_slice %arg2[%add3A_71, %dma_start3A_74] : memref<327680x128xf32, #tpu.memory_space<hbm>> -> memref<128x128xf32, #tpu.memory_space<hbm>>
      %dma_start3A_76 = arith.constant 0 : i32
      %dma_start3A_77 = tpu.memref_slice %arg2[%add3A_71, %dma_start3A_76] : memref<327680x128xf32, #tpu.memory_space<hbm>> -> memref<128x128xf32, #tpu.memory_space<hbm>>
      tpu.enqueue_dma source(%dma_start3A_77 : memref<128x128xf32, #tpu.memory_space<hbm>>) target(%arg9 : memref<128x128xf32, #tpu.memory_space<vmem>>) target_semaphore(%arg12 : memref<!tpu.dma_semaphore, #tpu.memory_space<semaphore_mem>>)
      %dma_wait3A_78 = arith.constant 0 : i32
      %dma_wait3A_79 = tpu.memref_slice %arg3[%dma_wait3A_78] : memref<327680xi32, #tpu.memory_space<hbm>> -> memref<128xi32, #tpu.memory_space<hbm>>
      %dma_wait3A_80 = arith.constant 0 : i32
      %dma_wait3A_81 = tpu.memref_slice %arg3[%dma_wait3A_80] : memref<327680xi32, #tpu.memory_space<hbm>> -> memref<128xi32, #tpu.memory_space<hbm>>
      tpu.wait_dma2 semaphore(%arg11 : memref<!tpu.dma_semaphore, #tpu.memory_space<semaphore_mem>>) src(%dma_wait3A_81 : memref<128xi32, #tpu.memory_space<hbm>>) dst(%arg6 : memref<128xi32, #tpu.memory_space<vmem>>)
      %dma_wait3A_82 = arith.constant 0 : i32
      %dma_wait3A_83 = arith.constant 0 : i32
      %dma_wait3A_84 = tpu.memref_slice %arg2[%dma_wait3A_82, %dma_wait3A_83] : memref<327680x128xf32, #tpu.memory_space<hbm>> -> memref<128x128xf32, #tpu.memory_space<hbm>>
      %dma_wait3A_85 = arith.constant 0 : i32
      %dma_wait3A_86 = arith.constant 0 : i32
      %dma_wait3A_87 = tpu.memref_slice %arg2[%dma_wait3A_85, %dma_wait3A_86] : memref<327680x128xf32, #tpu.memory_space<hbm>> -> memref<128x128xf32, #tpu.memory_space<hbm>>
      tpu.wait_dma2 semaphore(%arg11 : memref<!tpu.dma_semaphore, #tpu.memory_space<semaphore_mem>>) src(%dma_wait3A_87 : memref<128x128xf32, #tpu.memory_space<hbm>>) dst(%arg8 : memref<128x128xf32, #tpu.memory_space<vmem>>)
      "tpu.region"() ({
        %run_scoped3A = tpu.sem_alloc : memref<!tpu.dma_semaphore, #tpu.memory_space<semaphore_mem>>
        %dma_start3A_109 = arith.constant 0 : i32
        %dma_start3A_110 = arith.constant 0 : i32
        %dma_start3A_111 = tpu.memref_slice %arg10[%dma_start3A_109, %dma_start3A_110] : memref<10000x128xf32, #tpu.memory_space<vmem_shared>> -> memref<10000x128xf32, #tpu.memory_space<vmem_shared>>
        tpu.enqueue_indirect_dma source(%arg8 : memref<128x128xf32, #tpu.memory_space<vmem>>) target(%dma_start3A_111 : memref<10000x128xf32, #tpu.memory_space<vmem_shared>>) offsets(%arg6 : memref<128xi32, #tpu.memory_space<vmem>>) semaphore(%run_scoped3A : memref<!tpu.dma_semaphore, #tpu.memory_space<semaphore_mem>>) {add = true}
        %dma_wait3A_112 = arith.constant 0 : i32
        %dma_wait3A_113 = arith.constant 0 : i32
        %dma_wait3A_114 = tpu.memref_slice %arg10[%dma_wait3A_112, %dma_wait3A_113] : memref<10000x128xf32, #tpu.memory_space<vmem_shared>> -> memref<10000x128xf32, #tpu.memory_space<vmem_shared>>
        tpu.wait_indirect_dma semaphore(%run_scoped3A : memref<!tpu.dma_semaphore, #tpu.memory_space<semaphore_mem>>) src(%arg8 : memref<128x128xf32, #tpu.memory_space<vmem>>) dst(%dma_wait3A_114 : memref<10000x128xf32, #tpu.memory_space<vmem_shared>>)
        tpu.yield
      }) : () -> ()
      %add3A_88 = arith.constant 2 : i32
      %add3A_89 = arith.addi %mul3A_66, %add3A_88 : i32
      %mul3A_90 = arith.constant 128 : i32
      %mul3A_91 = arith.muli %add3A_89, %mul3A_90 : i32
      %add3A_92 = arith.addi %add3A, %mul3A_91 : i32
      %dma_start3A_93 = tpu.memref_slice %arg3[%add3A_92] : memref<327680xi32, #tpu.memory_space<hbm>> -> memref<128xi32, #tpu.memory_space<hbm>>
      %dma_start3A_94 = tpu.memref_slice %arg3[%add3A_92] : memref<327680xi32, #tpu.memory_space<hbm>> -> memref<128xi32, #tpu.memory_space<hbm>>
      tpu.enqueue_dma source(%dma_start3A_94 : memref<128xi32, #tpu.memory_space<hbm>>) target(%arg6 : memref<128xi32, #tpu.memory_space<vmem>>) target_semaphore(%arg11 : memref<!tpu.dma_semaphore, #tpu.memory_space<semaphore_mem>>)
      %dma_start3A_95 = arith.constant 0 : i32
      %dma_start3A_96 = tpu.memref_slice %arg2[%add3A_92, %dma_start3A_95] : memref<327680x128xf32, #tpu.memory_space<hbm>> -> memref<128x128xf32, #tpu.memory_space<hbm>>
      %dma_start3A_97 = arith.constant 0 : i32
      %dma_start3A_98 = tpu.memref_slice %arg2[%add3A_92, %dma_start3A_97] : memref<327680x128xf32, #tpu.memory_space<hbm>> -> memref<128x128xf32, #tpu.memory_space<hbm>>
      tpu.enqueue_dma source(%dma_start3A_98 : memref<128x128xf32, #tpu.memory_space<hbm>>) target(%arg8 : memref<128x128xf32, #tpu.memory_space<vmem>>) target_semaphore(%arg11 : memref<!tpu.dma_semaphore, #tpu.memory_space<semaphore_mem>>)
      %dma_wait3A_99 = arith.constant 0 : i32
      %dma_wait3A_100 = tpu.memref_slice %arg3[%dma_wait3A_99] : memref<327680xi32, #tpu.memory_space<hbm>> -> memref<128xi32, #tpu.memory_space<hbm>>
      %dma_wait3A_101 = arith.constant 0 : i32
      %dma_wait3A_102 = tpu.memref_slice %arg3[%dma_wait3A_101] : memref<327680xi32, #tpu.memory_space<hbm>> -> memref<128xi32, #tpu.memory_space<hbm>>
      tpu.wait_dma2 semaphore(%arg12 : memref<!tpu.dma_semaphore, #tpu.memory_space<semaphore_mem>>) src(%dma_wait3A_102 : memref<128xi32, #tpu.memory_space<hbm>>) dst(%arg7 : memref<128xi32, #tpu.memory_space<vmem>>)
      %dma_wait3A_103 = arith.constant 0 : i32
      %dma_wait3A_104 = arith.constant 0 : i32
      %dma_wait3A_105 = tpu.memref_slice %arg2[%dma_wait3A_103, %dma_wait3A_104] : memref<327680x128xf32, #tpu.memory_space<hbm>> -> memref<128x128xf32, #tpu.memory_space<hbm>>
      %dma_wait3A_106 = arith.constant 0 : i32
      %dma_wait3A_107 = arith.constant 0 : i32
      %dma_wait3A_108 = tpu.memref_slice %arg2[%dma_wait3A_106, %dma_wait3A_107] : memref<327680x128xf32, #tpu.memory_space<hbm>> -> memref<128x128xf32, #tpu.memory_space<hbm>>
      tpu.wait_dma2 semaphore(%arg12 : memref<!tpu.dma_semaphore, #tpu.memory_space<semaphore_mem>>) src(%dma_wait3A_108 : memref<128x128xf32, #tpu.memory_space<hbm>>) dst(%arg9 : memref<128x128xf32, #tpu.memory_space<vmem>>)
      "tpu.region"() ({
        %run_scoped3A = tpu.sem_alloc : memref<!tpu.dma_semaphore, #tpu.memory_space<semaphore_mem>>
        %dma_start3A_109 = arith.constant 0 : i32
        %dma_start3A_110 = arith.constant 0 : i32
        %dma_start3A_111 = tpu.memref_slice %arg10[%dma_start3A_109, %dma_start3A_110] : memref<10000x128xf32, #tpu.memory_space<vmem_shared>> -> memref<10000x128xf32, #tpu.memory_space<vmem_shared>>
        tpu.enqueue_indirect_dma source(%arg9 : memref<128x128xf32, #tpu.memory_space<vmem>>) target(%dma_start3A_111 : memref<10000x128xf32, #tpu.memory_space<vmem_shared>>) offsets(%arg7 : memref<128xi32, #tpu.memory_space<vmem>>) semaphore(%run_scoped3A : memref<!tpu.dma_semaphore, #tpu.memory_space<semaphore_mem>>) {add = true}
        %dma_wait3A_112 = arith.constant 0 : i32
        %dma_wait3A_113 = arith.constant 0 : i32
        %dma_wait3A_114 = tpu.memref_slice %arg10[%dma_wait3A_112, %dma_wait3A_113] : memref<10000x128xf32, #tpu.memory_space<vmem_shared>> -> memref<10000x128xf32, #tpu.memory_space<vmem_shared>>
        tpu.wait_indirect_dma semaphore(%run_scoped3A : memref<!tpu.dma_semaphore, #tpu.memory_space<semaphore_mem>>) src(%arg9 : memref<128x128xf32, #tpu.memory_space<vmem>>) dst(%dma_wait3A_114 : memref<10000x128xf32, #tpu.memory_space<vmem_shared>>)
        tpu.yield
      }) : () -> ()
    }
    %scan3A_22 = arith.constant 39 : i32
    %add3A_23 = arith.constant 10112 : i32
    %add3A_24 = arith.addi %add3A, %add3A_23 : i32
    %dma_start3A_25 = tpu.memref_slice %arg3[%add3A_24] : memref<327680xi32, #tpu.memory_space<hbm>> -> memref<128xi32, #tpu.memory_space<hbm>>
    %dma_start3A_26 = tpu.memref_slice %arg3[%add3A_24] : memref<327680xi32, #tpu.memory_space<hbm>> -> memref<128xi32, #tpu.memory_space<hbm>>
    tpu.enqueue_dma source(%dma_start3A_26 : memref<128xi32, #tpu.memory_space<hbm>>) target(%arg7 : memref<128xi32, #tpu.memory_space<vmem>>) target_semaphore(%arg12 : memref<!tpu.dma_semaphore, #tpu.memory_space<semaphore_mem>>)
    %dma_start3A_27 = arith.constant 0 : i32
    %dma_start3A_28 = tpu.memref_slice %arg2[%add3A_24, %dma_start3A_27] : memref<327680x128xf32, #tpu.memory_space<hbm>> -> memref<128x128xf32, #tpu.memory_space<hbm>>
    %dma_start3A_29 = arith.constant 0 : i32
    %dma_start3A_30 = tpu.memref_slice %arg2[%add3A_24, %dma_start3A_29] : memref<327680x128xf32, #tpu.memory_space<hbm>> -> memref<128x128xf32, #tpu.memory_space<hbm>>
    tpu.enqueue_dma source(%dma_start3A_30 : memref<128x128xf32, #tpu.memory_space<hbm>>) target(%arg9 : memref<128x128xf32, #tpu.memory_space<vmem>>) target_semaphore(%arg12 : memref<!tpu.dma_semaphore, #tpu.memory_space<semaphore_mem>>)
    %dma_wait3A = arith.constant 0 : i32
    %dma_wait3A_31 = tpu.memref_slice %arg3[%dma_wait3A] : memref<327680xi32, #tpu.memory_space<hbm>> -> memref<128xi32, #tpu.memory_space<hbm>>
    %dma_wait3A_32 = arith.constant 0 : i32
    %dma_wait3A_33 = tpu.memref_slice %arg3[%dma_wait3A_32] : memref<327680xi32, #tpu.memory_space<hbm>> -> memref<128xi32, #tpu.memory_space<hbm>>
    tpu.wait_dma2 semaphore(%arg11 : memref<!tpu.dma_semaphore, #tpu.memory_space<semaphore_mem>>) src(%dma_wait3A_33 : memref<128xi32, #tpu.memory_space<hbm>>) dst(%arg6 : memref<128xi32, #tpu.memory_space<vmem>>)
    %dma_wait3A_34 = arith.constant 0 : i32
    %dma_wait3A_35 = arith.constant 0 : i32
    %dma_wait3A_36 = tpu.memref_slice %arg2[%dma_wait3A_34, %dma_wait3A_35] : memref<327680x128xf32, #tpu.memory_space<hbm>> -> memref<128x128xf32, #tpu.memory_space<hbm>>
    %dma_wait3A_37 = arith.constant 0 : i32
    %dma_wait3A_38 = arith.constant 0 : i32
    %dma_wait3A_39 = tpu.memref_slice %arg2[%dma_wait3A_37, %dma_wait3A_38] : memref<327680x128xf32, #tpu.memory_space<hbm>> -> memref<128x128xf32, #tpu.memory_space<hbm>>
    tpu.wait_dma2 semaphore(%arg11 : memref<!tpu.dma_semaphore, #tpu.memory_space<semaphore_mem>>) src(%dma_wait3A_39 : memref<128x128xf32, #tpu.memory_space<hbm>>) dst(%arg8 : memref<128x128xf32, #tpu.memory_space<vmem>>)
    "tpu.region"() ({
      %run_scoped3A = tpu.sem_alloc : memref<!tpu.dma_semaphore, #tpu.memory_space<semaphore_mem>>
      %dma_start3A_64 = arith.constant 0 : i32
      %dma_start3A_65 = arith.constant 0 : i32
      %dma_start3A_66 = tpu.memref_slice %arg10[%dma_start3A_64, %dma_start3A_65] : memref<10000x128xf32, #tpu.memory_space<vmem_shared>> -> memref<10000x128xf32, #tpu.memory_space<vmem_shared>>
      tpu.enqueue_indirect_dma source(%arg8 : memref<128x128xf32, #tpu.memory_space<vmem>>) target(%dma_start3A_66 : memref<10000x128xf32, #tpu.memory_space<vmem_shared>>) offsets(%arg6 : memref<128xi32, #tpu.memory_space<vmem>>) semaphore(%run_scoped3A : memref<!tpu.dma_semaphore, #tpu.memory_space<semaphore_mem>>) {add = true}
      %dma_wait3A_67 = arith.constant 0 : i32
      %dma_wait3A_68 = arith.constant 0 : i32
      %dma_wait3A_69 = tpu.memref_slice %arg10[%dma_wait3A_67, %dma_wait3A_68] : memref<10000x128xf32, #tpu.memory_space<vmem_shared>> -> memref<10000x128xf32, #tpu.memory_space<vmem_shared>>
      tpu.wait_indirect_dma semaphore(%run_scoped3A : memref<!tpu.dma_semaphore, #tpu.memory_space<semaphore_mem>>) src(%arg8 : memref<128x128xf32, #tpu.memory_space<vmem>>) dst(%dma_wait3A_69 : memref<10000x128xf32, #tpu.memory_space<vmem_shared>>)
      tpu.yield
    }) : () -> ()
    %dma_wait3A_40 = arith.constant 0 : i32
    %dma_wait3A_41 = tpu.memref_slice %arg3[%dma_wait3A_40] : memref<327680xi32, #tpu.memory_space<hbm>> -> memref<128xi32, #tpu.memory_space<hbm>>
    %dma_wait3A_42 = arith.constant 0 : i32
    %dma_wait3A_43 = tpu.memref_slice %arg3[%dma_wait3A_42] : memref<327680xi32, #tpu.memory_space<hbm>> -> memref<128xi32, #tpu.memory_space<hbm>>
    tpu.wait_dma2 semaphore(%arg12 : memref<!tpu.dma_semaphore, #tpu.memory_space<semaphore_mem>>) src(%dma_wait3A_43 : memref<128xi32, #tpu.memory_space<hbm>>) dst(%arg7 : memref<128xi32, #tpu.memory_space<vmem>>)
    %dma_wait3A_44 = arith.constant 0 : i32
    %dma_wait3A_45 = arith.constant 0 : i32
    %dma_wait3A_46 = tpu.memref_slice %arg2[%dma_wait3A_44, %dma_wait3A_45] : memref<327680x128xf32, #tpu.memory_space<hbm>> -> memref<128x128xf32, #tpu.memory_space<hbm>>
    %dma_wait3A_47 = arith.constant 0 : i32
    %dma_wait3A_48 = arith.constant 0 : i32
    %dma_wait3A_49 = tpu.memref_slice %arg2[%dma_wait3A_47, %dma_wait3A_48] : memref<327680x128xf32, #tpu.memory_space<hbm>> -> memref<128x128xf32, #tpu.memory_space<hbm>>
    tpu.wait_dma2 semaphore(%arg12 : memref<!tpu.dma_semaphore, #tpu.memory_space<semaphore_mem>>) src(%dma_wait3A_49 : memref<128x128xf32, #tpu.memory_space<hbm>>) dst(%arg9 : memref<128x128xf32, #tpu.memory_space<vmem>>)
    "tpu.region"() ({
      %run_scoped3A = tpu.sem_alloc : memref<!tpu.dma_semaphore, #tpu.memory_space<semaphore_mem>>
      %dma_start3A_64 = arith.constant 0 : i32
      %dma_start3A_65 = arith.constant 0 : i32
      %dma_start3A_66 = tpu.memref_slice %arg10[%dma_start3A_64, %dma_start3A_65] : memref<10000x128xf32, #tpu.memory_space<vmem_shared>> -> memref<10000x128xf32, #tpu.memory_space<vmem_shared>>
      tpu.enqueue_indirect_dma source(%arg9 : memref<128x128xf32, #tpu.memory_space<vmem>>) target(%dma_start3A_66 : memref<10000x128xf32, #tpu.memory_space<vmem_shared>>) offsets(%arg7 : memref<128xi32, #tpu.memory_space<vmem>>) semaphore(%run_scoped3A : memref<!tpu.dma_semaphore, #tpu.memory_space<semaphore_mem>>) {add = true}
      %dma_wait3A_67 = arith.constant 0 : i32
      %dma_wait3A_68 = arith.constant 0 : i32
      %dma_wait3A_69 = tpu.memref_slice %arg10[%dma_wait3A_67, %dma_wait3A_68] : memref<10000x128xf32, #tpu.memory_space<vmem_shared>> -> memref<10000x128xf32, #tpu.memory_space<vmem_shared>>
      tpu.wait_indirect_dma semaphore(%run_scoped3A : memref<!tpu.dma_semaphore, #tpu.memory_space<semaphore_mem>>) src(%arg9 : memref<128x128xf32, #tpu.memory_space<vmem>>) dst(%dma_wait3A_69 : memref<10000x128xf32, #tpu.memory_space<vmem_shared>>)
      tpu.yield
    }) : () -> ()
    %barrier3A_50 = arith.constant 0 : index
    tpu.barrier barrier_id(%barrier3A_50)
    %sub3A = arith.constant 1 : i32
    %sub3A_51 = arith.subi %sub3A, %arg0 : i32
    %mul3A_52 = arith.constant 10000 : i32
    %mul3A_53 = arith.muli %sub3A_51, %mul3A_52 : i32
    %lt3A_54 = arith.constant 15 : i32
    %lt3A_55 = arith.cmpi slt, %arg1, %lt3A_54 : i32
    %convert_element_type3A_56 = arith.extui %lt3A_55 : i1 to i32
    %cond3A_57 = arith.constant 0 : i32
    %cond3A_58 = arith.cmpi ne, %convert_element_type3A_56, %cond3A_57 : i32
    scf.if %cond3A_58 {
      %add3A_64 = arith.addi %mul3A_53, %mul3A_0 : i32
      "tpu.region"() ({
        %run_scoped3A = tpu.sem_alloc : memref<!tpu.dma_semaphore, #tpu.memory_space<semaphore_mem>>
        %dma_start3A_65 = arith.constant 0 : i32
        %dma_start3A_66 = tpu.memref_slice %arg5[%add3A_64, %dma_start3A_65] : memref<20000x128xf32, #tpu.memory_space<hbm>> -> memref<624x128xf32, #tpu.memory_space<hbm>>
        %dma_start3A_67 = arith.constant 0 : i32
        %dma_start3A_68 = tpu.memref_slice %arg10[%mul3A_0, %dma_start3A_67] : memref<10000x128xf32, #tpu.memory_space<vmem_shared>> -> memref<624x128xf32, #tpu.memory_space<vmem_shared>>
        tpu.enqueue_dma source(%dma_start3A_68 : memref<624x128xf32, #tpu.memory_space<vmem_shared>>) target(%dma_start3A_66 : memref<624x128xf32, #tpu.memory_space<hbm>>) target_semaphore(%run_scoped3A : memref<!tpu.dma_semaphore, #tpu.memory_space<semaphore_mem>>)
        %dma_wait3A_69 = arith.constant 0 : i32
        %dma_wait3A_70 = tpu.memref_slice %arg5[%add3A_64, %dma_wait3A_69] : memref<20000x128xf32, #tpu.memory_space<hbm>> -> memref<624x128xf32, #tpu.memory_space<hbm>>
        %dma_wait3A_71 = arith.constant 0 : i32
        %dma_wait3A_72 = tpu.memref_slice %arg10[%mul3A_0, %dma_wait3A_71] : memref<10000x128xf32, #tpu.memory_space<vmem_shared>> -> memref<624x128xf32, #tpu.memory_space<vmem_shared>>
        tpu.wait_dma2 semaphore(%run_scoped3A : memref<!tpu.dma_semaphore, #tpu.memory_space<semaphore_mem>>) src(%dma_wait3A_72 : memref<624x128xf32, #tpu.memory_space<vmem_shared>>) dst(%dma_wait3A_70 : memref<624x128xf32, #tpu.memory_space<hbm>>)
        tpu.yield
      }) : () -> ()
    } else {
    }
    %eq3A_59 = arith.constant 15 : i32
    %eq3A_60 = arith.cmpi eq, %arg1, %eq3A_59 : i32
    %convert_element_type3A_61 = arith.extui %eq3A_60 : i1 to i32
    %cond3A_62 = arith.constant 0 : i32
    %cond3A_63 = arith.cmpi ne, %convert_element_type3A_61, %cond3A_62 : i32
    scf.if %cond3A_63 {
      %add3A_64 = arith.constant 9360 : i32
      %add3A_65 = arith.addi %mul3A_53, %add3A_64 : i32
      "tpu.region"() ({
        %run_scoped3A = tpu.sem_alloc : memref<!tpu.dma_semaphore, #tpu.memory_space<semaphore_mem>>
        %dma_start3A_66 = arith.constant 0 : i32
        %dma_start3A_67 = tpu.memref_slice %arg5[%add3A_65, %dma_start3A_66] : memref<20000x128xf32, #tpu.memory_space<hbm>> -> memref<640x128xf32, #tpu.memory_space<hbm>>
        %dma_start3A_68 = arith.constant 9360 : i32
        %dma_start3A_69 = arith.constant 0 : i32
        %dma_start3A_70 = tpu.memref_slice %arg10[%dma_start3A_68, %dma_start3A_69] : memref<10000x128xf32, #tpu.memory_space<vmem_shared>> -> memref<640x128xf32, #tpu.memory_space<vmem_shared>>
        tpu.enqueue_dma source(%dma_start3A_70 : memref<640x128xf32, #tpu.memory_space<vmem_shared>>) target(%dma_start3A_67 : memref<640x128xf32, #tpu.memory_space<hbm>>) target_semaphore(%run_scoped3A : memref<!tpu.dma_semaphore, #tpu.memory_space<semaphore_mem>>)
        %dma_wait3A_71 = arith.constant 0 : i32
        %dma_wait3A_72 = tpu.memref_slice %arg5[%add3A_65, %dma_wait3A_71] : memref<20000x128xf32, #tpu.memory_space<hbm>> -> memref<640x128xf32, #tpu.memory_space<hbm>>
        %dma_wait3A_73 = arith.constant 9360 : i32
        %dma_wait3A_74 = arith.constant 0 : i32
        %dma_wait3A_75 = tpu.memref_slice %arg10[%dma_wait3A_73, %dma_wait3A_74] : memref<10000x128xf32, #tpu.memory_space<vmem_shared>> -> memref<640x128xf32, #tpu.memory_space<vmem_shared>>
        tpu.wait_dma2 semaphore(%run_scoped3A : memref<!tpu.dma_semaphore, #tpu.memory_space<semaphore_mem>>) src(%dma_wait3A_75 : memref<640x128xf32, #tpu.memory_space<vmem_shared>>) dst(%dma_wait3A_72 : memref<640x128xf32, #tpu.memory_space<hbm>>)
        tpu.yield
      }) : () -> ()
    } else {
    }
    return
  }
}

#map = affine_map<(d0, d1) -> (0, 0)>
#map1 = affine_map<(d0, d1) -> (0)>
module attributes {stable_mosaic.version = 14 : i64} {
  func.func @g(%arg0: i32, %arg1: i32, %arg2: memref<20000x128xf32, #tpu.memory_space<hbm>>, %arg3: memref<20000x256xf32, #tpu.memory_space<hbm>>, %arg4: memref<327680xi32, #tpu.memory_space<hbm>>, %arg5: memref<327680xi32, #tpu.memory_space<hbm>>, %arg6: memref<327680x128xf32, #tpu.memory_space<hbm>>, %arg7: memref<327680x256xf32, #tpu.memory_space<hbm>>, %arg8: memref<10240xi32, #tpu.memory_space<vmem>>, %arg9: memref<10240xi32, #tpu.memory_space<vmem>>, %arg10: memref<128x128xf32, #tpu.memory_space<vmem>>, %arg11: memref<128x128xf32, #tpu.memory_space<vmem>>, %arg12: memref<128x256xf32, #tpu.memory_space<vmem>>, %arg13: memref<128x256xf32, #tpu.memory_space<vmem>>, %arg14: memref<!tpu.dma_semaphore, #tpu.memory_space<semaphore_mem>>, %arg15: memref<!tpu.dma_semaphore, #tpu.memory_space<semaphore_mem>>) attributes {dimension_semantics = [#tpu.dimension_semantics<core_parallel>, #tpu.dimension_semantics<subcore_parallel>], iteration_bounds = array<i64: 2, 16>, scalar_prefetch = 0 : i64, scratch_operands = 8 : i64, tpu.core_type = #tpu.core_type<sc_vector_subcore>, window_params = [{transform_indices = #map}, {transform_indices = #map}, {transform_indices = #map1}, {transform_indices = #map1}, {transform_indices = #map}, {transform_indices = #map}]} {
    %mul3A = arith.constant 2 : i32
    %mul3A_0 = arith.muli %arg1, %mul3A : i32
    %add3A = arith.addi %mul3A_0, %arg0 : i32
    %mul3A_1 = arith.constant 10240 : i32
    %mul3A_2 = arith.muli %add3A, %mul3A_1 : i32
    "tpu.region"() ({
      %run_scoped3A = tpu.sem_alloc : memref<!tpu.dma_semaphore, #tpu.memory_space<semaphore_mem>>
      %dma_start3A_54 = tpu.memref_slice %arg4[%mul3A_2] : memref<327680xi32, #tpu.memory_space<hbm>> -> memref<10240xi32, #tpu.memory_space<hbm>>
      %dma_start3A_55 = tpu.memref_slice %arg4[%mul3A_2] : memref<327680xi32, #tpu.memory_space<hbm>> -> memref<10240xi32, #tpu.memory_space<hbm>>
      tpu.enqueue_dma source(%dma_start3A_55 : memref<10240xi32, #tpu.memory_space<hbm>>) target(%arg8 : memref<10240xi32, #tpu.memory_space<vmem>>) target_semaphore(%run_scoped3A : memref<!tpu.dma_semaphore, #tpu.memory_space<semaphore_mem>>)
      %dma_wait3A_56 = tpu.memref_slice %arg4[%mul3A_2] : memref<327680xi32, #tpu.memory_space<hbm>> -> memref<10240xi32, #tpu.memory_space<hbm>>
      %dma_wait3A_57 = tpu.memref_slice %arg4[%mul3A_2] : memref<327680xi32, #tpu.memory_space<hbm>> -> memref<10240xi32, #tpu.memory_space<hbm>>
      tpu.wait_dma2 semaphore(%run_scoped3A : memref<!tpu.dma_semaphore, #tpu.memory_space<semaphore_mem>>) src(%dma_wait3A_57 : memref<10240xi32, #tpu.memory_space<hbm>>) dst(%arg8 : memref<10240xi32, #tpu.memory_space<vmem>>)
      tpu.yield
    }) : () -> ()
    "tpu.region"() ({
      %run_scoped3A = tpu.sem_alloc : memref<!tpu.dma_semaphore, #tpu.memory_space<semaphore_mem>>
      %dma_start3A_54 = tpu.memref_slice %arg5[%mul3A_2] : memref<327680xi32, #tpu.memory_space<hbm>> -> memref<10240xi32, #tpu.memory_space<hbm>>
      %dma_start3A_55 = tpu.memref_slice %arg5[%mul3A_2] : memref<327680xi32, #tpu.memory_space<hbm>> -> memref<10240xi32, #tpu.memory_space<hbm>>
      tpu.enqueue_dma source(%dma_start3A_55 : memref<10240xi32, #tpu.memory_space<hbm>>) target(%arg9 : memref<10240xi32, #tpu.memory_space<vmem>>) target_semaphore(%run_scoped3A : memref<!tpu.dma_semaphore, #tpu.memory_space<semaphore_mem>>)
      %dma_wait3A_56 = tpu.memref_slice %arg5[%mul3A_2] : memref<327680xi32, #tpu.memory_space<hbm>> -> memref<10240xi32, #tpu.memory_space<hbm>>
      %dma_wait3A_57 = tpu.memref_slice %arg5[%mul3A_2] : memref<327680xi32, #tpu.memory_space<hbm>> -> memref<10240xi32, #tpu.memory_space<hbm>>
      tpu.wait_dma2 semaphore(%run_scoped3A : memref<!tpu.dma_semaphore, #tpu.memory_space<semaphore_mem>>) src(%dma_wait3A_57 : memref<10240xi32, #tpu.memory_space<hbm>>) dst(%arg9 : memref<10240xi32, #tpu.memory_space<vmem>>)
      tpu.yield
    }) : () -> ()
    %dma_start3A = arith.constant 0 : i32
    %dma_start3A_3 = tpu.memref_slice %arg8[%dma_start3A] : memref<10240xi32, #tpu.memory_space<vmem>> -> memref<128xi32, #tpu.memory_space<vmem>>
    %dma_start3A_4 = arith.constant 0 : i32
    %dma_start3A_5 = arith.constant 0 : i32
    %dma_start3A_6 = tpu.memref_slice %arg2[%dma_start3A_4, %dma_start3A_5] : memref<20000x128xf32, #tpu.memory_space<hbm>> -> memref<20000x128xf32, #tpu.memory_space<hbm>>
    tpu.enqueue_indirect_dma source(%dma_start3A_6 : memref<20000x128xf32, #tpu.memory_space<hbm>>) target(%arg10 : memref<128x128xf32, #tpu.memory_space<vmem>>) offsets(%dma_start3A_3 : memref<128xi32, #tpu.memory_space<vmem>>) semaphore(%arg14 : memref<!tpu.dma_semaphore, #tpu.memory_space<semaphore_mem>>)
    %dma_start3A_7 = arith.constant 0 : i32
    %dma_start3A_8 = tpu.memref_slice %arg9[%dma_start3A_7] : memref<10240xi32, #tpu.memory_space<vmem>> -> memref<128xi32, #tpu.memory_space<vmem>>
    %dma_start3A_9 = arith.constant 0 : i32
    %dma_start3A_10 = arith.constant 0 : i32
    %dma_start3A_11 = tpu.memref_slice %arg3[%dma_start3A_9, %dma_start3A_10] : memref<20000x256xf32, #tpu.memory_space<hbm>> -> memref<20000x256xf32, #tpu.memory_space<hbm>>
    tpu.enqueue_indirect_dma source(%dma_start3A_11 : memref<20000x256xf32, #tpu.memory_space<hbm>>) target(%arg12 : memref<128x256xf32, #tpu.memory_space<vmem>>) offsets(%dma_start3A_8 : memref<128xi32, #tpu.memory_space<vmem>>) semaphore(%arg14 : memref<!tpu.dma_semaphore, #tpu.memory_space<semaphore_mem>>)
    %scan3A = arith.constant 0 : i32
    %scan3A_12 = arith.constant 0 : i32
    %scan3A_13 = arith.constant 39 : i32
    %scan3A_14 = arith.addi %scan3A_12, %scan3A_13 : i32
    %scan3A_15 = arith.constant 1 : i32
    scf.for %scan3A_54 = %scan3A_12 to %scan3A_14 step %scan3A_15  : i32 {
      %mul3A_55 = arith.constant 2 : i32
      %mul3A_56 = arith.muli %mul3A_55, %scan3A_54 : i32
      %add3A_57 = arith.constant 1 : i32
      %add3A_58 = arith.addi %mul3A_56, %add3A_57 : i32
      %mul3A_59 = arith.constant 128 : i32
      %mul3A_60 = arith.muli %add3A_58, %mul3A_59 : i32
      %dma_start3A_61 = tpu.memref_slice %arg8[%mul3A_60] : memref<10240xi32, #tpu.memory_space<vmem>> -> memref<128xi32, #tpu.memory_space<vmem>>
      %dma_start3A_62 = arith.constant 0 : i32
      %dma_start3A_63 = arith.constant 0 : i32
      %dma_start3A_64 = tpu.memref_slice %arg2[%dma_start3A_62, %dma_start3A_63] : memref<20000x128xf32, #tpu.memory_space<hbm>> -> memref<20000x128xf32, #tpu.memory_space<hbm>>
      tpu.enqueue_indirect_dma source(%dma_start3A_64 : memref<20000x128xf32, #tpu.memory_space<hbm>>) target(%arg11 : memref<128x128xf32, #tpu.memory_space<vmem>>) offsets(%dma_start3A_61 : memref<128xi32, #tpu.memory_space<vmem>>) semaphore(%arg15 : memref<!tpu.dma_semaphore, #tpu.memory_space<semaphore_mem>>)
      %dma_start3A_65 = tpu.memref_slice %arg9[%mul3A_60] : memref<10240xi32, #tpu.memory_space<vmem>> -> memref<128xi32, #tpu.memory_space<vmem>>
      %dma_start3A_66 = arith.constant 0 : i32
      %dma_start3A_67 = arith.constant 0 : i32
      %dma_start3A_68 = tpu.memref_slice %arg3[%dma_start3A_66, %dma_start3A_67] : memref<20000x256xf32, #tpu.memory_space<hbm>> -> memref<20000x256xf32, #tpu.memory_space<hbm>>
      tpu.enqueue_indirect_dma source(%dma_start3A_68 : memref<20000x256xf32, #tpu.memory_space<hbm>>) target(%arg13 : memref<128x256xf32, #tpu.memory_space<vmem>>) offsets(%dma_start3A_65 : memref<128xi32, #tpu.memory_space<vmem>>) semaphore(%arg15 : memref<!tpu.dma_semaphore, #tpu.memory_space<semaphore_mem>>)
      %dma_wait3A_69 = arith.constant 0 : i32
      %dma_wait3A_70 = arith.constant 0 : i32
      %dma_wait3A_71 = tpu.memref_slice %arg6[%dma_wait3A_69, %dma_wait3A_70] : memref<327680x128xf32, #tpu.memory_space<hbm>> -> memref<128x128xf32, #tpu.memory_space<hbm>>
      %dma_wait3A_72 = arith.constant 0 : i32
      %dma_wait3A_73 = arith.constant 0 : i32
      %dma_wait3A_74 = tpu.memref_slice %arg6[%dma_wait3A_72, %dma_wait3A_73] : memref<327680x128xf32, #tpu.memory_space<hbm>> -> memref<128x128xf32, #tpu.memory_space<hbm>>
      tpu.wait_dma2 semaphore(%arg14 : memref<!tpu.dma_semaphore, #tpu.memory_space<semaphore_mem>>) src(%dma_wait3A_74 : memref<128x128xf32, #tpu.memory_space<hbm>>) dst(%arg10 : memref<128x128xf32, #tpu.memory_space<vmem>>)
      %dma_wait3A_75 = arith.constant 0 : i32
      %dma_wait3A_76 = arith.constant 0 : i32
      %dma_wait3A_77 = tpu.memref_slice %arg7[%dma_wait3A_75, %dma_wait3A_76] : memref<327680x256xf32, #tpu.memory_space<hbm>> -> memref<128x256xf32, #tpu.memory_space<hbm>>
      %dma_wait3A_78 = arith.constant 0 : i32
      %dma_wait3A_79 = arith.constant 0 : i32
      %dma_wait3A_80 = tpu.memref_slice %arg7[%dma_wait3A_78, %dma_wait3A_79] : memref<327680x256xf32, #tpu.memory_space<hbm>> -> memref<128x256xf32, #tpu.memory_space<hbm>>
      tpu.wait_dma2 semaphore(%arg14 : memref<!tpu.dma_semaphore, #tpu.memory_space<semaphore_mem>>) src(%dma_wait3A_80 : memref<128x256xf32, #tpu.memory_space<hbm>>) dst(%arg12 : memref<128x256xf32, #tpu.memory_space<vmem>>)
      %mul3A_81 = arith.constant 128 : i32
      %mul3A_82 = arith.muli %mul3A_56, %mul3A_81 : i32
      %add3A_83 = arith.addi %mul3A_2, %mul3A_82 : i32
      "tpu.region"() ({
        %run_scoped3A = tpu.sem_alloc : memref<!tpu.dma_semaphore, #tpu.memory_space<semaphore_mem>>
        %dma_start3A_113 = arith.constant 0 : i32
        %dma_start3A_114 = tpu.memref_slice %arg6[%add3A_83, %dma_start3A_113] : memref<327680x128xf32, #tpu.memory_space<hbm>> -> memref<128x128xf32, #tpu.memory_space<hbm>>
        %dma_start3A_115 = arith.constant 0 : i32
        %dma_start3A_116 = tpu.memref_slice %arg6[%add3A_83, %dma_start3A_115] : memref<327680x128xf32, #tpu.memory_space<hbm>> -> memref<128x128xf32, #tpu.memory_space<hbm>>
        tpu.enqueue_dma source(%arg10 : memref<128x128xf32, #tpu.memory_space<vmem>>) target(%dma_start3A_116 : memref<128x128xf32, #tpu.memory_space<hbm>>) target_semaphore(%run_scoped3A : memref<!tpu.dma_semaphore, #tpu.memory_space<semaphore_mem>>)
        %dma_wait3A_117 = arith.constant 0 : i32
        %dma_wait3A_118 = tpu.memref_slice %arg6[%add3A_83, %dma_wait3A_117] : memref<327680x128xf32, #tpu.memory_space<hbm>> -> memref<128x128xf32, #tpu.memory_space<hbm>>
        %dma_wait3A_119 = arith.constant 0 : i32
        %dma_wait3A_120 = tpu.memref_slice %arg6[%add3A_83, %dma_wait3A_119] : memref<327680x128xf32, #tpu.memory_space<hbm>> -> memref<128x128xf32, #tpu.memory_space<hbm>>
        tpu.wait_dma2 semaphore(%run_scoped3A : memref<!tpu.dma_semaphore, #tpu.memory_space<semaphore_mem>>) src(%arg10 : memref<128x128xf32, #tpu.memory_space<vmem>>) dst(%dma_wait3A_120 : memref<128x128xf32, #tpu.memory_space<hbm>>)
        tpu.yield
      }) : () -> ()
      "tpu.region"() ({
        %run_scoped3A = tpu.sem_alloc : memref<!tpu.dma_semaphore, #tpu.memory_space<semaphore_mem>>
        %dma_start3A_113 = arith.constant 0 : i32
        %dma_start3A_114 = tpu.memref_slice %arg7[%add3A_83, %dma_start3A_113] : memref<327680x256xf32, #tpu.memory_space<hbm>> -> memref<128x256xf32, #tpu.memory_space<hbm>>
        %dma_start3A_115 = arith.constant 0 : i32
        %dma_start3A_116 = tpu.memref_slice %arg7[%add3A_83, %dma_start3A_115] : memref<327680x256xf32, #tpu.memory_space<hbm>> -> memref<128x256xf32, #tpu.memory_space<hbm>>
        tpu.enqueue_dma source(%arg12 : memref<128x256xf32, #tpu.memory_space<vmem>>) target(%dma_start3A_116 : memref<128x256xf32, #tpu.memory_space<hbm>>) target_semaphore(%run_scoped3A : memref<!tpu.dma_semaphore, #tpu.memory_space<semaphore_mem>>)
        %dma_wait3A_117 = arith.constant 0 : i32
        %dma_wait3A_118 = tpu.memref_slice %arg7[%add3A_83, %dma_wait3A_117] : memref<327680x256xf32, #tpu.memory_space<hbm>> -> memref<128x256xf32, #tpu.memory_space<hbm>>
        %dma_wait3A_119 = arith.constant 0 : i32
        %dma_wait3A_120 = tpu.memref_slice %arg7[%add3A_83, %dma_wait3A_119] : memref<327680x256xf32, #tpu.memory_space<hbm>> -> memref<128x256xf32, #tpu.memory_space<hbm>>
        tpu.wait_dma2 semaphore(%run_scoped3A : memref<!tpu.dma_semaphore, #tpu.memory_space<semaphore_mem>>) src(%arg12 : memref<128x256xf32, #tpu.memory_space<vmem>>) dst(%dma_wait3A_120 : memref<128x256xf32, #tpu.memory_space<hbm>>)
        tpu.yield
      }) : () -> ()
      %add3A_84 = arith.constant 2 : i32
      %add3A_85 = arith.addi %mul3A_56, %add3A_84 : i32
      %mul3A_86 = arith.constant 128 : i32
      %mul3A_87 = arith.muli %add3A_85, %mul3A_86 : i32
      %dma_start3A_88 = tpu.memref_slice %arg8[%mul3A_87] : memref<10240xi32, #tpu.memory_space<vmem>> -> memref<128xi32, #tpu.memory_space<vmem>>
      %dma_start3A_89 = arith.constant 0 : i32
      %dma_start3A_90 = arith.constant 0 : i32
      %dma_start3A_91 = tpu.memref_slice %arg2[%dma_start3A_89, %dma_start3A_90] : memref<20000x128xf32, #tpu.memory_space<hbm>> -> memref<20000x128xf32, #tpu.memory_space<hbm>>
      tpu.enqueue_indirect_dma source(%dma_start3A_91 : memref<20000x128xf32, #tpu.memory_space<hbm>>) target(%arg10 : memref<128x128xf32, #tpu.memory_space<vmem>>) offsets(%dma_start3A_88 : memref<128xi32, #tpu.memory_space<vmem>>) semaphore(%arg14 : memref<!tpu.dma_semaphore, #tpu.memory_space<semaphore_mem>>)
      %dma_start3A_92 = tpu.memref_slice %arg9[%mul3A_87] : memref<10240xi32, #tpu.memory_space<vmem>> -> memref<128xi32, #tpu.memory_space<vmem>>
      %dma_start3A_93 = arith.constant 0 : i32
      %dma_start3A_94 = arith.constant 0 : i32
      %dma_start3A_95 = tpu.memref_slice %arg3[%dma_start3A_93, %dma_start3A_94] : memref<20000x256xf32, #tpu.memory_space<hbm>> -> memref<20000x256xf32, #tpu.memory_space<hbm>>
      tpu.enqueue_indirect_dma source(%dma_start3A_95 : memref<20000x256xf32, #tpu.memory_space<hbm>>) target(%arg12 : memref<128x256xf32, #tpu.memory_space<vmem>>) offsets(%dma_start3A_92 : memref<128xi32, #tpu.memory_space<vmem>>) semaphore(%arg14 : memref<!tpu.dma_semaphore, #tpu.memory_space<semaphore_mem>>)
      %dma_wait3A_96 = arith.constant 0 : i32
      %dma_wait3A_97 = arith.constant 0 : i32
      %dma_wait3A_98 = tpu.memref_slice %arg6[%dma_wait3A_96, %dma_wait3A_97] : memref<327680x128xf32, #tpu.memory_space<hbm>> -> memref<128x128xf32, #tpu.memory_space<hbm>>
      %dma_wait3A_99 = arith.constant 0 : i32
      %dma_wait3A_100 = arith.constant 0 : i32
      %dma_wait3A_101 = tpu.memref_slice %arg6[%dma_wait3A_99, %dma_wait3A_100] : memref<327680x128xf32, #tpu.memory_space<hbm>> -> memref<128x128xf32, #tpu.memory_space<hbm>>
      tpu.wait_dma2 semaphore(%arg15 : memref<!tpu.dma_semaphore, #tpu.memory_space<semaphore_mem>>) src(%dma_wait3A_101 : memref<128x128xf32, #tpu.memory_space<hbm>>) dst(%arg11 : memref<128x128xf32, #tpu.memory_space<vmem>>)
      %dma_wait3A_102 = arith.constant 0 : i32
      %dma_wait3A_103 = arith.constant 0 : i32
      %dma_wait3A_104 = tpu.memref_slice %arg7[%dma_wait3A_102, %dma_wait3A_103] : memref<327680x256xf32, #tpu.memory_space<hbm>> -> memref<128x256xf32, #tpu.memory_space<hbm>>
      %dma_wait3A_105 = arith.constant 0 : i32
      %dma_wait3A_106 = arith.constant 0 : i32
      %dma_wait3A_107 = tpu.memref_slice %arg7[%dma_wait3A_105, %dma_wait3A_106] : memref<327680x256xf32, #tpu.memory_space<hbm>> -> memref<128x256xf32, #tpu.memory_space<hbm>>
      tpu.wait_dma2 semaphore(%arg15 : memref<!tpu.dma_semaphore, #tpu.memory_space<semaphore_mem>>) src(%dma_wait3A_107 : memref<128x256xf32, #tpu.memory_space<hbm>>) dst(%arg13 : memref<128x256xf32, #tpu.memory_space<vmem>>)
      %add3A_108 = arith.constant 1 : i32
      %add3A_109 = arith.addi %mul3A_56, %add3A_108 : i32
      %mul3A_110 = arith.constant 128 : i32
      %mul3A_111 = arith.muli %add3A_109, %mul3A_110 : i32
      %add3A_112 = arith.addi %mul3A_2, %mul3A_111 : i32
      "tpu.region"() ({
        %run_scoped3A = tpu.sem_alloc : memref<!tpu.dma_semaphore, #tpu.memory_space<semaphore_mem>>
        %dma_start3A_113 = arith.constant 0 : i32
        %dma_start3A_114 = tpu.memref_slice %arg6[%add3A_112, %dma_start3A_113] : memref<327680x128xf32, #tpu.memory_space<hbm>> -> memref<128x128xf32, #tpu.memory_space<hbm>>
        %dma_start3A_115 = arith.constant 0 : i32
        %dma_start3A_116 = tpu.memref_slice %arg6[%add3A_112, %dma_start3A_115] : memref<327680x128xf32, #tpu.memory_space<hbm>> -> memref<128x128xf32, #tpu.memory_space<hbm>>
        tpu.enqueue_dma source(%arg11 : memref<128x128xf32, #tpu.memory_space<vmem>>) target(%dma_start3A_116 : memref<128x128xf32, #tpu.memory_space<hbm>>) target_semaphore(%run_scoped3A : memref<!tpu.dma_semaphore, #tpu.memory_space<semaphore_mem>>)
        %dma_wait3A_117 = arith.constant 0 : i32
        %dma_wait3A_118 = tpu.memref_slice %arg6[%add3A_112, %dma_wait3A_117] : memref<327680x128xf32, #tpu.memory_space<hbm>> -> memref<128x128xf32, #tpu.memory_space<hbm>>
        %dma_wait3A_119 = arith.constant 0 : i32
        %dma_wait3A_120 = tpu.memref_slice %arg6[%add3A_112, %dma_wait3A_119] : memref<327680x128xf32, #tpu.memory_space<hbm>> -> memref<128x128xf32, #tpu.memory_space<hbm>>
        tpu.wait_dma2 semaphore(%run_scoped3A : memref<!tpu.dma_semaphore, #tpu.memory_space<semaphore_mem>>) src(%arg11 : memref<128x128xf32, #tpu.memory_space<vmem>>) dst(%dma_wait3A_120 : memref<128x128xf32, #tpu.memory_space<hbm>>)
        tpu.yield
      }) : () -> ()
      "tpu.region"() ({
        %run_scoped3A = tpu.sem_alloc : memref<!tpu.dma_semaphore, #tpu.memory_space<semaphore_mem>>
        %dma_start3A_113 = arith.constant 0 : i32
        %dma_start3A_114 = tpu.memref_slice %arg7[%add3A_112, %dma_start3A_113] : memref<327680x256xf32, #tpu.memory_space<hbm>> -> memref<128x256xf32, #tpu.memory_space<hbm>>
        %dma_start3A_115 = arith.constant 0 : i32
        %dma_start3A_116 = tpu.memref_slice %arg7[%add3A_112, %dma_start3A_115] : memref<327680x256xf32, #tpu.memory_space<hbm>> -> memref<128x256xf32, #tpu.memory_space<hbm>>
        tpu.enqueue_dma source(%arg13 : memref<128x256xf32, #tpu.memory_space<vmem>>) target(%dma_start3A_116 : memref<128x256xf32, #tpu.memory_space<hbm>>) target_semaphore(%run_scoped3A : memref<!tpu.dma_semaphore, #tpu.memory_space<semaphore_mem>>)
        %dma_wait3A_117 = arith.constant 0 : i32
        %dma_wait3A_118 = tpu.memref_slice %arg7[%add3A_112, %dma_wait3A_117] : memref<327680x256xf32, #tpu.memory_space<hbm>> -> memref<128x256xf32, #tpu.memory_space<hbm>>
        %dma_wait3A_119 = arith.constant 0 : i32
        %dma_wait3A_120 = tpu.memref_slice %arg7[%add3A_112, %dma_wait3A_119] : memref<327680x256xf32, #tpu.memory_space<hbm>> -> memref<128x256xf32, #tpu.memory_space<hbm>>
        tpu.wait_dma2 semaphore(%run_scoped3A : memref<!tpu.dma_semaphore, #tpu.memory_space<semaphore_mem>>) src(%arg13 : memref<128x256xf32, #tpu.memory_space<vmem>>) dst(%dma_wait3A_120 : memref<128x256xf32, #tpu.memory_space<hbm>>)
        tpu.yield
      }) : () -> ()
    }
    %scan3A_16 = arith.constant 39 : i32
    %dma_start3A_17 = arith.constant 10112 : i32
    %dma_start3A_18 = tpu.memref_slice %arg8[%dma_start3A_17] : memref<10240xi32, #tpu.memory_space<vmem>> -> memref<128xi32, #tpu.memory_space<vmem>>
    %dma_start3A_19 = arith.constant 0 : i32
    %dma_start3A_20 = arith.constant 0 : i32
    %dma_start3A_21 = tpu.memref_slice %arg2[%dma_start3A_19, %dma_start3A_20] : memref<20000x128xf32, #tpu.memory_space<hbm>> -> memref<20000x128xf32, #tpu.memory_space<hbm>>
    tpu.enqueue_indirect_dma source(%dma_start3A_21 : memref<20000x128xf32, #tpu.memory_space<hbm>>) target(%arg11 : memref<128x128xf32, #tpu.memory_space<vmem>>) offsets(%dma_start3A_18 : memref<128xi32, #tpu.memory_space<vmem>>) semaphore(%arg15 : memref<!tpu.dma_semaphore, #tpu.memory_space<semaphore_mem>>)
    %dma_start3A_22 = arith.constant 10112 : i32
    %dma_start3A_23 = tpu.memref_slice %arg9[%dma_start3A_22] : memref<10240xi32, #tpu.memory_space<vmem>> -> memref<128xi32, #tpu.memory_space<vmem>>
    %dma_start3A_24 = arith.constant 0 : i32
    %dma_start3A_25 = arith.constant 0 : i32
    %dma_start3A_26 = tpu.memref_slice %arg3[%dma_start3A_24, %dma_start3A_25] : memref<20000x256xf32, #tpu.memory_space<hbm>> -> memref<20000x256xf32, #tpu.memory_space<hbm>>
    tpu.enqueue_indirect_dma source(%dma_start3A_26 : memref<20000x256xf32, #tpu.memory_space<hbm>>) target(%arg13 : memref<128x256xf32, #tpu.memory_space<vmem>>) offsets(%dma_start3A_23 : memref<128xi32, #tpu.memory_space<vmem>>) semaphore(%arg15 : memref<!tpu.dma_semaphore, #tpu.memory_space<semaphore_mem>>)
    %dma_wait3A = arith.constant 0 : i32
    %dma_wait3A_27 = arith.constant 0 : i32
    %dma_wait3A_28 = tpu.memref_slice %arg6[%dma_wait3A, %dma_wait3A_27] : memref<327680x128xf32, #tpu.memory_space<hbm>> -> memref<128x128xf32, #tpu.memory_space<hbm>>
    %dma_wait3A_29 = arith.constant 0 : i32
    %dma_wait3A_30 = arith.constant 0 : i32
    %dma_wait3A_31 = tpu.memref_slice %arg6[%dma_wait3A_29, %dma_wait3A_30] : memref<327680x128xf32, #tpu.memory_space<hbm>> -> memref<128x128xf32, #tpu.memory_space<hbm>>
    tpu.wait_dma2 semaphore(%arg14 : memref<!tpu.dma_semaphore, #tpu.memory_space<semaphore_mem>>) src(%dma_wait3A_31 : memref<128x128xf32, #tpu.memory_space<hbm>>) dst(%arg10 : memref<128x128xf32, #tpu.memory_space<vmem>>)
    %dma_wait3A_32 = arith.constant 0 : i32
    %dma_wait3A_33 = arith.constant 0 : i32
    %dma_wait3A_34 = tpu.memref_slice %arg7[%dma_wait3A_32, %dma_wait3A_33] : memref<327680x256xf32, #tpu.memory_space<hbm>> -> memref<128x256xf32, #tpu.memory_space<hbm>>
    %dma_wait3A_35 = arith.constant 0 : i32
    %dma_wait3A_36 = arith.constant 0 : i32
    %dma_wait3A_37 = tpu.memref_slice %arg7[%dma_wait3A_35, %dma_wait3A_36] : memref<327680x256xf32, #tpu.memory_space<hbm>> -> memref<128x256xf32, #tpu.memory_space<hbm>>
    tpu.wait_dma2 semaphore(%arg14 : memref<!tpu.dma_semaphore, #tpu.memory_space<semaphore_mem>>) src(%dma_wait3A_37 : memref<128x256xf32, #tpu.memory_space<hbm>>) dst(%arg12 : memref<128x256xf32, #tpu.memory_space<vmem>>)
    %add3A_38 = arith.constant 9984 : i32
    %add3A_39 = arith.addi %mul3A_2, %add3A_38 : i32
    "tpu.region"() ({
      %run_scoped3A = tpu.sem_alloc : memref<!tpu.dma_semaphore, #tpu.memory_space<semaphore_mem>>
      %dma_start3A_54 = arith.constant 0 : i32
      %dma_start3A_55 = tpu.memref_slice %arg6[%add3A_39, %dma_start3A_54] : memref<327680x128xf32, #tpu.memory_space<hbm>> -> memref<128x128xf32, #tpu.memory_space<hbm>>
      %dma_start3A_56 = arith.constant 0 : i32
      %dma_start3A_57 = tpu.memref_slice %arg6[%add3A_39, %dma_start3A_56] : memref<327680x128xf32, #tpu.memory_space<hbm>> -> memref<128x128xf32, #tpu.memory_space<hbm>>
      tpu.enqueue_dma source(%arg10 : memref<128x128xf32, #tpu.memory_space<vmem>>) target(%dma_start3A_57 : memref<128x128xf32, #tpu.memory_space<hbm>>) target_semaphore(%run_scoped3A : memref<!tpu.dma_semaphore, #tpu.memory_space<semaphore_mem>>)
      %dma_wait3A_58 = arith.constant 0 : i32
      %dma_wait3A_59 = tpu.memref_slice %arg6[%add3A_39, %dma_wait3A_58] : memref<327680x128xf32, #tpu.memory_space<hbm>> -> memref<128x128xf32, #tpu.memory_space<hbm>>
      %dma_wait3A_60 = arith.constant 0 : i32
      %dma_wait3A_61 = tpu.memref_slice %arg6[%add3A_39, %dma_wait3A_60] : memref<327680x128xf32, #tpu.memory_space<hbm>> -> memref<128x128xf32, #tpu.memory_space<hbm>>
      tpu.wait_dma2 semaphore(%run_scoped3A : memref<!tpu.dma_semaphore, #tpu.memory_space<semaphore_mem>>) src(%arg10 : memref<128x128xf32, #tpu.memory_space<vmem>>) dst(%dma_wait3A_61 : memref<128x128xf32, #tpu.memory_space<hbm>>)
      tpu.yield
    }) : () -> ()
    "tpu.region"() ({
      %run_scoped3A = tpu.sem_alloc : memref<!tpu.dma_semaphore, #tpu.memory_space<semaphore_mem>>
      %dma_start3A_54 = arith.constant 0 : i32
      %dma_start3A_55 = tpu.memref_slice %arg7[%add3A_39, %dma_start3A_54] : memref<327680x256xf32, #tpu.memory_space<hbm>> -> memref<128x256xf32, #tpu.memory_space<hbm>>
      %dma_start3A_56 = arith.constant 0 : i32
      %dma_start3A_57 = tpu.memref_slice %arg7[%add3A_39, %dma_start3A_56] : memref<327680x256xf32, #tpu.memory_space<hbm>> -> memref<128x256xf32, #tpu.memory_space<hbm>>
      tpu.enqueue_dma source(%arg12 : memref<128x256xf32, #tpu.memory_space<vmem>>) target(%dma_start3A_57 : memref<128x256xf32, #tpu.memory_space<hbm>>) target_semaphore(%run_scoped3A : memref<!tpu.dma_semaphore, #tpu.memory_space<semaphore_mem>>)
      %dma_wait3A_58 = arith.constant 0 : i32
      %dma_wait3A_59 = tpu.memref_slice %arg7[%add3A_39, %dma_wait3A_58] : memref<327680x256xf32, #tpu.memory_space<hbm>> -> memref<128x256xf32, #tpu.memory_space<hbm>>
      %dma_wait3A_60 = arith.constant 0 : i32
      %dma_wait3A_61 = tpu.memref_slice %arg7[%add3A_39, %dma_wait3A_60] : memref<327680x256xf32, #tpu.memory_space<hbm>> -> memref<128x256xf32, #tpu.memory_space<hbm>>
      tpu.wait_dma2 semaphore(%run_scoped3A : memref<!tpu.dma_semaphore, #tpu.memory_space<semaphore_mem>>) src(%arg12 : memref<128x256xf32, #tpu.memory_space<vmem>>) dst(%dma_wait3A_61 : memref<128x256xf32, #tpu.memory_space<hbm>>)
      tpu.yield
    }) : () -> ()
    %dma_wait3A_40 = arith.constant 0 : i32
    %dma_wait3A_41 = arith.constant 0 : i32
    %dma_wait3A_42 = tpu.memref_slice %arg6[%dma_wait3A_40, %dma_wait3A_41] : memref<327680x128xf32, #tpu.memory_space<hbm>> -> memref<128x128xf32, #tpu.memory_space<hbm>>
    %dma_wait3A_43 = arith.constant 0 : i32
    %dma_wait3A_44 = arith.constant 0 : i32
    %dma_wait3A_45 = tpu.memref_slice %arg6[%dma_wait3A_43, %dma_wait3A_44] : memref<327680x128xf32, #tpu.memory_space<hbm>> -> memref<128x128xf32, #tpu.memory_space<hbm>>
    tpu.wait_dma2 semaphore(%arg15 : memref<!tpu.dma_semaphore, #tpu.memory_space<semaphore_mem>>) src(%dma_wait3A_45 : memref<128x128xf32, #tpu.memory_space<hbm>>) dst(%arg11 : memref<128x128xf32, #tpu.memory_space<vmem>>)
    %dma_wait3A_46 = arith.constant 0 : i32
    %dma_wait3A_47 = arith.constant 0 : i32
    %dma_wait3A_48 = tpu.memref_slice %arg7[%dma_wait3A_46, %dma_wait3A_47] : memref<327680x256xf32, #tpu.memory_space<hbm>> -> memref<128x256xf32, #tpu.memory_space<hbm>>
    %dma_wait3A_49 = arith.constant 0 : i32
    %dma_wait3A_50 = arith.constant 0 : i32
    %dma_wait3A_51 = tpu.memref_slice %arg7[%dma_wait3A_49, %dma_wait3A_50] : memref<327680x256xf32, #tpu.memory_space<hbm>> -> memref<128x256xf32, #tpu.memory_space<hbm>>
    tpu.wait_dma2 semaphore(%arg15 : memref<!tpu.dma_semaphore, #tpu.memory_space<semaphore_mem>>) src(%dma_wait3A_51 : memref<128x256xf32, #tpu.memory_space<hbm>>) dst(%arg13 : memref<128x256xf32, #tpu.memory_space<vmem>>)
    %add3A_52 = arith.constant 10112 : i32
    %add3A_53 = arith.addi %mul3A_2, %add3A_52 : i32
    "tpu.region"() ({
      %run_scoped3A = tpu.sem_alloc : memref<!tpu.dma_semaphore, #tpu.memory_space<semaphore_mem>>
      %dma_start3A_54 = arith.constant 0 : i32
      %dma_start3A_55 = tpu.memref_slice %arg6[%add3A_53, %dma_start3A_54] : memref<327680x128xf32, #tpu.memory_space<hbm>> -> memref<128x128xf32, #tpu.memory_space<hbm>>
      %dma_start3A_56 = arith.constant 0 : i32
      %dma_start3A_57 = tpu.memref_slice %arg6[%add3A_53, %dma_start3A_56] : memref<327680x128xf32, #tpu.memory_space<hbm>> -> memref<128x128xf32, #tpu.memory_space<hbm>>
      tpu.enqueue_dma source(%arg11 : memref<128x128xf32, #tpu.memory_space<vmem>>) target(%dma_start3A_57 : memref<128x128xf32, #tpu.memory_space<hbm>>) target_semaphore(%run_scoped3A : memref<!tpu.dma_semaphore, #tpu.memory_space<semaphore_mem>>)
      %dma_wait3A_58 = arith.constant 0 : i32
      %dma_wait3A_59 = tpu.memref_slice %arg6[%add3A_53, %dma_wait3A_58] : memref<327680x128xf32, #tpu.memory_space<hbm>> -> memref<128x128xf32, #tpu.memory_space<hbm>>
      %dma_wait3A_60 = arith.constant 0 : i32
      %dma_wait3A_61 = tpu.memref_slice %arg6[%add3A_53, %dma_wait3A_60] : memref<327680x128xf32, #tpu.memory_space<hbm>> -> memref<128x128xf32, #tpu.memory_space<hbm>>
      tpu.wait_dma2 semaphore(%run_scoped3A : memref<!tpu.dma_semaphore, #tpu.memory_space<semaphore_mem>>) src(%arg11 : memref<128x128xf32, #tpu.memory_space<vmem>>) dst(%dma_wait3A_61 : memref<128x128xf32, #tpu.memory_space<hbm>>)
      tpu.yield
    }) : () -> ()
    "tpu.region"() ({
      %run_scoped3A = tpu.sem_alloc : memref<!tpu.dma_semaphore, #tpu.memory_space<semaphore_mem>>
      %dma_start3A_54 = arith.constant 0 : i32
      %dma_start3A_55 = tpu.memref_slice %arg7[%add3A_53, %dma_start3A_54] : memref<327680x256xf32, #tpu.memory_space<hbm>> -> memref<128x256xf32, #tpu.memory_space<hbm>>
      %dma_start3A_56 = arith.constant 0 : i32
      %dma_start3A_57 = tpu.memref_slice %arg7[%add3A_53, %dma_start3A_56] : memref<327680x256xf32, #tpu.memory_space<hbm>> -> memref<128x256xf32, #tpu.memory_space<hbm>>
      tpu.enqueue_dma source(%arg13 : memref<128x256xf32, #tpu.memory_space<vmem>>) target(%dma_start3A_57 : memref<128x256xf32, #tpu.memory_space<hbm>>) target_semaphore(%run_scoped3A : memref<!tpu.dma_semaphore, #tpu.memory_space<semaphore_mem>>)
      %dma_wait3A_58 = arith.constant 0 : i32
      %dma_wait3A_59 = tpu.memref_slice %arg7[%add3A_53, %dma_wait3A_58] : memref<327680x256xf32, #tpu.memory_space<hbm>> -> memref<128x256xf32, #tpu.memory_space<hbm>>
      %dma_wait3A_60 = arith.constant 0 : i32
      %dma_wait3A_61 = tpu.memref_slice %arg7[%add3A_53, %dma_wait3A_60] : memref<327680x256xf32, #tpu.memory_space<hbm>> -> memref<128x256xf32, #tpu.memory_space<hbm>>
      tpu.wait_dma2 semaphore(%run_scoped3A : memref<!tpu.dma_semaphore, #tpu.memory_space<semaphore_mem>>) src(%arg13 : memref<128x256xf32, #tpu.memory_space<vmem>>) dst(%dma_wait3A_61 : memref<128x256xf32, #tpu.memory_space<hbm>>)
      tpu.yield
    }) : () -> ()
    return
  }
}

#map = affine_map<(d0, d1) -> (0, 0)>
#map1 = affine_map<(d0, d1) -> (0)>
module attributes {stable_mosaic.version = 14 : i64} {
  func.func @s(%arg0: i32, %arg1: i32, %arg2: memref<327680x128xf32, #tpu.memory_space<hbm>>, %arg3: memref<327680xi32, #tpu.memory_space<hbm>>, %arg4: memref<10000x128xf32, #tpu.memory_space<hbm>>, %arg5: memref<20000x128xf32, #tpu.memory_space<hbm>>, %arg6: memref<128xi32, #tpu.memory_space<vmem>>, %arg7: memref<128xi32, #tpu.memory_space<vmem>>, %arg8: memref<128x128xf32, #tpu.memory_space<vmem>>, %arg9: memref<128x128xf32, #tpu.memory_space<vmem>>, %arg10: memref<10000x128xf32, #tpu.memory_space<vmem_shared>>, %arg11: memref<!tpu.dma_semaphore, #tpu.memory_space<semaphore_mem>>, %arg12: memref<!tpu.dma_semaphore, #tpu.memory_space<semaphore_mem>>) attributes {dimension_semantics = [#tpu.dimension_semantics<core_parallel>, #tpu.dimension_semantics<subcore_parallel>], iteration_bounds = array<i64: 2, 16>, scalar_prefetch = 0 : i64, scratch_operands = 7 : i64, tpu.core_type = #tpu.core_type<sc_vector_subcore>, window_params = [{transform_indices = #map}, {transform_indices = #map1}, {transform_indices = #map}, {transform_indices = #map}]} {
    %mul3A = arith.constant 624 : i32
    %mul3A_0 = arith.muli %arg1, %mul3A : i32
    %lt3A = arith.constant 15 : i32
    %lt3A_1 = arith.cmpi slt, %arg1, %lt3A : i32
    %convert_element_type3A = arith.extui %lt3A_1 : i1 to i32
    %cond3A = arith.constant 0 : i32
    %cond3A_2 = arith.cmpi ne, %convert_element_type3A, %cond3A : i32
    scf.if %cond3A_2 {
      "tpu.region"() ({
        %run_scoped3A = tpu.sem_alloc : memref<!tpu.dma_semaphore, #tpu.memory_space<semaphore_mem>>
        %dma_start3A_64 = arith.constant 0 : i32
        %dma_start3A_65 = tpu.memref_slice %arg10[%mul3A_0, %dma_start3A_64] : memref<10000x128xf32, #tpu.memory_space<vmem_shared>> -> memref<624x128xf32, #tpu.memory_space<vmem_shared>>
        %dma_start3A_66 = arith.constant 0 : i32
        %dma_start3A_67 = tpu.memref_slice %arg4[%mul3A_0, %dma_start3A_66] : memref<10000x128xf32, #tpu.memory_space<hbm>> -> memref<624x128xf32, #tpu.memory_space<hbm>>
        tpu.enqueue_dma source(%dma_start3A_67 : memref<624x128xf32, #tpu.memory_space<hbm>>) target(%dma_start3A_65 : memref<624x128xf32, #tpu.memory_space<vmem_shared>>) target_semaphore(%run_scoped3A : memref<!tpu.dma_semaphore, #tpu.memory_space<semaphore_mem>>)
        %dma_wait3A_68 = arith.constant 0 : i32
        %dma_wait3A_69 = tpu.memref_slice %arg10[%mul3A_0, %dma_wait3A_68] : memref<10000x128xf32, #tpu.memory_space<vmem_shared>> -> memref<624x128xf32, #tpu.memory_space<vmem_shared>>
        %dma_wait3A_70 = arith.constant 0 : i32
        %dma_wait3A_71 = tpu.memref_slice %arg4[%mul3A_0, %dma_wait3A_70] : memref<10000x128xf32, #tpu.memory_space<hbm>> -> memref<624x128xf32, #tpu.memory_space<hbm>>
        tpu.wait_dma2 semaphore(%run_scoped3A : memref<!tpu.dma_semaphore, #tpu.memory_space<semaphore_mem>>) src(%dma_wait3A_71 : memref<624x128xf32, #tpu.memory_space<hbm>>) dst(%dma_wait3A_69 : memref<624x128xf32, #tpu.memory_space<vmem_shared>>)
        tpu.yield
      }) : () -> ()
    } else {
    }
    %eq3A = arith.constant 15 : i32
    %eq3A_3 = arith.cmpi eq, %arg1, %eq3A : i32
    %convert_element_type3A_4 = arith.extui %eq3A_3 : i1 to i32
    %cond3A_5 = arith.constant 0 : i32
    %cond3A_6 = arith.cmpi ne, %convert_element_type3A_4, %cond3A_5 : i32
    scf.if %cond3A_6 {
      "tpu.region"() ({
        %run_scoped3A = tpu.sem_alloc : memref<!tpu.dma_semaphore, #tpu.memory_space<semaphore_mem>>
        %dma_start3A_64 = arith.constant 9360 : i32
        %dma_start3A_65 = arith.constant 0 : i32
        %dma_start3A_66 = tpu.memref_slice %arg10[%dma_start3A_64, %dma_start3A_65] : memref<10000x128xf32, #tpu.memory_space<vmem_shared>> -> memref<640x128xf32, #tpu.memory_space<vmem_shared>>
        %dma_start3A_67 = arith.constant 9360 : i32
        %dma_start3A_68 = arith.constant 0 : i32
        %dma_start3A_69 = tpu.memref_slice %arg4[%dma_start3A_67, %dma_start3A_68] : memref<10000x128xf32, #tpu.memory_space<hbm>> -> memref<640x128xf32, #tpu.memory_space<hbm>>
        tpu.enqueue_dma source(%dma_start3A_69 : memref<640x128xf32, #tpu.memory_space<hbm>>) target(%dma_start3A_66 : memref<640x128xf32, #tpu.memory_space<vmem_shared>>) target_semaphore(%run_scoped3A : memref<!tpu.dma_semaphore, #tpu.memory_space<semaphore_mem>>)
        %dma_wait3A_70 = arith.constant 9360 : i32
        %dma_wait3A_71 = arith.constant 0 : i32
        %dma_wait3A_72 = tpu.memref_slice %arg10[%dma_wait3A_70, %dma_wait3A_71] : memref<10000x128xf32, #tpu.memory_space<vmem_shared>> -> memref<640x128xf32, #tpu.memory_space<vmem_shared>>
        %dma_wait3A_73 = arith.constant 9360 : i32
        %dma_wait3A_74 = arith.constant 0 : i32
        %dma_wait3A_75 = tpu.memref_slice %arg4[%dma_wait3A_73, %dma_wait3A_74] : memref<10000x128xf32, #tpu.memory_space<hbm>> -> memref<640x128xf32, #tpu.memory_space<hbm>>
        tpu.wait_dma2 semaphore(%run_scoped3A : memref<!tpu.dma_semaphore, #tpu.memory_space<semaphore_mem>>) src(%dma_wait3A_75 : memref<640x128xf32, #tpu.memory_space<hbm>>) dst(%dma_wait3A_72 : memref<640x128xf32, #tpu.memory_space<vmem_shared>>)
        tpu.yield
      }) : () -> ()
    } else {
    }
    %barrier3A = arith.constant 0 : index
    tpu.barrier barrier_id(%barrier3A)
    %mul3A_7 = arith.constant 163840 : i32
    %mul3A_8 = arith.muli %arg0, %mul3A_7 : i32
    %mul3A_9 = arith.constant 10240 : i32
    %mul3A_10 = arith.muli %arg1, %mul3A_9 : i32
    %add3A = arith.addi %mul3A_8, %mul3A_10 : i32
    %add3A_11 = arith.constant 0 : i32
    %add3A_12 = arith.addi %add3A, %add3A_11 : i32
    %dma_start3A = tpu.memref_slice %arg3[%add3A_12] : memref<327680xi32, #tpu.memory_space<hbm>> -> memref<128xi32, #tpu.memory_space<hbm>>
    %dma_start3A_13 = tpu.memref_slice %arg3[%add3A_12] : memref<327680xi32, #tpu.memory_space<hbm>> -> memref<128xi32, #tpu.memory_space<hbm>>
    tpu.enqueue_dma source(%dma_start3A_13 : memref<128xi32, #tpu.memory_space<hbm>>) target(%arg6 : memref<128xi32, #tpu.memory_space<vmem>>) target_semaphore(%arg11 : memref<!tpu.dma_semaphore, #tpu.memory_space<semaphore_mem>>)
    %dma_start3A_14 = arith.constant 0 : i32
    %dma_start3A_15 = tpu.memref_slice %arg2[%add3A_12, %dma_start3A_14] : memref<327680x128xf32, #tpu.memory_space<hbm>> -> memref<128x128xf32, #tpu.memory_space<hbm>>
    %dma_start3A_16 = arith.constant 0 : i32
    %dma_start3A_17 = tpu.memref_slice %arg2[%add3A_12, %dma_start3A_16] : memref<327680x128xf32, #tpu.memory_space<hbm>> -> memref<128x128xf32, #tpu.memory_space<hbm>>
    tpu.enqueue_dma source(%dma_start3A_17 : memref<128x128xf32, #tpu.memory_space<hbm>>) target(%arg8 : memref<128x128xf32, #tpu.memory_space<vmem>>) target_semaphore(%arg11 : memref<!tpu.dma_semaphore, #tpu.memory_space<semaphore_mem>>)
    %scan3A = arith.constant 0 : i32
    %scan3A_18 = arith.constant 0 : i32
    %scan3A_19 = arith.constant 39 : i32
    %scan3A_20 = arith.addi %scan3A_18, %scan3A_19 : i32
    %scan3A_21 = arith.constant 1 : i32
    scf.for %scan3A_64 = %scan3A_18 to %scan3A_20 step %scan3A_21  : i32 {
      %mul3A_65 = arith.constant 2 : i32
      %mul3A_66 = arith.muli %mul3A_65, %scan3A_64 : i32
      %add3A_67 = arith.constant 1 : i32
      %add3A_68 = arith.addi %mul3A_66, %add3A_67 : i32
      %mul3A_69 = arith.constant 128 : i32
      %mul3A_70 = arith.muli %add3A_68, %mul3A_69 : i32
      %add3A_71 = arith.addi %add3A, %mul3A_70 : i32
      %dma_start3A_72 = tpu.memref_slice %arg3[%add3A_71] : memref<327680xi32, #tpu.memory_space<hbm>> -> memref<128xi32, #tpu.memory_space<hbm>>
      %dma_start3A_73 = tpu.memref_slice %arg3[%add3A_71] : memref<327680xi32, #tpu.memory_space<hbm>> -> memref<128xi32, #tpu.memory_space<hbm>>
      tpu.enqueue_dma source(%dma_start3A_73 : memref<128xi32, #tpu.memory_space<hbm>>) target(%arg7 : memref<128xi32, #tpu.memory_space<vmem>>) target_semaphore(%arg12 : memref<!tpu.dma_semaphore, #tpu.memory_space<semaphore_mem>>)
      %dma_start3A_74 = arith.constant 0 : i32
      %dma_start3A_75 = tpu.memref_slice %arg2[%add3A_71, %dma_start3A_74] : memref<327680x128xf32, #tpu.memory_space<hbm>> -> memref<128x128xf32, #tpu.memory_space<hbm>>
      %dma_start3A_76 = arith.constant 0 : i32
      %dma_start3A_77 = tpu.memref_slice %arg2[%add3A_71, %dma_start3A_76] : memref<327680x128xf32, #tpu.memory_space<hbm>> -> memref<128x128xf32, #tpu.memory_space<hbm>>
      tpu.enqueue_dma source(%dma_start3A_77 : memref<128x128xf32, #tpu.memory_space<hbm>>) target(%arg9 : memref<128x128xf32, #tpu.memory_space<vmem>>) target_semaphore(%arg12 : memref<!tpu.dma_semaphore, #tpu.memory_space<semaphore_mem>>)
      %dma_wait3A_78 = arith.constant 0 : i32
      %dma_wait3A_79 = tpu.memref_slice %arg3[%dma_wait3A_78] : memref<327680xi32, #tpu.memory_space<hbm>> -> memref<128xi32, #tpu.memory_space<hbm>>
      %dma_wait3A_80 = arith.constant 0 : i32
      %dma_wait3A_81 = tpu.memref_slice %arg3[%dma_wait3A_80] : memref<327680xi32, #tpu.memory_space<hbm>> -> memref<128xi32, #tpu.memory_space<hbm>>
      tpu.wait_dma2 semaphore(%arg11 : memref<!tpu.dma_semaphore, #tpu.memory_space<semaphore_mem>>) src(%dma_wait3A_81 : memref<128xi32, #tpu.memory_space<hbm>>) dst(%arg6 : memref<128xi32, #tpu.memory_space<vmem>>)
      %dma_wait3A_82 = arith.constant 0 : i32
      %dma_wait3A_83 = arith.constant 0 : i32
      %dma_wait3A_84 = tpu.memref_slice %arg2[%dma_wait3A_82, %dma_wait3A_83] : memref<327680x128xf32, #tpu.memory_space<hbm>> -> memref<128x128xf32, #tpu.memory_space<hbm>>
      %dma_wait3A_85 = arith.constant 0 : i32
      %dma_wait3A_86 = arith.constant 0 : i32
      %dma_wait3A_87 = tpu.memref_slice %arg2[%dma_wait3A_85, %dma_wait3A_86] : memref<327680x128xf32, #tpu.memory_space<hbm>> -> memref<128x128xf32, #tpu.memory_space<hbm>>
      tpu.wait_dma2 semaphore(%arg11 : memref<!tpu.dma_semaphore, #tpu.memory_space<semaphore_mem>>) src(%dma_wait3A_87 : memref<128x128xf32, #tpu.memory_space<hbm>>) dst(%arg8 : memref<128x128xf32, #tpu.memory_space<vmem>>)
      "tpu.region"() ({
        %run_scoped3A = tpu.sem_alloc : memref<!tpu.dma_semaphore, #tpu.memory_space<semaphore_mem>>
        %dma_start3A_109 = arith.constant 0 : i32
        %dma_start3A_110 = arith.constant 0 : i32
        %dma_start3A_111 = tpu.memref_slice %arg10[%dma_start3A_109, %dma_start3A_110] : memref<10000x128xf32, #tpu.memory_space<vmem_shared>> -> memref<10000x128xf32, #tpu.memory_space<vmem_shared>>
        tpu.enqueue_indirect_dma source(%arg8 : memref<128x128xf32, #tpu.memory_space<vmem>>) target(%dma_start3A_111 : memref<10000x128xf32, #tpu.memory_space<vmem_shared>>) offsets(%arg6 : memref<128xi32, #tpu.memory_space<vmem>>) semaphore(%run_scoped3A : memref<!tpu.dma_semaphore, #tpu.memory_space<semaphore_mem>>) {add = true}
        %dma_wait3A_112 = arith.constant 0 : i32
        %dma_wait3A_113 = arith.constant 0 : i32
        %dma_wait3A_114 = tpu.memref_slice %arg10[%dma_wait3A_112, %dma_wait3A_113] : memref<10000x128xf32, #tpu.memory_space<vmem_shared>> -> memref<10000x128xf32, #tpu.memory_space<vmem_shared>>
        tpu.wait_indirect_dma semaphore(%run_scoped3A : memref<!tpu.dma_semaphore, #tpu.memory_space<semaphore_mem>>) src(%arg8 : memref<128x128xf32, #tpu.memory_space<vmem>>) dst(%dma_wait3A_114 : memref<10000x128xf32, #tpu.memory_space<vmem_shared>>)
        tpu.yield
      }) : () -> ()
      %add3A_88 = arith.constant 2 : i32
      %add3A_89 = arith.addi %mul3A_66, %add3A_88 : i32
      %mul3A_90 = arith.constant 128 : i32
      %mul3A_91 = arith.muli %add3A_89, %mul3A_90 : i32
      %add3A_92 = arith.addi %add3A, %mul3A_91 : i32
      %dma_start3A_93 = tpu.memref_slice %arg3[%add3A_92] : memref<327680xi32, #tpu.memory_space<hbm>> -> memref<128xi32, #tpu.memory_space<hbm>>
      %dma_start3A_94 = tpu.memref_slice %arg3[%add3A_92] : memref<327680xi32, #tpu.memory_space<hbm>> -> memref<128xi32, #tpu.memory_space<hbm>>
      tpu.enqueue_dma source(%dma_start3A_94 : memref<128xi32, #tpu.memory_space<hbm>>) target(%arg6 : memref<128xi32, #tpu.memory_space<vmem>>) target_semaphore(%arg11 : memref<!tpu.dma_semaphore, #tpu.memory_space<semaphore_mem>>)
      %dma_start3A_95 = arith.constant 0 : i32
      %dma_start3A_96 = tpu.memref_slice %arg2[%add3A_92, %dma_start3A_95] : memref<327680x128xf32, #tpu.memory_space<hbm>> -> memref<128x128xf32, #tpu.memory_space<hbm>>
      %dma_start3A_97 = arith.constant 0 : i32
      %dma_start3A_98 = tpu.memref_slice %arg2[%add3A_92, %dma_start3A_97] : memref<327680x128xf32, #tpu.memory_space<hbm>> -> memref<128x128xf32, #tpu.memory_space<hbm>>
      tpu.enqueue_dma source(%dma_start3A_98 : memref<128x128xf32, #tpu.memory_space<hbm>>) target(%arg8 : memref<128x128xf32, #tpu.memory_space<vmem>>) target_semaphore(%arg11 : memref<!tpu.dma_semaphore, #tpu.memory_space<semaphore_mem>>)
      %dma_wait3A_99 = arith.constant 0 : i32
      %dma_wait3A_100 = tpu.memref_slice %arg3[%dma_wait3A_99] : memref<327680xi32, #tpu.memory_space<hbm>> -> memref<128xi32, #tpu.memory_space<hbm>>
      %dma_wait3A_101 = arith.constant 0 : i32
      %dma_wait3A_102 = tpu.memref_slice %arg3[%dma_wait3A_101] : memref<327680xi32, #tpu.memory_space<hbm>> -> memref<128xi32, #tpu.memory_space<hbm>>
      tpu.wait_dma2 semaphore(%arg12 : memref<!tpu.dma_semaphore, #tpu.memory_space<semaphore_mem>>) src(%dma_wait3A_102 : memref<128xi32, #tpu.memory_space<hbm>>) dst(%arg7 : memref<128xi32, #tpu.memory_space<vmem>>)
      %dma_wait3A_103 = arith.constant 0 : i32
      %dma_wait3A_104 = arith.constant 0 : i32
      %dma_wait3A_105 = tpu.memref_slice %arg2[%dma_wait3A_103, %dma_wait3A_104] : memref<327680x128xf32, #tpu.memory_space<hbm>> -> memref<128x128xf32, #tpu.memory_space<hbm>>
      %dma_wait3A_106 = arith.constant 0 : i32
      %dma_wait3A_107 = arith.constant 0 : i32
      %dma_wait3A_108 = tpu.memref_slice %arg2[%dma_wait3A_106, %dma_wait3A_107] : memref<327680x128xf32, #tpu.memory_space<hbm>> -> memref<128x128xf32, #tpu.memory_space<hbm>>
      tpu.wait_dma2 semaphore(%arg12 : memref<!tpu.dma_semaphore, #tpu.memory_space<semaphore_mem>>) src(%dma_wait3A_108 : memref<128x128xf32, #tpu.memory_space<hbm>>) dst(%arg9 : memref<128x128xf32, #tpu.memory_space<vmem>>)
      "tpu.region"() ({
        %run_scoped3A = tpu.sem_alloc : memref<!tpu.dma_semaphore, #tpu.memory_space<semaphore_mem>>
        %dma_start3A_109 = arith.constant 0 : i32
        %dma_start3A_110 = arith.constant 0 : i32
        %dma_start3A_111 = tpu.memref_slice %arg10[%dma_start3A_109, %dma_start3A_110] : memref<10000x128xf32, #tpu.memory_space<vmem_shared>> -> memref<10000x128xf32, #tpu.memory_space<vmem_shared>>
        tpu.enqueue_indirect_dma source(%arg9 : memref<128x128xf32, #tpu.memory_space<vmem>>) target(%dma_start3A_111 : memref<10000x128xf32, #tpu.memory_space<vmem_shared>>) offsets(%arg7 : memref<128xi32, #tpu.memory_space<vmem>>) semaphore(%run_scoped3A : memref<!tpu.dma_semaphore, #tpu.memory_space<semaphore_mem>>) {add = true}
        %dma_wait3A_112 = arith.constant 0 : i32
        %dma_wait3A_113 = arith.constant 0 : i32
        %dma_wait3A_114 = tpu.memref_slice %arg10[%dma_wait3A_112, %dma_wait3A_113] : memref<10000x128xf32, #tpu.memory_space<vmem_shared>> -> memref<10000x128xf32, #tpu.memory_space<vmem_shared>>
        tpu.wait_indirect_dma semaphore(%run_scoped3A : memref<!tpu.dma_semaphore, #tpu.memory_space<semaphore_mem>>) src(%arg9 : memref<128x128xf32, #tpu.memory_space<vmem>>) dst(%dma_wait3A_114 : memref<10000x128xf32, #tpu.memory_space<vmem_shared>>)
        tpu.yield
      }) : () -> ()
    }
    %scan3A_22 = arith.constant 39 : i32
    %add3A_23 = arith.constant 10112 : i32
    %add3A_24 = arith.addi %add3A, %add3A_23 : i32
    %dma_start3A_25 = tpu.memref_slice %arg3[%add3A_24] : memref<327680xi32, #tpu.memory_space<hbm>> -> memref<128xi32, #tpu.memory_space<hbm>>
    %dma_start3A_26 = tpu.memref_slice %arg3[%add3A_24] : memref<327680xi32, #tpu.memory_space<hbm>> -> memref<128xi32, #tpu.memory_space<hbm>>
    tpu.enqueue_dma source(%dma_start3A_26 : memref<128xi32, #tpu.memory_space<hbm>>) target(%arg7 : memref<128xi32, #tpu.memory_space<vmem>>) target_semaphore(%arg12 : memref<!tpu.dma_semaphore, #tpu.memory_space<semaphore_mem>>)
    %dma_start3A_27 = arith.constant 0 : i32
    %dma_start3A_28 = tpu.memref_slice %arg2[%add3A_24, %dma_start3A_27] : memref<327680x128xf32, #tpu.memory_space<hbm>> -> memref<128x128xf32, #tpu.memory_space<hbm>>
    %dma_start3A_29 = arith.constant 0 : i32
    %dma_start3A_30 = tpu.memref_slice %arg2[%add3A_24, %dma_start3A_29] : memref<327680x128xf32, #tpu.memory_space<hbm>> -> memref<128x128xf32, #tpu.memory_space<hbm>>
    tpu.enqueue_dma source(%dma_start3A_30 : memref<128x128xf32, #tpu.memory_space<hbm>>) target(%arg9 : memref<128x128xf32, #tpu.memory_space<vmem>>) target_semaphore(%arg12 : memref<!tpu.dma_semaphore, #tpu.memory_space<semaphore_mem>>)
    %dma_wait3A = arith.constant 0 : i32
    %dma_wait3A_31 = tpu.memref_slice %arg3[%dma_wait3A] : memref<327680xi32, #tpu.memory_space<hbm>> -> memref<128xi32, #tpu.memory_space<hbm>>
    %dma_wait3A_32 = arith.constant 0 : i32
    %dma_wait3A_33 = tpu.memref_slice %arg3[%dma_wait3A_32] : memref<327680xi32, #tpu.memory_space<hbm>> -> memref<128xi32, #tpu.memory_space<hbm>>
    tpu.wait_dma2 semaphore(%arg11 : memref<!tpu.dma_semaphore, #tpu.memory_space<semaphore_mem>>) src(%dma_wait3A_33 : memref<128xi32, #tpu.memory_space<hbm>>) dst(%arg6 : memref<128xi32, #tpu.memory_space<vmem>>)
    %dma_wait3A_34 = arith.constant 0 : i32
    %dma_wait3A_35 = arith.constant 0 : i32
    %dma_wait3A_36 = tpu.memref_slice %arg2[%dma_wait3A_34, %dma_wait3A_35] : memref<327680x128xf32, #tpu.memory_space<hbm>> -> memref<128x128xf32, #tpu.memory_space<hbm>>
    %dma_wait3A_37 = arith.constant 0 : i32
    %dma_wait3A_38 = arith.constant 0 : i32
    %dma_wait3A_39 = tpu.memref_slice %arg2[%dma_wait3A_37, %dma_wait3A_38] : memref<327680x128xf32, #tpu.memory_space<hbm>> -> memref<128x128xf32, #tpu.memory_space<hbm>>
    tpu.wait_dma2 semaphore(%arg11 : memref<!tpu.dma_semaphore, #tpu.memory_space<semaphore_mem>>) src(%dma_wait3A_39 : memref<128x128xf32, #tpu.memory_space<hbm>>) dst(%arg8 : memref<128x128xf32, #tpu.memory_space<vmem>>)
    "tpu.region"() ({
      %run_scoped3A = tpu.sem_alloc : memref<!tpu.dma_semaphore, #tpu.memory_space<semaphore_mem>>
      %dma_start3A_64 = arith.constant 0 : i32
      %dma_start3A_65 = arith.constant 0 : i32
      %dma_start3A_66 = tpu.memref_slice %arg10[%dma_start3A_64, %dma_start3A_65] : memref<10000x128xf32, #tpu.memory_space<vmem_shared>> -> memref<10000x128xf32, #tpu.memory_space<vmem_shared>>
      tpu.enqueue_indirect_dma source(%arg8 : memref<128x128xf32, #tpu.memory_space<vmem>>) target(%dma_start3A_66 : memref<10000x128xf32, #tpu.memory_space<vmem_shared>>) offsets(%arg6 : memref<128xi32, #tpu.memory_space<vmem>>) semaphore(%run_scoped3A : memref<!tpu.dma_semaphore, #tpu.memory_space<semaphore_mem>>) {add = true}
      %dma_wait3A_67 = arith.constant 0 : i32
      %dma_wait3A_68 = arith.constant 0 : i32
      %dma_wait3A_69 = tpu.memref_slice %arg10[%dma_wait3A_67, %dma_wait3A_68] : memref<10000x128xf32, #tpu.memory_space<vmem_shared>> -> memref<10000x128xf32, #tpu.memory_space<vmem_shared>>
      tpu.wait_indirect_dma semaphore(%run_scoped3A : memref<!tpu.dma_semaphore, #tpu.memory_space<semaphore_mem>>) src(%arg8 : memref<128x128xf32, #tpu.memory_space<vmem>>) dst(%dma_wait3A_69 : memref<10000x128xf32, #tpu.memory_space<vmem_shared>>)
      tpu.yield
    }) : () -> ()
    %dma_wait3A_40 = arith.constant 0 : i32
    %dma_wait3A_41 = tpu.memref_slice %arg3[%dma_wait3A_40] : memref<327680xi32, #tpu.memory_space<hbm>> -> memref<128xi32, #tpu.memory_space<hbm>>
    %dma_wait3A_42 = arith.constant 0 : i32
    %dma_wait3A_43 = tpu.memref_slice %arg3[%dma_wait3A_42] : memref<327680xi32, #tpu.memory_space<hbm>> -> memref<128xi32, #tpu.memory_space<hbm>>
    tpu.wait_dma2 semaphore(%arg12 : memref<!tpu.dma_semaphore, #tpu.memory_space<semaphore_mem>>) src(%dma_wait3A_43 : memref<128xi32, #tpu.memory_space<hbm>>) dst(%arg7 : memref<128xi32, #tpu.memory_space<vmem>>)
    %dma_wait3A_44 = arith.constant 0 : i32
    %dma_wait3A_45 = arith.constant 0 : i32
    %dma_wait3A_46 = tpu.memref_slice %arg2[%dma_wait3A_44, %dma_wait3A_45] : memref<327680x128xf32, #tpu.memory_space<hbm>> -> memref<128x128xf32, #tpu.memory_space<hbm>>
    %dma_wait3A_47 = arith.constant 0 : i32
    %dma_wait3A_48 = arith.constant 0 : i32
    %dma_wait3A_49 = tpu.memref_slice %arg2[%dma_wait3A_47, %dma_wait3A_48] : memref<327680x128xf32, #tpu.memory_space<hbm>> -> memref<128x128xf32, #tpu.memory_space<hbm>>
    tpu.wait_dma2 semaphore(%arg12 : memref<!tpu.dma_semaphore, #tpu.memory_space<semaphore_mem>>) src(%dma_wait3A_49 : memref<128x128xf32, #tpu.memory_space<hbm>>) dst(%arg9 : memref<128x128xf32, #tpu.memory_space<vmem>>)
    "tpu.region"() ({
      %run_scoped3A = tpu.sem_alloc : memref<!tpu.dma_semaphore, #tpu.memory_space<semaphore_mem>>
      %dma_start3A_64 = arith.constant 0 : i32
      %dma_start3A_65 = arith.constant 0 : i32
      %dma_start3A_66 = tpu.memref_slice %arg10[%dma_start3A_64, %dma_start3A_65] : memref<10000x128xf32, #tpu.memory_space<vmem_shared>> -> memref<10000x128xf32, #tpu.memory_space<vmem_shared>>
      tpu.enqueue_indirect_dma source(%arg9 : memref<128x128xf32, #tpu.memory_space<vmem>>) target(%dma_start3A_66 : memref<10000x128xf32, #tpu.memory_space<vmem_shared>>) offsets(%arg7 : memref<128xi32, #tpu.memory_space<vmem>>) semaphore(%run_scoped3A : memref<!tpu.dma_semaphore, #tpu.memory_space<semaphore_mem>>) {add = true}
      %dma_wait3A_67 = arith.constant 0 : i32
      %dma_wait3A_68 = arith.constant 0 : i32
      %dma_wait3A_69 = tpu.memref_slice %arg10[%dma_wait3A_67, %dma_wait3A_68] : memref<10000x128xf32, #tpu.memory_space<vmem_shared>> -> memref<10000x128xf32, #tpu.memory_space<vmem_shared>>
      tpu.wait_indirect_dma semaphore(%run_scoped3A : memref<!tpu.dma_semaphore, #tpu.memory_space<semaphore_mem>>) src(%arg9 : memref<128x128xf32, #tpu.memory_space<vmem>>) dst(%dma_wait3A_69 : memref<10000x128xf32, #tpu.memory_space<vmem_shared>>)
      tpu.yield
    }) : () -> ()
    %barrier3A_50 = arith.constant 0 : index
    tpu.barrier barrier_id(%barrier3A_50)
    %sub3A = arith.constant 1 : i32
    %sub3A_51 = arith.subi %sub3A, %arg0 : i32
    %mul3A_52 = arith.constant 10000 : i32
    %mul3A_53 = arith.muli %sub3A_51, %mul3A_52 : i32
    %lt3A_54 = arith.constant 15 : i32
    %lt3A_55 = arith.cmpi slt, %arg1, %lt3A_54 : i32
    %convert_element_type3A_56 = arith.extui %lt3A_55 : i1 to i32
    %cond3A_57 = arith.constant 0 : i32
    %cond3A_58 = arith.cmpi ne, %convert_element_type3A_56, %cond3A_57 : i32
    scf.if %cond3A_58 {
      %add3A_64 = arith.addi %mul3A_53, %mul3A_0 : i32
      "tpu.region"() ({
        %run_scoped3A = tpu.sem_alloc : memref<!tpu.dma_semaphore, #tpu.memory_space<semaphore_mem>>
        %dma_start3A_65 = arith.constant 0 : i32
        %dma_start3A_66 = tpu.memref_slice %arg5[%add3A_64, %dma_start3A_65] : memref<20000x128xf32, #tpu.memory_space<hbm>> -> memref<624x128xf32, #tpu.memory_space<hbm>>
        %dma_start3A_67 = arith.constant 0 : i32
        %dma_start3A_68 = tpu.memref_slice %arg10[%mul3A_0, %dma_start3A_67] : memref<10000x128xf32, #tpu.memory_space<vmem_shared>> -> memref<624x128xf32, #tpu.memory_space<vmem_shared>>
        tpu.enqueue_dma source(%dma_start3A_68 : memref<624x128xf32, #tpu.memory_space<vmem_shared>>) target(%dma_start3A_66 : memref<624x128xf32, #tpu.memory_space<hbm>>) target_semaphore(%run_scoped3A : memref<!tpu.dma_semaphore, #tpu.memory_space<semaphore_mem>>)
        %dma_wait3A_69 = arith.constant 0 : i32
        %dma_wait3A_70 = tpu.memref_slice %arg5[%add3A_64, %dma_wait3A_69] : memref<20000x128xf32, #tpu.memory_space<hbm>> -> memref<624x128xf32, #tpu.memory_space<hbm>>
        %dma_wait3A_71 = arith.constant 0 : i32
        %dma_wait3A_72 = tpu.memref_slice %arg10[%mul3A_0, %dma_wait3A_71] : memref<10000x128xf32, #tpu.memory_space<vmem_shared>> -> memref<624x128xf32, #tpu.memory_space<vmem_shared>>
        tpu.wait_dma2 semaphore(%run_scoped3A : memref<!tpu.dma_semaphore, #tpu.memory_space<semaphore_mem>>) src(%dma_wait3A_72 : memref<624x128xf32, #tpu.memory_space<vmem_shared>>) dst(%dma_wait3A_70 : memref<624x128xf32, #tpu.memory_space<hbm>>)
        tpu.yield
      }) : () -> ()
    } else {
    }
    %eq3A_59 = arith.constant 15 : i32
    %eq3A_60 = arith.cmpi eq, %arg1, %eq3A_59 : i32
    %convert_element_type3A_61 = arith.extui %eq3A_60 : i1 to i32
    %cond3A_62 = arith.constant 0 : i32
    %cond3A_63 = arith.cmpi ne, %convert_element_type3A_61, %cond3A_62 : i32
    scf.if %cond3A_63 {
      %add3A_64 = arith.constant 9360 : i32
      %add3A_65 = arith.addi %mul3A_53, %add3A_64 : i32
      "tpu.region"() ({
        %run_scoped3A = tpu.sem_alloc : memref<!tpu.dma_semaphore, #tpu.memory_space<semaphore_mem>>
        %dma_start3A_66 = arith.constant 0 : i32
        %dma_start3A_67 = tpu.memref_slice %arg5[%add3A_65, %dma_start3A_66] : memref<20000x128xf32, #tpu.memory_space<hbm>> -> memref<640x128xf32, #tpu.memory_space<hbm>>
        %dma_start3A_68 = arith.constant 9360 : i32
        %dma_start3A_69 = arith.constant 0 : i32
        %dma_start3A_70 = tpu.memref_slice %arg10[%dma_start3A_68, %dma_start3A_69] : memref<10000x128xf32, #tpu.memory_space<vmem_shared>> -> memref<640x128xf32, #tpu.memory_space<vmem_shared>>
        tpu.enqueue_dma source(%dma_start3A_70 : memref<640x128xf32, #tpu.memory_space<vmem_shared>>) target(%dma_start3A_67 : memref<640x128xf32, #tpu.memory_space<hbm>>) target_semaphore(%run_scoped3A : memref<!tpu.dma_semaphore, #tpu.memory_space<semaphore_mem>>)
        %dma_wait3A_71 = arith.constant 0 : i32
        %dma_wait3A_72 = tpu.memref_slice %arg5[%add3A_65, %dma_wait3A_71] : memref<20000x128xf32, #tpu.memory_space<hbm>> -> memref<640x128xf32, #tpu.memory_space<hbm>>
        %dma_wait3A_73 = arith.constant 9360 : i32
        %dma_wait3A_74 = arith.constant 0 : i32
        %dma_wait3A_75 = tpu.memref_slice %arg10[%dma_wait3A_73, %dma_wait3A_74] : memref<10000x128xf32, #tpu.memory_space<vmem_shared>> -> memref<640x128xf32, #tpu.memory_space<vmem_shared>>
        tpu.wait_dma2 semaphore(%run_scoped3A : memref<!tpu.dma_semaphore, #tpu.memory_space<semaphore_mem>>) src(%dma_wait3A_75 : memref<640x128xf32, #tpu.memory_space<vmem_shared>>) dst(%dma_wait3A_72 : memref<640x128xf32, #tpu.memory_space<hbm>>)
        tpu.yield
      }) : () -> ()
    } else {
    }
    return
  }
}

module attributes {stable_mosaic.version = 14 : i64} {
  func.func @_p1_body(%arg0: i32, %arg1: memref<1000x128xf32, #tpu.memory_space<vmem>>, %arg2: memref<1x128x128xf32, #tpu.memory_space<vmem>>, %arg3: memref<1x128x256xf32, #tpu.memory_space<vmem>>, %arg4: memref<1x1x128xf32, #tpu.memory_space<vmem>>, %arg5: memref<1x1x256xf32, #tpu.memory_space<vmem>>, %arg6: memref<1000x128xf32, #tpu.memory_space<vmem>>, %arg7: memref<1000x256xf32, #tpu.memory_space<vmem>>) attributes {dimension_semantics = [#tpu.dimension_semantics<arbitrary>], iteration_bounds = array<i64: 20>, scalar_prefetch = 0 : i64, scratch_operands = 0 : i64, tpu.core_type = #tpu.core_type<tc>, window_params = [{transform_indices = @transform_0, window_bounds = array<i64: 1000, 128>}, {transform_indices = @transform_1, window_bounds = array<i64: 1, 128, 128>}, {transform_indices = @transform_2, window_bounds = array<i64: 1, 128, 256>}, {transform_indices = @transform_3, window_bounds = array<i64: 1, 1, 128>}, {transform_indices = @transform_4, window_bounds = array<i64: 1, 1, 256>}, {transform_indices = @transform_5, window_bounds = array<i64: 1000, 128>}, {transform_indices = @transform_6, window_bounds = array<i64: 1000, 256>}]} {
    %get3A = arith.constant 0 : index
    %get3A_0 = arith.constant 0 : index
    %get3A_1 = vector.load %arg1[%get3A, %get3A_0] : memref<1000x128xf32, #tpu.memory_space<vmem>>, vector<1000x128xf32>
    %get3A_2 = arith.constant 0 : index
    %get3A_3 = arith.constant 0 : index
    %get3A_4 = arith.constant 0 : index
    %get3A_5 = vector.load %arg2[%get3A_2, %get3A_3, %get3A_4] : memref<1x128x128xf32, #tpu.memory_space<vmem>>, vector<1x128x128xf32>
    %get3A_6 = vector.shape_cast %get3A_5 : vector<1x128x128xf32> to vector<128x128xf32>
    %dot_general3A = arith.constant dense<0.000000e+00> : vector<1000x128xf32>
    %dot_general3A_7 = tpu.matmul %get3A_1, %get3A_6, %dot_general3A {dimension_numbers = #tpu.dot_dimension_numbers<[1], [0], [0], [1], [0, 0, 1, 1], [], []>, transpose_lhs_hint = false} : vector<1000x128xf32>, vector<128x128xf32>, vector<1000x128xf32> -> vector<1000x128xf32>
    %get3A_8 = arith.constant 0 : index
    %get3A_9 = arith.constant 0 : index
    %get3A_10 = arith.constant 0 : index
    %get3A_11 = vector.load %arg4[%get3A_8, %get3A_9, %get3A_10] : memref<1x1x128xf32, #tpu.memory_space<vmem>>, vector<1x1x128xf32>
    %get3A_12 = vector.shape_cast %get3A_11 : vector<1x1x128xf32> to vector<1x128xf32>
    %add3A = vector.broadcast %get3A_12 : vector<1x128xf32> to vector<1000x128xf32>
    %add3A_13 = arith.addf %dot_general3A_7, %add3A : vector<1000x128xf32>
    %swap3A = arith.constant 0 : index
    %swap3A_14 = arith.constant 0 : index
    %swap3A_15 = vector.load %arg6[%swap3A, %swap3A_14] : memref<1000x128xf32, #tpu.memory_space<vmem>>, vector<1000x128xf32>
    tpu.vector_store %arg6[%swap3A, %swap3A_14], %add3A_13 {strides = array<i32>} : memref<1000x128xf32, #tpu.memory_space<vmem>>, vector<1000x128xf32>,
    %get3A_16 = arith.constant 0 : index
    %get3A_17 = arith.constant 0 : index
    %get3A_18 = arith.constant 0 : index
    %get3A_19 = vector.load %arg3[%get3A_16, %get3A_17, %get3A_18] : memref<1x128x256xf32, #tpu.memory_space<vmem>>, vector<1x128x256xf32>
    %get3A_20 = vector.shape_cast %get3A_19 : vector<1x128x256xf32> to vector<128x256xf32>
    %dot_general3A_21 = arith.constant dense<0.000000e+00> : vector<1000x256xf32>
    %dot_general3A_22 = tpu.matmul %get3A_1, %get3A_20, %dot_general3A_21 {dimension_numbers = #tpu.dot_dimension_numbers<[1], [0], [0], [1], [0, 0, 1, 1], [], []>, transpose_lhs_hint = false} : vector<1000x128xf32>, vector<128x256xf32>, vector<1000x256xf32> -> vector<1000x256xf32>
    %get3A_23 = arith.constant 0 : index
    %get3A_24 = arith.constant 0 : index
    %get3A_25 = arith.constant 0 : index
    %get3A_26 = vector.load %arg5[%get3A_23, %get3A_24, %get3A_25] : memref<1x1x256xf32, #tpu.memory_space<vmem>>, vector<1x1x256xf32>
    %get3A_27 = vector.shape_cast %get3A_26 : vector<1x1x256xf32> to vector<1x256xf32>
    %add3A_28 = vector.broadcast %get3A_27 : vector<1x256xf32> to vector<1000x256xf32>
    %add3A_29 = arith.addf %dot_general3A_22, %add3A_28 : vector<1000x256xf32>
    %swap3A_30 = arith.constant 0 : index
    %swap3A_31 = arith.constant 0 : index
    %swap3A_32 = vector.load %arg7[%swap3A_30, %swap3A_31] : memref<1000x256xf32, #tpu.memory_space<vmem>>, vector<1000x256xf32>
    tpu.vector_store %arg7[%swap3A_30, %swap3A_31], %add3A_29 {strides = array<i32>} : memref<1000x256xf32, #tpu.memory_space<vmem>>, vector<1000x256xf32>,
    return
  }
  func.func @transform_0(%arg0: i32) -> (i32, i32) {
    %c0_i32 = arith.constant 0 : i32
    %c0_i32_0 = arith.constant 0 : i32
    return %arg0, %c0_i32 : i32, i32
  }
  func.func @transform_1(%arg0: i32) -> (i32, i32, i32) {
    %jit3A = arith.constant 10 : i32
    %div3A = arith.divsi %arg0, %jit3A : i32
    %sign3A = arith.constant 0 : i32
    %sign3A_0 = arith.cmpi sgt, %arg0, %sign3A : i32
    %sign3A_1 = arith.extui %sign3A_0 : i1 to i32
    %sign3A_2 = arith.constant 0 : i32
    %sign3A_3 = arith.cmpi slt, %arg0, %sign3A_2 : i32
    %sign3A_4 = arith.extui %sign3A_3 : i1 to i32
    %sign3A_5 = arith.subi %sign3A_1, %sign3A_4 : i32
    %sign3A_6 = arith.constant 0 : i32
    %sign3A_7 = arith.cmpi sgt, %jit3A, %sign3A_6 : i32
    %sign3A_8 = arith.extui %sign3A_7 : i1 to i32
    %sign3A_9 = arith.constant 0 : i32
    %sign3A_10 = arith.cmpi slt, %jit3A, %sign3A_9 : i32
    %sign3A_11 = arith.extui %sign3A_10 : i1 to i32
    %sign3A_12 = arith.subi %sign3A_8, %sign3A_11 : i32
    %ne3A = arith.cmpi ne, %sign3A_5, %sign3A_12 : i32
    %rem3A = arith.remsi %arg0, %jit3A : i32
    %ne3A_13 = arith.constant 0 : i32
    %ne3A_14 = arith.cmpi ne, %rem3A, %ne3A_13 : i32
    %and3A = arith.andi %ne3A, %ne3A_14 : i1
    %sub3A = arith.constant 1 : i32
    %sub3A_15 = arith.subi %div3A, %sub3A : i32
    %select_n3A = arith.select %and3A, %sub3A_15, %div3A : i32
    %c0_i32 = arith.constant 0 : i32
    %c0_i32_16 = arith.constant 0 : i32
    %c0_i32_17 = arith.constant 0 : i32
    return %select_n3A, %c0_i32, %c0_i32_16 : i32, i32, i32
  }
  func.func @transform_2(%arg0: i32) -> (i32, i32, i32) {
    %jit3A = arith.constant 10 : i32
    %div3A = arith.divsi %arg0, %jit3A : i32
    %sign3A = arith.constant 0 : i32
    %sign3A_0 = arith.cmpi sgt, %arg0, %sign3A : i32
    %sign3A_1 = arith.extui %sign3A_0 : i1 to i32
    %sign3A_2 = arith.constant 0 : i32
    %sign3A_3 = arith.cmpi slt, %arg0, %sign3A_2 : i32
    %sign3A_4 = arith.extui %sign3A_3 : i1 to i32
    %sign3A_5 = arith.subi %sign3A_1, %sign3A_4 : i32
    %sign3A_6 = arith.constant 0 : i32
    %sign3A_7 = arith.cmpi sgt, %jit3A, %sign3A_6 : i32
    %sign3A_8 = arith.extui %sign3A_7 : i1 to i32
    %sign3A_9 = arith.constant 0 : i32
    %sign3A_10 = arith.cmpi slt, %jit3A, %sign3A_9 : i32
    %sign3A_11 = arith.extui %sign3A_10 : i1 to i32
    %sign3A_12 = arith.subi %sign3A_8, %sign3A_11 : i32
    %ne3A = arith.cmpi ne, %sign3A_5, %sign3A_12 : i32
    %rem3A = arith.remsi %arg0, %jit3A : i32
    %ne3A_13 = arith.constant 0 : i32
    %ne3A_14 = arith.cmpi ne, %rem3A, %ne3A_13 : i32
    %and3A = arith.andi %ne3A, %ne3A_14 : i1
    %sub3A = arith.constant 1 : i32
    %sub3A_15 = arith.subi %div3A, %sub3A : i32
    %select_n3A = arith.select %and3A, %sub3A_15, %div3A : i32
    %c0_i32 = arith.constant 0 : i32
    %c0_i32_16 = arith.constant 0 : i32
    %c0_i32_17 = arith.constant 0 : i32
    return %select_n3A, %c0_i32, %c0_i32_16 : i32, i32, i32
  }
  func.func @transform_3(%arg0: i32) -> (i32, i32, i32) {
    %jit3A = arith.constant 10 : i32
    %div3A = arith.divsi %arg0, %jit3A : i32
    %sign3A = arith.constant 0 : i32
    %sign3A_0 = arith.cmpi sgt, %arg0, %sign3A : i32
    %sign3A_1 = arith.extui %sign3A_0 : i1 to i32
    %sign3A_2 = arith.constant 0 : i32
    %sign3A_3 = arith.cmpi slt, %arg0, %sign3A_2 : i32
    %sign3A_4 = arith.extui %sign3A_3 : i1 to i32
    %sign3A_5 = arith.subi %sign3A_1, %sign3A_4 : i32
    %sign3A_6 = arith.constant 0 : i32
    %sign3A_7 = arith.cmpi sgt, %jit3A, %sign3A_6 : i32
    %sign3A_8 = arith.extui %sign3A_7 : i1 to i32
    %sign3A_9 = arith.constant 0 : i32
    %sign3A_10 = arith.cmpi slt, %jit3A, %sign3A_9 : i32
    %sign3A_11 = arith.extui %sign3A_10 : i1 to i32
    %sign3A_12 = arith.subi %sign3A_8, %sign3A_11 : i32
    %ne3A = arith.cmpi ne, %sign3A_5, %sign3A_12 : i32
    %rem3A = arith.remsi %arg0, %jit3A : i32
    %ne3A_13 = arith.constant 0 : i32
    %ne3A_14 = arith.cmpi ne, %rem3A, %ne3A_13 : i32
    %and3A = arith.andi %ne3A, %ne3A_14 : i1
    %sub3A = arith.constant 1 : i32
    %sub3A_15 = arith.subi %div3A, %sub3A : i32
    %select_n3A = arith.select %and3A, %sub3A_15, %div3A : i32
    %c0_i32 = arith.constant 0 : i32
    %c0_i32_16 = arith.constant 0 : i32
    %c0_i32_17 = arith.constant 0 : i32
    return %select_n3A, %c0_i32, %c0_i32_16 : i32, i32, i32
  }
  func.func @transform_4(%arg0: i32) -> (i32, i32, i32) {
    %jit3A = arith.constant 10 : i32
    %div3A = arith.divsi %arg0, %jit3A : i32
    %sign3A = arith.constant 0 : i32
    %sign3A_0 = arith.cmpi sgt, %arg0, %sign3A : i32
    %sign3A_1 = arith.extui %sign3A_0 : i1 to i32
    %sign3A_2 = arith.constant 0 : i32
    %sign3A_3 = arith.cmpi slt, %arg0, %sign3A_2 : i32
    %sign3A_4 = arith.extui %sign3A_3 : i1 to i32
    %sign3A_5 = arith.subi %sign3A_1, %sign3A_4 : i32
    %sign3A_6 = arith.constant 0 : i32
    %sign3A_7 = arith.cmpi sgt, %jit3A, %sign3A_6 : i32
    %sign3A_8 = arith.extui %sign3A_7 : i1 to i32
    %sign3A_9 = arith.constant 0 : i32
    %sign3A_10 = arith.cmpi slt, %jit3A, %sign3A_9 : i32
    %sign3A_11 = arith.extui %sign3A_10 : i1 to i32
    %sign3A_12 = arith.subi %sign3A_8, %sign3A_11 : i32
    %ne3A = arith.cmpi ne, %sign3A_5, %sign3A_12 : i32
    %rem3A = arith.remsi %arg0, %jit3A : i32
    %ne3A_13 = arith.constant 0 : i32
    %ne3A_14 = arith.cmpi ne, %rem3A, %ne3A_13 : i32
    %and3A = arith.andi %ne3A, %ne3A_14 : i1
    %sub3A = arith.constant 1 : i32
    %sub3A_15 = arith.subi %div3A, %sub3A : i32
    %select_n3A = arith.select %and3A, %sub3A_15, %div3A : i32
    %c0_i32 = arith.constant 0 : i32
    %c0_i32_16 = arith.constant 0 : i32
    %c0_i32_17 = arith.constant 0 : i32
    return %select_n3A, %c0_i32, %c0_i32_16 : i32, i32, i32
  }
  func.func @transform_5(%arg0: i32) -> (i32, i32) {
    %c0_i32 = arith.constant 0 : i32
    %c0_i32_0 = arith.constant 0 : i32
    return %arg0, %c0_i32 : i32, i32
  }
  func.func @transform_6(%arg0: i32) -> (i32, i32) {
    %c0_i32 = arith.constant 0 : i32
    %c0_i32_0 = arith.constant 0 : i32
    return %arg0, %c0_i32 : i32, i32
  }
}

module attributes {stable_mosaic.version = 14 : i64} {
  func.func @_p2_body(%arg0: i32, %arg1: memref<1280x128xf32, #tpu.memory_space<vmem>>, %arg2: memref<1280x256xf32, #tpu.memory_space<vmem>>, %arg3: memref<1280x128xf32, #tpu.memory_space<vmem>>, %arg4: memref<1280x128xf32, #tpu.memory_space<vmem>>) attributes {dimension_semantics = [#tpu.dimension_semantics<arbitrary>], iteration_bounds = array<i64: 256>, scalar_prefetch = 0 : i64, scratch_operands = 0 : i64, tpu.core_type = #tpu.core_type<tc>, window_params = [{transform_indices = @transform_0, window_bounds = array<i64: 1280, 128>}, {transform_indices = @transform_1, window_bounds = array<i64: 1280, 256>}, {transform_indices = @transform_2, window_bounds = array<i64: 1280, 128>}, {transform_indices = @transform_3, window_bounds = array<i64: 1280, 128>}]} {
    %get3A = arith.constant 0 : index
    %get3A_0 = arith.constant 0 : index
    %get3A_1 = vector.load %arg1[%get3A, %get3A_0] : memref<1280x128xf32, #tpu.memory_space<vmem>>, vector<1280x128xf32>
    %get3A_2 = arith.constant 0 : index
    %get3A_3 = arith.constant 0 : index
    %get3A_4 = vector.load %arg2[%get3A_2, %get3A_3] : memref<1280x256xf32, #tpu.memory_space<vmem>>, vector<1280x128xf32>
    %get3A_5 = arith.constant 0 : index
    %get3A_6 = arith.constant 128 : index
    %get3A_7 = vector.load %arg2[%get3A_5, %get3A_6] : memref<1280x256xf32, #tpu.memory_space<vmem>>, vector<1280x128xf32>
    %iota3A = tpu.iota {dimensions = array<i32: 0>} : vector<128x8xi32>
    %jit3A = arith.constant 16 : i32
    %div3A = vector.broadcast %jit3A : i32 to vector<128x8xi32>
    %div3A_8 = arith.divsi %iota3A, %div3A : vector<128x8xi32>
    %sign3A = arith.constant 0 : i32
    %sign3A_9 = vector.broadcast %sign3A : i32 to vector<128x8xi32>
    %sign3A_10 = arith.cmpi sgt, %iota3A, %sign3A_9 : vector<128x8xi32>
    %sign3A_11 = arith.extui %sign3A_10 : vector<128x8xi1> to vector<128x8xi32>
    %sign3A_12 = arith.constant 0 : i32
    %sign3A_13 = vector.broadcast %sign3A_12 : i32 to vector<128x8xi32>
    %sign3A_14 = arith.cmpi slt, %iota3A, %sign3A_13 : vector<128x8xi32>
    %sign3A_15 = arith.extui %sign3A_14 : vector<128x8xi1> to vector<128x8xi32>
    %sign3A_16 = arith.subi %sign3A_11, %sign3A_15 : vector<128x8xi32>
    %sign3A_17 = arith.constant 0 : i32
    %sign3A_18 = arith.cmpi sgt, %jit3A, %sign3A_17 : i32
    %sign3A_19 = arith.extui %sign3A_18 : i1 to i32
    %sign3A_20 = arith.constant 0 : i32
    %sign3A_21 = arith.cmpi slt, %jit3A, %sign3A_20 : i32
    %sign3A_22 = arith.extui %sign3A_21 : i1 to i32
    %sign3A_23 = arith.subi %sign3A_19, %sign3A_22 : i32
    %ne3A = vector.broadcast %sign3A_23 : i32 to vector<128x8xi32>
    %ne3A_24 = arith.cmpi ne, %sign3A_16, %ne3A : vector<128x8xi32>
    %rem3A = vector.broadcast %jit3A : i32 to vector<128x8xi32>
    %rem3A_25 = arith.remsi %iota3A, %rem3A : vector<128x8xi32>
    %ne3A_26 = arith.constant 0 : i32
    %ne3A_27 = vector.broadcast %ne3A_26 : i32 to vector<128x8xi32>
    %ne3A_28 = arith.cmpi ne, %rem3A_25, %ne3A_27 : vector<128x8xi32>
    %and3A = arith.andi %ne3A_24, %ne3A_28 : vector<128x8xi1>
    %sub3A = arith.constant 1 : i32
    %sub3A_29 = vector.broadcast %sub3A : i32 to vector<128x8xi32>
    %sub3A_30 = arith.subi %div3A_8, %sub3A_29 : vector<128x8xi32>
    %select_n3A = arith.select %and3A, %sub3A_30, %div3A_8 : vector<128x8xi1>, vector<128x8xi32>
    %iota3A_31 = tpu.iota {dimensions = array<i32: 1>} : vector<128x8xi32>
    %eq3A = arith.cmpi eq, %select_n3A, %iota3A_31 : vector<128x8xi32>
    %convert_element_type3A = arith.extui %eq3A : vector<128x8xi1> to vector<128x8xi32>
    %convert_element_type3A_32 = arith.sitofp %convert_element_type3A : vector<128x8xi32> to vector<128x8xf32>
    %mul3A = arith.mulf %get3A_1, %get3A_4 : vector<1280x128xf32>
    %dot_general3A = arith.constant dense<0.000000e+00> : vector<1280x8xf32>
    %dot_general3A_33 = tpu.matmul %mul3A, %convert_element_type3A_32, %dot_general3A {dimension_numbers = #tpu.dot_dimension_numbers<[1], [0], [0], [1], [0, 0, 1, 1], [], []>, transpose_lhs_hint = false} : vector<1280x128xf32>, vector<128x8xf32>, vector<1280x8xf32> -> vector<1280x8xf32>
    %mul3A_34 = arith.constant 1280 : i32
    %mul3A_35 = arith.muli %arg0, %mul3A_34 : i32
    %iota3A_36 = tpu.iota {dimensions = array<i32: 0>} : vector<1280x1xi32>
    %add3A = vector.broadcast %mul3A_35 : i32 to vector<1280x1xi32>
    %add3A_37 = arith.addi %add3A, %iota3A_36 : vector<1280x1xi32>
    %ge3A = arith.constant 163840 : i32
    %ge3A_38 = vector.broadcast %ge3A : i32 to vector<1280x1xi32>
    %ge3A_39 = arith.cmpi sge, %add3A_37, %ge3A_38 : vector<1280x1xi32>
    %sub3A_40 = arith.constant 163840 : i32
    %sub3A_41 = vector.broadcast %sub3A_40 : i32 to vector<1280x1xi32>
    %sub3A_42 = arith.subi %add3A_37, %sub3A_41 : vector<1280x1xi32>
    %select_n3A_43 = arith.select %ge3A_39, %sub3A_42, %add3A_37 : vector<1280x1xi1>, vector<1280x1xi32>
    %exp3A = math.exp %dot_general3A_33 : vector<1280x8xf32>
    %lt3A = arith.constant 160000 : i32
    %lt3A_44 = vector.broadcast %lt3A : i32 to vector<1280x1xi32>
    %lt3A_45 = arith.cmpi slt, %select_n3A_43, %lt3A_44 : vector<1280x1xi32>
    %convert_element_type3A_46 = arith.extui %lt3A_45 : vector<1280x1xi1> to vector<1280x1xi32>
    %convert_element_type3A_47 = arith.sitofp %convert_element_type3A_46 : vector<1280x1xi32> to vector<1280x1xf32>
    %mul3A_48 = vector.broadcast %convert_element_type3A_47 : vector<1280x1xf32> to vector<1280x8xf32>
    %mul3A_49 = arith.mulf %exp3A, %mul3A_48 : vector<1280x8xf32>
    %transpose3A = tpu.transpose %convert_element_type3A_32, [1, 0] : vector<128x8xf32> -> vector<8x128xf32>
    %dot_general3A_50 = arith.constant dense<0.000000e+00> : vector<1280x128xf32>
    %dot_general3A_51 = tpu.matmul %mul3A_49, %transpose3A, %dot_general3A_50 {dimension_numbers = #tpu.dot_dimension_numbers<[1], [0], [0], [1], [0, 0, 1, 1], [], []>, transpose_lhs_hint = false} : vector<1280x8xf32>, vector<8x128xf32>, vector<1280x128xf32> -> vector<1280x128xf32>
    %mul3A_52 = arith.mulf %get3A_7, %dot_general3A_51 : vector<1280x128xf32>
    %swap3A = arith.constant 0 : index
    %swap3A_53 = arith.constant 0 : index
    %swap3A_54 = vector.load %arg3[%swap3A, %swap3A_53] : memref<1280x128xf32, #tpu.memory_space<vmem>>, vector<1280x128xf32>
    tpu.vector_store %arg3[%swap3A, %swap3A_53], %mul3A_52 {strides = array<i32>} : memref<1280x128xf32, #tpu.memory_space<vmem>>, vector<1280x128xf32>,
    %swap3A_55 = arith.constant 0 : index
    %swap3A_56 = arith.constant 0 : index
    %swap3A_57 = vector.load %arg4[%swap3A_55, %swap3A_56] : memref<1280x128xf32, #tpu.memory_space<vmem>>, vector<1280x128xf32>
    tpu.vector_store %arg4[%swap3A_55, %swap3A_56], %dot_general3A_51 {strides = array<i32>} : memref<1280x128xf32, #tpu.memory_space<vmem>>, vector<1280x128xf32>,
    return
  }
  func.func @transform_0(%arg0: i32) -> (i32, i32) {
    %c0_i32 = arith.constant 0 : i32
    %c0_i32_0 = arith.constant 0 : i32
    return %arg0, %c0_i32 : i32, i32
  }
  func.func @transform_1(%arg0: i32) -> (i32, i32) {
    %c0_i32 = arith.constant 0 : i32
    %c0_i32_0 = arith.constant 0 : i32
    return %arg0, %c0_i32 : i32, i32
  }
  func.func @transform_2(%arg0: i32) -> (i32, i32) {
    %c0_i32 = arith.constant 0 : i32
    %c0_i32_0 = arith.constant 0 : i32
    return %arg0, %c0_i32 : i32, i32
  }
  func.func @transform_3(%arg0: i32) -> (i32, i32) {
    %c0_i32 = arith.constant 0 : i32
    %c0_i32_0 = arith.constant 0 : i32
    return %arg0, %c0_i32 : i32, i32
  }
}

module attributes {stable_mosaic.version = 14 : i64} {
  func.func @_p4_body(%arg0: i32, %arg1: memref<1000x128xf32, #tpu.memory_space<vmem>>, %arg2: memref<1000x128xf32, #tpu.memory_space<vmem>>, %arg3: memref<1000x128xf32, #tpu.memory_space<vmem>>, %arg4: memref<1x128x128xf32, #tpu.memory_space<vmem>>, %arg5: memref<1x1x128xf32, #tpu.memory_space<vmem>>, %arg6: memref<1x1x1xf32, #tpu.memory_space<vmem>>, %arg7: memref<1x1x128xf32, #tpu.memory_space<vmem>>, %arg8: memref<1x1x128xf32, #tpu.memory_space<vmem>>, %arg9: memref<1000x128xf32, #tpu.memory_space<vmem>>) attributes {dimension_semantics = [#tpu.dimension_semantics<arbitrary>], iteration_bounds = array<i64: 20>, scalar_prefetch = 0 : i64, scratch_operands = 0 : i64, tpu.core_type = #tpu.core_type<tc>, window_params = [{transform_indices = @transform_0, window_bounds = array<i64: 1000, 128>}, {transform_indices = @transform_1, window_bounds = array<i64: 1000, 128>}, {transform_indices = @transform_2, window_bounds = array<i64: 1000, 128>}, {transform_indices = @transform_3, window_bounds = array<i64: 1, 128, 128>}, {transform_indices = @transform_4, window_bounds = array<i64: 1, 1, 128>}, {transform_indices = @transform_5, window_bounds = array<i64: 1, 1, 1>}, {transform_indices = @transform_6, window_bounds = array<i64: 1, 1, 128>}, {transform_indices = @transform_7, window_bounds = array<i64: 1, 1, 128>}, {transform_indices = @transform_8, window_bounds = array<i64: 1000, 128>}]} {
    %get3A = arith.constant 0 : index
    %get3A_0 = arith.constant 0 : index
    %get3A_1 = vector.load %arg2[%get3A, %get3A_0] : memref<1000x128xf32, #tpu.memory_space<vmem>>, vector<1000x128xf32>
    %gt3A = arith.constant 0.000000e+00 : f32
    %gt3A_2 = vector.broadcast %gt3A : f32 to vector<1000x128xf32>
    %gt3A_3 = arith.cmpf ogt, %get3A_1, %gt3A_2 : vector<1000x128xf32>
    %get3A_4 = arith.constant 0 : index
    %get3A_5 = arith.constant 0 : index
    %get3A_6 = vector.load %arg1[%get3A_4, %get3A_5] : memref<1000x128xf32, #tpu.memory_space<vmem>>, vector<1000x128xf32>
    %gt3A_7 = arith.constant 0.000000e+00 : f32
    %gt3A_8 = vector.broadcast %gt3A_7 : f32 to vector<1000x128xf32>
    %gt3A_9 = arith.cmpf ogt, %get3A_1, %gt3A_8 : vector<1000x128xf32>
    %jit3A = arith.constant 1.000000e+00 : f32
    %broadcast_in_dim3A = vector.broadcast %jit3A : f32 to vector<1000x128xf32>
    %select_n3A = arith.select %gt3A_9, %get3A_1, %broadcast_in_dim3A : vector<1000x128xi1>, vector<1000x128xf32>
    %div3A = arith.divf %get3A_6, %select_n3A : vector<1000x128xf32>
    %jit3A_10 = arith.constant 0.000000e+00 : f32
    %broadcast_in_dim3A_11 = vector.broadcast %jit3A_10 : f32 to vector<1000x128xf32>
    %select_n3A_12 = arith.select %gt3A_3, %div3A, %broadcast_in_dim3A_11 : vector<1000x128xi1>, vector<1000x128xf32>
    %get3A_13 = arith.constant 0 : index
    %get3A_14 = arith.constant 0 : index
    %get3A_15 = arith.constant 0 : index
    %get3A_16 = vector.load %arg4[%get3A_13, %get3A_14, %get3A_15] : memref<1x128x128xf32, #tpu.memory_space<vmem>>, vector<1x128x128xf32>
    %get3A_17 = vector.shape_cast %get3A_16 : vector<1x128x128xf32> to vector<128x128xf32>
    %dot_general3A = arith.constant dense<0.000000e+00> : vector<1000x128xf32>
    %dot_general3A_18 = tpu.matmul %select_n3A_12, %get3A_17, %dot_general3A {dimension_numbers = #tpu.dot_dimension_numbers<[1], [0], [0], [1], [0, 0, 1, 1], [], []>, transpose_lhs_hint = false} : vector<1000x128xf32>, vector<128x128xf32>, vector<1000x128xf32> -> vector<1000x128xf32>
    %get3A_19 = arith.constant 0 : index
    %get3A_20 = arith.constant 0 : index
    %get3A_21 = arith.constant 0 : index
    %get3A_22 = vector.load %arg5[%get3A_19, %get3A_20, %get3A_21] : memref<1x1x128xf32, #tpu.memory_space<vmem>>, vector<1x1x128xf32>
    %get3A_23 = vector.shape_cast %get3A_22 : vector<1x1x128xf32> to vector<1x128xf32>
    %add3A = vector.broadcast %get3A_23 : vector<1x128xf32> to vector<1000x128xf32>
    %add3A_24 = arith.addf %dot_general3A_18, %add3A : vector<1000x128xf32>
    %get3A_25 = arith.constant 0 : index
    %get3A_26 = arith.constant 0 : index
    %get3A_27 = arith.constant 0 : index
    %get3A_28 = vector.load %arg6[%get3A_25, %get3A_26, %get3A_27] : memref<1x1x1xf32, #tpu.memory_space<vmem>>, vector<1x1x1xf32>
    %get3A_29 = vector.shape_cast %get3A_28 : vector<1x1x1xf32> to vector<1x1xf32>
    %mul3A = vector.broadcast %get3A_29 : vector<1x1xf32> to vector<1000x128xf32>
    %mul3A_30 = arith.mulf %mul3A, %add3A_24 : vector<1000x128xf32>
    %sub3A = arith.constant 1.000000e+00 : f32
    %sub3A_31 = vector.broadcast %sub3A : f32 to vector<1x1xf32>
    %sub3A_32 = arith.subf %sub3A_31, %get3A_29 : vector<1x1xf32>
    %get3A_33 = arith.constant 0 : index
    %get3A_34 = arith.constant 0 : index
    %get3A_35 = vector.load %arg3[%get3A_33, %get3A_34] : memref<1000x128xf32, #tpu.memory_space<vmem>>, vector<1000x128xf32>
    %mul3A_36 = vector.broadcast %sub3A_32 : vector<1x1xf32> to vector<1000x128xf32>
    %mul3A_37 = arith.mulf %mul3A_36, %get3A_35 : vector<1000x128xf32>
    %add3A_38 = arith.addf %mul3A_30, %mul3A_37 : vector<1000x128xf32>
    %reduce_sum3A = arith.constant dense<0.000000e+00> : vector<1000xf32>
    %reduce_sum3A_39 = vector.multi_reduction <add>, %add3A_38, %reduce_sum3A [1] : vector<1000x128xf32> to vector<1000xf32>
    %broadcast_in_dim3A_40 = vector.shape_cast %reduce_sum3A_39 : vector<1000xf32> to vector<1000x1xf32>
    %div3A_41 = arith.constant 1.280000e+02 : f32
    %div3A_42 = vector.broadcast %div3A_41 : f32 to vector<1000x1xf32>
    %div3A_43 = arith.divf %broadcast_in_dim3A_40, %div3A_42 : vector<1000x1xf32>
    %sub3A_44 = vector.broadcast %div3A_43 : vector<1000x1xf32> to vector<1000x128xf32>
    %sub3A_45 = arith.subf %add3A_38, %sub3A_44 : vector<1000x128xf32>
    %integer_pow3A = arith.mulf %sub3A_45, %sub3A_45 : vector<1000x128xf32>
    %reduce_sum3A_46 = arith.constant dense<0.000000e+00> : vector<1000xf32>
    %reduce_sum3A_47 = vector.multi_reduction <add>, %integer_pow3A, %reduce_sum3A_46 [1] : vector<1000x128xf32> to vector<1000xf32>
    %broadcast_in_dim3A_48 = vector.shape_cast %reduce_sum3A_47 : vector<1000xf32> to vector<1000x1xf32>
    %div3A_49 = arith.constant 1.280000e+02 : f32
    %div3A_50 = vector.broadcast %div3A_49 : f32 to vector<1000x1xf32>
    %div3A_51 = arith.divf %broadcast_in_dim3A_48, %div3A_50 : vector<1000x1xf32>
    %sub3A_52 = vector.broadcast %div3A_43 : vector<1000x1xf32> to vector<1000x128xf32>
    %sub3A_53 = arith.subf %add3A_38, %sub3A_52 : vector<1000x128xf32>
    %add3A_54 = arith.constant 9.99999974E-6 : f32
    %add3A_55 = vector.broadcast %add3A_54 : f32 to vector<1000x1xf32>
    %add3A_56 = arith.addf %div3A_51, %add3A_55 : vector<1000x1xf32>
    %rsqrt3A = math.rsqrt %add3A_56 : vector<1000x1xf32>
    %mul3A_57 = vector.broadcast %rsqrt3A : vector<1000x1xf32> to vector<1000x128xf32>
    %mul3A_58 = arith.mulf %sub3A_53, %mul3A_57 : vector<1000x128xf32>
    %get3A_59 = arith.constant 0 : index
    %get3A_60 = arith.constant 0 : index
    %get3A_61 = arith.constant 0 : index
    %get3A_62 = vector.load %arg7[%get3A_59, %get3A_60, %get3A_61] : memref<1x1x128xf32, #tpu.memory_space<vmem>>, vector<1x1x128xf32>
    %get3A_63 = vector.shape_cast %get3A_62 : vector<1x1x128xf32> to vector<1x128xf32>
    %mul3A_64 = vector.broadcast %get3A_63 : vector<1x128xf32> to vector<1000x128xf32>
    %mul3A_65 = arith.mulf %mul3A_58, %mul3A_64 : vector<1000x128xf32>
    %get3A_66 = arith.constant 0 : index
    %get3A_67 = arith.constant 0 : index
    %get3A_68 = arith.constant 0 : index
    %get3A_69 = vector.load %arg8[%get3A_66, %get3A_67, %get3A_68] : memref<1x1x128xf32, #tpu.memory_space<vmem>>, vector<1x1x128xf32>
    %get3A_70 = vector.shape_cast %get3A_69 : vector<1x1x128xf32> to vector<1x128xf32>
    %add3A_71 = vector.broadcast %get3A_70 : vector<1x128xf32> to vector<1000x128xf32>
    %add3A_72 = arith.addf %mul3A_65, %add3A_71 : vector<1000x128xf32>
    %swap3A = arith.constant 0 : index
    %swap3A_73 = arith.constant 0 : index
    %swap3A_74 = vector.load %arg9[%swap3A, %swap3A_73] : memref<1000x128xf32, #tpu.memory_space<vmem>>, vector<1000x128xf32>
    tpu.vector_store %arg9[%swap3A, %swap3A_73], %add3A_72 {strides = array<i32>} : memref<1000x128xf32, #tpu.memory_space<vmem>>, vector<1000x128xf32>,
    return
  }
  func.func @transform_0(%arg0: i32) -> (i32, i32) {
    %c0_i32 = arith.constant 0 : i32
    %c0_i32_0 = arith.constant 0 : i32
    return %arg0, %c0_i32 : i32, i32
  }
  func.func @transform_1(%arg0: i32) -> (i32, i32) {
    %c0_i32 = arith.constant 0 : i32
    %c0_i32_0 = arith.constant 0 : i32
    return %arg0, %c0_i32 : i32, i32
  }
  func.func @transform_2(%arg0: i32) -> (i32, i32) {
    %c0_i32 = arith.constant 0 : i32
    %c0_i32_0 = arith.constant 0 : i32
    return %arg0, %c0_i32 : i32, i32
  }
  func.func @transform_3(%arg0: i32) -> (i32, i32, i32) {
    %jit3A = arith.constant 10 : i32
    %div3A = arith.divsi %arg0, %jit3A : i32
    %sign3A = arith.constant 0 : i32
    %sign3A_0 = arith.cmpi sgt, %arg0, %sign3A : i32
    %sign3A_1 = arith.extui %sign3A_0 : i1 to i32
    %sign3A_2 = arith.constant 0 : i32
    %sign3A_3 = arith.cmpi slt, %arg0, %sign3A_2 : i32
    %sign3A_4 = arith.extui %sign3A_3 : i1 to i32
    %sign3A_5 = arith.subi %sign3A_1, %sign3A_4 : i32
    %sign3A_6 = arith.constant 0 : i32
    %sign3A_7 = arith.cmpi sgt, %jit3A, %sign3A_6 : i32
    %sign3A_8 = arith.extui %sign3A_7 : i1 to i32
    %sign3A_9 = arith.constant 0 : i32
    %sign3A_10 = arith.cmpi slt, %jit3A, %sign3A_9 : i32
    %sign3A_11 = arith.extui %sign3A_10 : i1 to i32
    %sign3A_12 = arith.subi %sign3A_8, %sign3A_11 : i32
    %ne3A = arith.cmpi ne, %sign3A_5, %sign3A_12 : i32
    %rem3A = arith.remsi %arg0, %jit3A : i32
    %ne3A_13 = arith.constant 0 : i32
    %ne3A_14 = arith.cmpi ne, %rem3A, %ne3A_13 : i32
    %and3A = arith.andi %ne3A, %ne3A_14 : i1
    %sub3A = arith.constant 1 : i32
    %sub3A_15 = arith.subi %div3A, %sub3A : i32
    %select_n3A = arith.select %and3A, %sub3A_15, %div3A : i32
    %c0_i32 = arith.constant 0 : i32
    %c0_i32_16 = arith.constant 0 : i32
    %c0_i32_17 = arith.constant 0 : i32
    return %select_n3A, %c0_i32, %c0_i32_16 : i32, i32, i32
  }
  func.func @transform_4(%arg0: i32) -> (i32, i32, i32) {
    %jit3A = arith.constant 10 : i32
    %div3A = arith.divsi %arg0, %jit3A : i32
    %sign3A = arith.constant 0 : i32
    %sign3A_0 = arith.cmpi sgt, %arg0, %sign3A : i32
    %sign3A_1 = arith.extui %sign3A_0 : i1 to i32
    %sign3A_2 = arith.constant 0 : i32
    %sign3A_3 = arith.cmpi slt, %arg0, %sign3A_2 : i32
    %sign3A_4 = arith.extui %sign3A_3 : i1 to i32
    %sign3A_5 = arith.subi %sign3A_1, %sign3A_4 : i32
    %sign3A_6 = arith.constant 0 : i32
    %sign3A_7 = arith.cmpi sgt, %jit3A, %sign3A_6 : i32
    %sign3A_8 = arith.extui %sign3A_7 : i1 to i32
    %sign3A_9 = arith.constant 0 : i32
    %sign3A_10 = arith.cmpi slt, %jit3A, %sign3A_9 : i32
    %sign3A_11 = arith.extui %sign3A_10 : i1 to i32
    %sign3A_12 = arith.subi %sign3A_8, %sign3A_11 : i32
    %ne3A = arith.cmpi ne, %sign3A_5, %sign3A_12 : i32
    %rem3A = arith.remsi %arg0, %jit3A : i32
    %ne3A_13 = arith.constant 0 : i32
    %ne3A_14 = arith.cmpi ne, %rem3A, %ne3A_13 : i32
    %and3A = arith.andi %ne3A, %ne3A_14 : i1
    %sub3A = arith.constant 1 : i32
    %sub3A_15 = arith.subi %div3A, %sub3A : i32
    %select_n3A = arith.select %and3A, %sub3A_15, %div3A : i32
    %c0_i32 = arith.constant 0 : i32
    %c0_i32_16 = arith.constant 0 : i32
    %c0_i32_17 = arith.constant 0 : i32
    return %select_n3A, %c0_i32, %c0_i32_16 : i32, i32, i32
  }
  func.func @transform_5(%arg0: i32) -> (i32, i32, i32) {
    %jit3A = arith.constant 10 : i32
    %div3A = arith.divsi %arg0, %jit3A : i32
    %sign3A = arith.constant 0 : i32
    %sign3A_0 = arith.cmpi sgt, %arg0, %sign3A : i32
    %sign3A_1 = arith.extui %sign3A_0 : i1 to i32
    %sign3A_2 = arith.constant 0 : i32
    %sign3A_3 = arith.cmpi slt, %arg0, %sign3A_2 : i32
    %sign3A_4 = arith.extui %sign3A_3 : i1 to i32
    %sign3A_5 = arith.subi %sign3A_1, %sign3A_4 : i32
    %sign3A_6 = arith.constant 0 : i32
    %sign3A_7 = arith.cmpi sgt, %jit3A, %sign3A_6 : i32
    %sign3A_8 = arith.extui %sign3A_7 : i1 to i32
    %sign3A_9 = arith.constant 0 : i32
    %sign3A_10 = arith.cmpi slt, %jit3A, %sign3A_9 : i32
    %sign3A_11 = arith.extui %sign3A_10 : i1 to i32
    %sign3A_12 = arith.subi %sign3A_8, %sign3A_11 : i32
    %ne3A = arith.cmpi ne, %sign3A_5, %sign3A_12 : i32
    %rem3A = arith.remsi %arg0, %jit3A : i32
    %ne3A_13 = arith.constant 0 : i32
    %ne3A_14 = arith.cmpi ne, %rem3A, %ne3A_13 : i32
    %and3A = arith.andi %ne3A, %ne3A_14 : i1
    %sub3A = arith.constant 1 : i32
    %sub3A_15 = arith.subi %div3A, %sub3A : i32
    %select_n3A = arith.select %and3A, %sub3A_15, %div3A : i32
    %c0_i32 = arith.constant 0 : i32
    %c0_i32_16 = arith.constant 0 : i32
    %c0_i32_17 = arith.constant 0 : i32
    return %select_n3A, %c0_i32, %c0_i32_16 : i32, i32, i32
  }
  func.func @transform_6(%arg0: i32) -> (i32, i32, i32) {
    %jit3A = arith.constant 10 : i32
    %div3A = arith.divsi %arg0, %jit3A : i32
    %sign3A = arith.constant 0 : i32
    %sign3A_0 = arith.cmpi sgt, %arg0, %sign3A : i32
    %sign3A_1 = arith.extui %sign3A_0 : i1 to i32
    %sign3A_2 = arith.constant 0 : i32
    %sign3A_3 = arith.cmpi slt, %arg0, %sign3A_2 : i32
    %sign3A_4 = arith.extui %sign3A_3 : i1 to i32
    %sign3A_5 = arith.subi %sign3A_1, %sign3A_4 : i32
    %sign3A_6 = arith.constant 0 : i32
    %sign3A_7 = arith.cmpi sgt, %jit3A, %sign3A_6 : i32
    %sign3A_8 = arith.extui %sign3A_7 : i1 to i32
    %sign3A_9 = arith.constant 0 : i32
    %sign3A_10 = arith.cmpi slt, %jit3A, %sign3A_9 : i32
    %sign3A_11 = arith.extui %sign3A_10 : i1 to i32
    %sign3A_12 = arith.subi %sign3A_8, %sign3A_11 : i32
    %ne3A = arith.cmpi ne, %sign3A_5, %sign3A_12 : i32
    %rem3A = arith.remsi %arg0, %jit3A : i32
    %ne3A_13 = arith.constant 0 : i32
    %ne3A_14 = arith.cmpi ne, %rem3A, %ne3A_13 : i32
    %and3A = arith.andi %ne3A, %ne3A_14 : i1
    %sub3A = arith.constant 1 : i32
    %sub3A_15 = arith.subi %div3A, %sub3A : i32
    %select_n3A = arith.select %and3A, %sub3A_15, %div3A : i32
    %c0_i32 = arith.constant 0 : i32
    %c0_i32_16 = arith.constant 0 : i32
    %c0_i32_17 = arith.constant 0 : i32
    return %select_n3A, %c0_i32, %c0_i32_16 : i32, i32, i32
  }
  func.func @transform_7(%arg0: i32) -> (i32, i32, i32) {
    %jit3A = arith.constant 10 : i32
    %div3A = arith.divsi %arg0, %jit3A : i32
    %sign3A = arith.constant 0 : i32
    %sign3A_0 = arith.cmpi sgt, %arg0, %sign3A : i32
    %sign3A_1 = arith.extui %sign3A_0 : i1 to i32
    %sign3A_2 = arith.constant 0 : i32
    %sign3A_3 = arith.cmpi slt, %arg0, %sign3A_2 : i32
    %sign3A_4 = arith.extui %sign3A_3 : i1 to i32
    %sign3A_5 = arith.subi %sign3A_1, %sign3A_4 : i32
    %sign3A_6 = arith.constant 0 : i32
    %sign3A_7 = arith.cmpi sgt, %jit3A, %sign3A_6 : i32
    %sign3A_8 = arith.extui %sign3A_7 : i1 to i32
    %sign3A_9 = arith.constant 0 : i32
    %sign3A_10 = arith.cmpi slt, %jit3A, %sign3A_9 : i32
    %sign3A_11 = arith.extui %sign3A_10 : i1 to i32
    %sign3A_12 = arith.subi %sign3A_8, %sign3A_11 : i32
    %ne3A = arith.cmpi ne, %sign3A_5, %sign3A_12 : i32
    %rem3A = arith.remsi %arg0, %jit3A : i32
    %ne3A_13 = arith.constant 0 : i32
    %ne3A_14 = arith.cmpi ne, %rem3A, %ne3A_13 : i32
    %and3A = arith.andi %ne3A, %ne3A_14 : i1
    %sub3A = arith.constant 1 : i32
    %sub3A_15 = arith.subi %div3A, %sub3A : i32
    %select_n3A = arith.select %and3A, %sub3A_15, %div3A : i32
    %c0_i32 = arith.constant 0 : i32
    %c0_i32_16 = arith.constant 0 : i32
    %c0_i32_17 = arith.constant 0 : i32
    return %select_n3A, %c0_i32, %c0_i32_16 : i32, i32, i32
  }
  func.func @transform_8(%arg0: i32) -> (i32, i32) {
    %c0_i32 = arith.constant 0 : i32
    %c0_i32_0 = arith.constant 0 : i32
    return %arg0, %c0_i32 : i32, i32
  }
}

</mosaic_0001>

<sc_bundles>
// kernel: kernel.11.cloned.1.call-start
scs
__scs_entry_jumppad:
0x0: {  	(pc) =	sbr.rel $0x88, $3  }
0x1: {  	(tag) =	ssettag $0x0;
	lr =	simm.s32 $0x1  }
0x2: {  	[smem:$0x3F81] =	sst lr;
	_ =	strace $0xD0000000  }
0x3: {  	_ = 	snop  }
0x4: {  	_ = 	snop  }
0x5: {  	_ = 	snop  }
0x6: {  	_ = 	snop  }
0x7: {  	_ = 	snop  }
__scs_overlays_trampoline_lowered:
0x8: {  	[smem:$0x3F90] =	sst s0  }
0x9: {  	[smem:$0x3F91] =	sst s1  }
0xa: {  	[smem:$0x3F92] =	sst s2  }
0xb: {  	[smem:$0x3F93] =	sst s3  }
0xc: {  	[smem:$0x3F94] =	sst s4  }
0xd: {  	[smem:$0x3F95] =	sst s5  }
0xe: {  	[smem:$0x3F96] =	sst s6  }
0xf: {  	[smem:$0x3F97] =	sst s7  }
0x10: {  	[smem:$0x3F98] =	sst s8  }
0x11: {  	[smem:$0x3F99] =	sst s9;
	s0 =	simm.s32 @!p0 $0x0  }
0x12: {  	s1 =	sld [smem:$0x3F7F];
	s0 =	simm.s32 @p0 $0x1  }
0x13: {  	[smem:$0x3F9A] =	sst s0;
	s0 =	simm.s32 @!p1 $0x0  }
0x14: {  	s2 =	sld [smem:$0x3F7E];
	s0 =	simm.s32 @p1 $0x1  }
0x15: {  	[smem:$0x3F9B] =	sst s0;
	s0 =	simm.s32 @!p2 $0x0  }
0x16: {  	s3 =	sld [smem:$0x3FDB];
	s0 =	simm.s32 @p2 $0x1  }
0x17: {  	s4 =	simm.s32 $0x1BF5;
	[smem:$0x3F9D] =	sst s0  }
0x18: {  	s0 =	sld [smem:$0x3F80];
	_ =	swait.ge [sflag:s4], $0x0  }
0x19: {  	s7 =	sld [smem:$0x3F81]  }
0x1a: {  	s8 =	sadd.s32 $0xFFFFE003, lr  }
0x1b: {  	s9 =	sadd.s32 $0xFFFFFEF7, lr;
	s5 =	simm.s32 $0xFFFFFFFF;
	p2 =	slt.u32 s8, $0xFFFFF086  }
0x1c: {  	p1 =	slt.u32 s9, $0xF7A;
	s5 =	simm.s32 @!p2 $0x0  }
0x1d: {  	s5 =	simm.s32 @p1 $0x1;
	p0 =	seq.s32 s7, s2  }
0x1e: {  	s7 =	smul.u32 @!p0 $0xF7A, s2;
	p2 =	seq.s32 @!p0 s5, $0x0  }
0x1f: {  	s9 =	smul.u32 $0xF7A, s1;
	s8 =	simm.s32 @!p0 $0x1BF5;
	p2 =	por !p2, p0  }
0x20: {  	[sflag:s8] =	ssyncset.s32 @!p0 $0xFFFFF086;
	s6 =	sadd.s32 @!p0 s3, s7;
	s7 =	simm.s32 @!p0 $0x108  }
0x21: {  	s3 =	sadd.s32 s3, s9;
	s6 =	sadd.s32 @!p0 $0x88, s6;
	s7 =	simm.s32 @p2 $0x1082  }
0x22: {  	[simem:s7], [sflag:s8] =	dma.local @!p0 [hbm:s6], $0xF7A  }
0x23: {  	s9 =	sor.u32 $0xD0000000, s2;
	s6 =	simm.s32 $0x108;
	_ =	swait.ge @!p0 [sflag:s8], $0x0  }
0x24: {  	s3 =	sadd.s32 $0x88, s3;
	s6 =	simm.s32 @!p1 $0x1082;
	[sflag:s4] =	ssyncset.s32 $0xFFFFF086  }
0x25: {  	[simem:s6], [sflag:s4] =	dma.local [hbm:s3], $0xF7A  }
0x26: {  	[smem:$0x3F81] =	sst s1;
	(tag) =	ssettag s2;
	_ =	strace s9  }
0x27: {  	s1 =	sld [smem:$0x3F91]  }
0x28: {  	s2 =	sld [smem:$0x3F92]  }
0x29: {  	s4 =	sld [smem:$0x3F94]  }
0x2a: {  	p0 =	seq.s32 s5, $0x0;
	s5 =	sld [smem:$0x3F95]  }
0x2b: {  	s6 =	sld [smem:$0x3F96]  }
0x2c: {  	s7 =	sld [smem:$0x3F97]  }
0x2d: {  	s3 =	simm.s32 $0x108;
	s8 =	sld [smem:$0x3F98]  }
0x2e: {  	s3 =	simm.s32 @!p0 $0x1082;
	s9 =	sld [smem:$0x3F99]  }
0x2f: {  	lr =	sadd.s32 s0, s3;
	s0 =	sld [smem:$0x3F90]  }
0x30: {  	s3 =	sld [smem:$0x3F93]  }
0x31: {  	[smem:$0x3F9C] =	sst s10  }
0x32: {  	s10 =	sld [smem:$0x3F9A];
	_ =	sdelay $0x3  }
0x33: {  	p0 =	seq.s32 s10, $0x1;
	s10 =	sld [smem:$0x3F9C];
	_ =	sdelay $0x3  }
0x34: {  	[smem:$0x3F9C] =	sst s10  }
0x35: {  	s10 =	sld [smem:$0x3F9B];
	_ =	sdelay $0x3  }
0x36: {  	p1 =	seq.s32 s10, $0x1;
	s10 =	sld [smem:$0x3F9C];
	_ =	sdelay $0x3  }
0x37: {  	[smem:$0x3F9C] =	sst s10  }
0x38: {  	s10 =	sld [smem:$0x3F9D]  }
0x39: {  	_ = 	snop;
	(pc) =	sbr.ind lr, $3  }
0x3a: {  	_ = 	snop  }
0x3b: {  	_ = 	snop  }
0x3c: {  	p2 =	seq.s32 s10, $0x1;
	s10 =	sld [smem:$0x3F9C]  }
0x3d: {  	_ =	shalt  }
0x3e: {  	_ =	shalt  }
0x3f: {  	_ =	shalt  }
0x40: {  	_ =	shalt  }
0x41: {  	_ =	shalt  }
0x42: {  	_ =	shalt  }
0x43: {  	_ =	shalt  }
0x44: {  	_ =	shalt  }
0x45: {  	_ =	shalt  }
0x46: {  	_ =	shalt  }
0x47: {  	_ =	shalt  }
0x48: {  	_ =	shalt  }
0x49: {  	_ =	shalt  }
0x4a: {  	_ =	shalt  }
0x4b: {  	_ =	shalt  }
0x4c: {  	_ =	shalt  }
0x4d: {  	_ =	shalt  }
0x4e: {  	_ =	shalt  }
0x4f: {  	_ =	shalt  }
0x50: {  	_ =	shalt  }
0x51: {  	_ =	shalt  }
0x52: {  	_ =	shalt  }
0x53: {  	_ =	shalt  }
0x54: {  	_ =	shalt  }
0x55: {  	_ =	shalt  }
0x56: {  	_ =	shalt  }
0x57: {  	_ =	shalt  }
0x58: {  	_ =	shalt  }
0x59: {  	_ =	shalt  }
0x5a: {  	_ =	shalt  }
0x5b: {  	_ =	shalt  }
0x5c: {  	_ =	shalt  }
0x5d: {  	_ =	shalt  }
0x5e: {  	_ =	shalt  }
0x5f: {  	_ =	shalt  }
0x60: {  	_ =	shalt  }
0x61: {  	_ =	shalt  }
0x62: {  	_ =	shalt  }
0x63: {  	_ =	shalt  }
0x64: {  	_ =	shalt  }
0x65: {  	_ =	shalt  }
0x66: {  	_ =	shalt  }
0x67: {  	_ =	shalt  }
0x68: {  	_ =	shalt  }
0x69: {  	_ =	shalt  }
0x6a: {  	_ =	shalt  }
0x6b: {  	_ =	shalt  }
0x6c: {  	_ =	shalt  }
0x6d: {  	_ =	shalt  }
0x6e: {  	_ =	shalt  }
0x6f: {  	_ =	shalt  }
0x70: {  	_ =	shalt  }
0x71: {  	_ =	shalt  }
0x72: {  	_ =	shalt  }
0x73: {  	_ =	shalt  }
0x74: {  	_ =	shalt  }
0x75: {  	_ =	shalt  }
0x76: {  	_ =	shalt  }
0x77: {  	_ =	shalt  }
0x78: {  	_ =	shalt  }
0x79: {  	_ =	shalt  }
0x7a: {  	_ =	shalt  }
0x7b: {  	_ =	shalt  }
0x7c: {  	_ =	shalt  }
0x7d: {  	_ =	shalt  }
0x7e: {  	_ =	shalt  }
0x7f: {  	_ =	shalt  }
0x80: {  	_ =	shalt  }
0x81: {  	_ =	shalt  }
0x82: {  	_ =	shalt  }
0x83: {  	_ =	shalt  }
0x84: {  	_ =	shalt  }
0x85: {  	_ =	shalt  }
0x86: {  	_ =	shalt  }
0x87: {  	_ =	shalt  }
.Lfunc_end0:
.L_simem_size_0:
called_computation.1_lowered:
.L_overlay_start_0:
0x88: {  	s2 =	sld [smem:$0x3FD9]  }
0x89: {  	s3 =	sld [smem:$0x3FFE];
	_ =	sdelay $0x1  }
0x8a: {  	s1 =	srdreg.scid  }
0x8b: {  	s0 =	sand.u32 $0x1, s1  }
0x8c: {  	s17 =	sshll.u32 s0, $0xA;
	s2 =	sadd.s32 s3, s2  }
0x8d: {  	s2 =	sadd.s32 s2, s17  }
0x8e: {  	[smem:$0x3FA8] =	sst s2  }
0x8f: {  	_ = 	snop  }
0x90: {  	s18 =	sld [smem:$0x3FD0];
	(tm) =	ssettm $0x1  }
0x91: {  	s19 =	sld [smem:$0x3FFB];
	_ =	sdelay $0x3  }
0x92: {  	_ =	strace s19  }
0x93: {  	s2 =	sld [smem:$0x3FFC];
	_ =	sdelay $0x3  }
0x94: {  	_ =	strace s2  }
0x95: {  	s2 =	sld [smem:$0x3FFD];
	_ =	sdelay $0x3  }
0x96: {  	_ =	strace s2  }
0x97: {  	_ =	strace $0x8FFFFFFF  }
0x98: {  	s20 =	sld [smem:$0x3FDB];
	_ =	sdelay $0x1  }
0x99: {  	s4 =	simm.s32 $_scs_section_size  }
0x9a: {  	s5 =	simm.s32 $_size__tile_overlayer_lowered;
	s6 =	simm.s32 $_tile_overlayer_lowered  }
0x9b: {  	s7 =	simm.s32 $0x1BFF;
	s21 =	sshll.u32 s6, $0x1;
	s4 =	sadd.s32 s4, s20  }
0x9c: {  	s22 =	simm.s32 $0x0;
	s5 =	sshll.u32 s5, $0x1;
	s6 =	sadd.s32 s21, s4  }
0x9d: {  	[timem:s22], [sflag:s7] =	dma.local [hbm:s6], s5  }
0x9e: {  	_ =	swait.ge [sflag:s7], s5  }
0x9f: {  	s5 =	ssub.s32 $0x0, s5;
	[sflag:s7] =	ssyncset.done $0x0  }
0xa0: {  	[sflag:s7] =	ssyncadd.s32 s5;
	_ =	sdelay $0x1  }
0xa1: {  	s23 =	simm.s32 $0x1B8B  }
0xa2: {  	_ =	swait.ge [sflag:s23], $0x1  }
0xa3: {  	[sflag:s23] =	ssyncset.done $0x0  }
0xa4: {  	[sflag:s23] =	ssyncadd.s32 $0xFFFFFFFF  }
0xa5: {  	s5 =	sld [smem:$0x0]  }
0xa6: {  	s6 =	sand.u32 $0xFFFFFFFE, s1  }
0xa7: {  	p0 =	sne.s32 s1, s6  }
0xa8: {  	s6 =	sshll.u32 @p0 s6, $0xE  }
0xa9: {  	s6 =	sadd.s32 @p0 $0x11B8D, s6;
	s7 =	sshll.u32 @p0 s5, $0x11  }
0xaa: {  	s6 =	sor.u32 @p0 s7, s6  }
0xab: {  	[sflag:s6] =	ssyncadd.remote.s32 @p0 $0x1;
	_ =	sdelay $0x1  }
0xac: {  	s6 =	simm.s32 @p0 $0x1B8D  }
0xad: {  	_ =	swait.eq @p0 [sflag:s6], $0x1  }
0xae: {  	[sflag:s6] =	ssyncadd.s32 @p0 $0xFFFFFFFF  }
0xaf: {  	s7 =	sshll.u32 @!p0 s1, $0xE  }
0xb0: {  	s7 =	sor.u32 @!p0 $0x4000, s7;
	s6 =	simm.s32 @!p0 $0x1B8D  }
0xb1: {  	s5 =	sshll.u32 @!p0 s5, $0x11;
	s7 =	sadd.s32 @!p0 $0x11B8D, s7;
	_ =	swait.eq @!p0 [sflag:s6], $0x1  }
0xb2: {  	s5 =	sor.u32 @!p0 s5, s7;
	[sflag:s6] =	ssyncadd.s32 @!p0 $0xFFFFFFFF  }
0xb3: {  	s25 =	simm.s32 $0x1B8E;
	s24 =	sld [smem:$0x3FFE];
	[sflag:s5] =	ssyncadd.remote.s32 @!p0 $0x1  }
0xb4: {  	s26 =	simm.s32 $execute0_lowered;
	[smem:$0x3FD2] =	sst s25  }
0xb5: {  	s6 =	sshll.u32 s26, $0x1;
	_ =	strace $0x8000004C;
	[dreg:$0x1] =	wrdreg $0xFFFFFFFF  }
0xb6: {  	s28 =	simm.s32 $_size_execute0_lowered;
	s4 =	sadd.s32 s4, s6;
	[dreg:$0x0] =	wrdreg $0x0  }
0xb7: {  	s6 =	sshll.u32 s28, $0x1;
	[dreg:$0x2] =	wrdreg s4  }
0xb8: {  	[dreg:$0x3] =	wrdreg s6  }
0xb9: {  	[dreg:$0x4] =	wrdreg $0xC0  }
0xba: {  	_ =	task [dreg:s22], $0x5FFFF  }
0xbb: {  	[dreg:$0x1] =	wrdreg $0xFFFFFFFF  }
0xbc: {  	[dreg:$0x0] =	wrdreg $0x60  }
0xbd: {  	[dreg:$0x2] =	wrdreg s24  }
0xbe: {  	[dreg:$0x3] =	wrdreg s18  }
0xbf: {  	[dreg:$0x4] =	wrdreg $0x81000  }
0xc0: {  	[dreg:$0x5] =	wrdreg $0x9  }
0xc1: {  	_ =	task.clear_ibuf [dreg:s22], $0x6FFFF;
	_ =	strace $0x9000004C  }
0xc2: {  	s29 =	simm.s32 $0x9;
	_ =	strace $0x8000004E  }
0xc3: {  	_ =	swait.ge [sflag:s29], $0x1  }
0xc4: {  	[sflag:s29] =	ssyncadd.s32 $0xFFFFFFFF  }
0xc5: {  	_ =	strace $0x9000004E  }
0xc6: {  	_ =	sfence  }
0xc7: {  	s30 =	sld [smem:$0x0];
	_ =	sdelay $0x2  }
0xc8: {  	s31 =	sshll.u32 s1, $0xD;
	s1 =	sshrl.u32 s1, $0x2  }
0xc9: {  	s4 =	sand.u32 $0x4000, s31;
	s1 =	sadd.s32 s1, s30  }
0xca: {  	s0 =	sor.u32 s4, s0;
	s1 =	sshll.u32 s1, $0x11  }
0xcb: {  	s0 =	sor.u32 s1, s0  }
0xcc: {  	s0 =	sadd.s32 $0x8F2B, s0  }
0xcd: {  	[sflag:s0] =	ssyncadd.remote.s32 $0x1  }
0xce: {  	_ =	sfence.sel $0xFFFF  }
0xcf: {  	[dreg:$0x0] =	wrdreg $0xFFFFFFFF;
	(pc) =	sbr.abs _section_cstart, $3  }
0xd0: {  	[dreg:$0x1] =	wrdreg $0xFFFFFFFF  }
0xd1: {  	_ =	task.clear_ibuf [dreg:s22], $0x2FFFF;
	_ =	strace $0x9FFFFFFF  }
0xd2: {  	(tm) =	ssettm $0x7FFFFFFF  }
0xd3: {  	_ =	shalt  }
tec
execute0_lowered:
.L_overlay_start_1:
0x0: {  	(tag) =	ssettag $0x1  }
0x1: {  	s5 =	rddreg [dreg:$0x0]  }
0x2: {  	s10 =	rddreg [dreg:$0x1]  }
0x3: {  	s2 =	rddreg [dreg:$0x2]  }
0x4: {  	s1 =	stileid.u32;
	s3 =	simm.s32 $0x0;
	s4 =	srdreg.scid  }
0x5: {  	s21 =	simm.s32 $0x4100;
	s22 =	simm.s32 $0x1;
	s11 =	smul.u32 $0x2700, s1  }
0x6: {  	s23 =	simm.s32 $0x3;
	s24 =	smul.u32 $0x4E000, s1;
	s13 =	sadd.s32 $0x150BE00, s5  }
0x7: {  	[smem:$0x7FF] =	sst s3;
	s8 =	smul.u32 $0x2800, s1;
	s15 =	sadd.s32 $0x101E00, s5  }
0x8: {  	s12 =	sand.u32 $0x1, s4;
	s17 =	sadd.s32 $0x124800, s2;
	s30 =	smul.u32 $0x28000, s1  }
0x9: {  	p0 =	seq.s32 s1, $0xF;
	_ =	strace $0x8000004D;
	s6 =	smul.u32 $0x28000, s12  }
0xa: {  	s7 =	ssub.s32 $0x2, s12;
	s19 =	sxor.u32 $0x1, s12;
	s12 =	smul.u32 $0x280000, s12  }
0xb: {  	s9 =	sadd.s32 s11, s5;
	s14 =	sshrl.u32 s7, $0x1;
	s20 =	smul.u32 $0x138800, s19  }
0xc: {  	s4 =	sshrl.u32 s24, $0x2;
	s5 =	sadd.s32 $0x76300, s5;
	s19 =	smul.u32 $0x27100, s19  }
0xd: {  	s24 =	simm.s32 $0x2;
	s14 =	ssub.s32 s7, s14;
	s16 =	sadd.s32 s8, s6  }
0xe: {  	s18 =	sadd.s32 s4, s2;
	s4 =	sadd.s32 $0x51A00, s9;
	s6 =	sshrl.u32 s16, $0x3  }
0xf: {  	s25 =	sshll.u32 s16, $0x4;
	s26 =	sadd.s32 $0x2780, s16;
	s20 =	sshrl.u32 s20, $0x3  }
0x10: {  	s11 =	sadd.s32 s11, s19;
	s31 =	sor.u32 $0x100, s16;
	s16 =	sor.u32 $0x80, s16  }
0x11: {  	s18 =	sshrl.u32 @!p0 s18, $0x3;
	s19 =	simm.s32 $0x100;
	s6 =	sadd.s32 s15, s6  }
0x12: {  	s7 =	sadd.s32 s13, s25;
	s28 =	sshrl.u32 s26, $0x3;
	s9 =	sshll.u32 s26, $0x4  }
0x13: {  	s29 =	sadd.s32 s10, s20;
	s10 =	sadd.s32 s10, s11;
	s16 =	sshrl.u32 s16, $0x3  }
0x14: {  	s20 =	simm.s32 $0x80;
	s25 =	simm.s32 $0x0;
	s9 =	sadd.s32 s13, s9  }
0x15: {  	s13 =	sadd.s32 s12, s13;
	s12 =	smax.u32 s14, $0x1;
	s14 =	sshrl.u32 s31, $0x3  }
0x16: {  	s8 =	sadd.s32 s15, s28;
	s13 =	sadd.s32 s30, s13;
	s14 =	sadd.s32 s14, s15  }
0x17: {  	s15 =	sadd.s32 s16, s15;
	s16 =	sshrl.u32 @p0 s17, $0x3;
	s17 =	sshll.u32 @!p0 s1, $0x6  }
0x18: {  	s11 =	sadd.s32 $0x24900, s29;
	s13 =	sadd.s32 $0x1000, s13;
	s17 =	sor.u32 @!p0 $0x1C03, s17  }
.LBB2_1:
0x19: {  	s26 =	simm.s32 @p0 $0x1FC3  }
0x1a: {  	[spmem:s16], [sflag:s26] =	dma.local @p0 [hbm:s5], $0x2800  }
0x1b: {  	s26 =	simm.s32 @p0 $0x3  }
0x1c: {  	_ =	swait.ge @p0 [sflag:s26], $0x2800  }
0x1d: {  	[sflag:s26] =	ssyncset.done @p0 $0x0  }
0x1e: {  	[sflag:s26] =	ssyncadd.s32 @p0 $0xFFFFD800;
	s26 =	simm.s32 @!p0 $0x3  }
0x1f: {  	[spmem:s18], [sflag:s17] =	dma.local @!p0 [hbm:s4], $0x2700  }
0x20: {  	_ =	swait.ge @!p0 [sflag:s26], $0x2700  }
0x21: {  	[sflag:s26] =	ssyncset.done @!p0 $0x0  }
0x22: {  	[sflag:s26] =	ssyncadd.s32 @!p0 $0xFFFFD900  }
0x23: {  	[bflag:$0x0] =	sbarrier.arrive $0xFFFF  }
0x24: {  	[tilespmem:s3], [sflag:$0x1] =	stream.linear.gather [hbm4b:s6+s3], $0x80, $0x38;
	[tilespmem:$0x1B980] =	vst v63  }
0x25: {  	_ = 	snop  }
0x26: {  	[tilespmem:s19], [sflag:$0x1] =	stream.linear.gather [hbm4b:s7+s3], $0x4000, $0x38;
	[tilespmem:$0x1B980] =	vst v63  }
0x27: {  	s0 =	sadd.s32 $0x0, s15  }
0x28: {  	[tilespmem:s20], [sflag:$0x2] =	stream.linear.gather [hbm4b:s0+s3], $0x80, $0x38;
	[tilespmem:$0x1B980] =	vst v63  }
0x29: {  	s30 =	sadd.s32 $0xFFFFF800, s13  }
0x2a: {  	[tilespmem:s21], [sflag:$0x2] =	stream.linear.gather [hbm4b:s30+s3], $0x4000, $0x38;
	[tilespmem:$0x1B980] =	vst v63  }
0x2b: {  	_ =	swait.ge [sflag:s22], $0x80  }
0x2c: {  	[sflag:s22] =	ssyncset.done $0x0  }
0x2d: {  	[sflag:s22] =	ssyncadd.s32 $0xFFFFFF80  }
0x2e: {  	_ =	swait.ge [sflag:s22], $0x4000  }
0x2f: {  	[sflag:s22] =	ssyncset.done $0x0  }
0x30: {  	[sflag:s22] =	ssyncadd.s32 $0xFFFFC000  }
0x31: {  	[spmem:s2] =	stream.indirect.scatter.add.f32 [tilespmem:s19], [sflag:$0x3], $0x80, s3, s20, $0xb8;
	[tilespmem:$0x1B980] =	vst v63  }
0x32: {  	_ =	swait.ge [sflag:s23], $0x4000  }
0x33: {  	[sflag:s23] =	ssyncset.done $0x0  }
0x34: {  	s31 =	sadd.s32 $0x0, s14;
	[sflag:s23] =	ssyncadd.s32 $0xFFFFC000  }
0x35: {  	[tilespmem:s3], [sflag:$0x1] =	stream.linear.gather [hbm4b:s31+s3], $0x80, $0x38;
	[tilespmem:$0x1B980] =	vst v63  }
0x36: {  	_ = 	snop  }
0x37: {  	[tilespmem:s19], [sflag:$0x1] =	stream.linear.gather [hbm4b:s13+s3], $0x4000, $0x38;
	[tilespmem:$0x1B980] =	vst v63  }
0x38: {  	_ =	swait.ge [sflag:s24], $0x80  }
0x39: {  	[sflag:s24] =	ssyncset.done $0x0  }
0x3a: {  	[sflag:s24] =	ssyncadd.s32 $0xFFFFFF80  }
0x3b: {  	_ =	swait.ge [sflag:s24], $0x4000  }
0x3c: {  	[sflag:s24] =	ssyncset.done $0x0  }
0x3d: {  	[sflag:s24] =	ssyncadd.s32 $0xFFFFC000  }
0x3e: {  	[spmem:s2] =	stream.indirect.scatter.add.f32 [tilespmem:s21], [sflag:$0x3], $0x80, s20, s20, $0xb8;
	[tilespmem:$0x1B980] =	vst v63  }
0x3f: {  	s29 =	simm.s32 $0x40;
	_ =	swait.ge [sflag:s23], $0x4000  }
0x40: {  	s28 =	sadd.s32 $0x1000, s13;
	s26 =	simm.s32 $0x20;
	[sflag:s23] =	ssyncset.done $0x0  }
.LBB2_2:
0x41: {  	s30 =	sadd.s32 s26, s15  }
0x42: {  	[sflag:s23] =	ssyncadd.s32 $0xFFFFC000;
	s31 =	smov.u32 s29;
	s0 =	sadd.s32 $0x20, s29  }
0x43: {  	[tilespmem:s20], [sflag:$0x2] =	stream.linear.gather [hbm4b:s30+s3], $0x80, $0x38;
	[tilespmem:$0x1B980] =	vst v63  }
0x44: {  	p1 =	sne.s32 s29, $0x4C0;
	s29 =	sadd.s32 $0xFFFFF800, s28  }
0x45: {  	[tilespmem:s21], [sflag:$0x2] =	stream.linear.gather [hbm4b:s29+s3], $0x4000, $0x38;
	[tilespmem:$0x1B980] =	vst v63  }
0x46: {  	_ =	swait.ge [sflag:s22], $0x80  }
0x47: {  	[sflag:s22] =	ssyncset.done $0x0  }
0x48: {  	[sflag:s22] =	ssyncadd.s32 $0xFFFFFF80  }
0x49: {  	_ =	swait.ge [sflag:s22], $0x4000  }
0x4a: {  	[sflag:s22] =	ssyncset.done $0x0  }
0x4b: {  	[sflag:s22] =	ssyncadd.s32 $0xFFFFC000  }
0x4c: {  	[spmem:s2] =	stream.indirect.scatter.add.f32 [tilespmem:s19], [sflag:$0x3], $0x80, s3, s20, $0xb8;
	[tilespmem:$0x1B980] =	vst v63  }
0x4d: {  	_ =	swait.ge [sflag:s23], $0x4000  }
0x4e: {  	[sflag:s23] =	ssyncset.done $0x0  }
0x4f: {  	s29 =	sadd.s32 s26, s14;
	s26 =	smov.u32 s31;
	[sflag:s23] =	ssyncadd.s32 $0xFFFFC000  }
0x50: {  	[tilespmem:s3], [sflag:$0x1] =	stream.linear.gather [hbm4b:s29+s3], $0x80, $0x38;
	[tilespmem:$0x1B980] =	vst v63  }
0x51: {  	_ = 	snop  }
0x52: {  	[tilespmem:s19], [sflag:$0x1] =	stream.linear.gather [hbm4b:s28+s3], $0x4000, $0x38;
	[tilespmem:$0x1B980] =	vst v63  }
0x53: {  	_ =	swait.ge [sflag:s24], $0x80  }
0x54: {  	[sflag:s24] =	ssyncset.done $0x0  }
0x55: {  	[sflag:s24] =	ssyncadd.s32 $0xFFFFFF80  }
0x56: {  	_ =	swait.ge [sflag:s24], $0x4000  }
.Ltmp0:
0x57: {  	[sflag:s24] =	ssyncset.done $0x0;
	(pc) =	sbr.rel @p1 .LBB2_2-.Ltmp0, $4  }
0x58: {  	[sflag:s24] =	ssyncadd.s32 $0xFFFFC000  }
0x59: {  	[spmem:s2] =	stream.indirect.scatter.add.f32 [tilespmem:s21], [sflag:$0x3], $0x80, s20, s20, $0xb8;
	[tilespmem:$0x1B980] =	vst v63  }
0x5a: {  	_ =	swait.ge [sflag:s23], $0x4000  }
0x5b: {  	s29 =	smov.u32 s0;
	s28 =	sadd.s32 $0x1000, s28;
	[sflag:s23] =	ssyncset.done $0x0  }
0x5c: {  	s0 =	sadd.s32 s26, s15;
	[sflag:s23] =	ssyncadd.s32 $0xFFFFC000  }
0x5d: {  	[tilespmem:s20], [sflag:$0x2] =	stream.linear.gather [hbm4b:s0+s3], $0x80, $0x38;
	[tilespmem:$0x1B980] =	vst v63  }
0x5e: {  	s30 =	sadd.s32 $0xFFFFF800, s28  }
0x5f: {  	[tilespmem:s21], [sflag:$0x2] =	stream.linear.gather [hbm4b:s30+s3], $0x4000, $0x38;
	[tilespmem:$0x1B980] =	vst v63  }
0x60: {  	_ =	swait.ge [sflag:s22], $0x80  }
0x61: {  	[sflag:s22] =	ssyncset.done $0x0  }
0x62: {  	[sflag:s22] =	ssyncadd.s32 $0xFFFFFF80  }
0x63: {  	_ =	swait.ge [sflag:s22], $0x4000  }
0x64: {  	[sflag:s22] =	ssyncset.done $0x0  }
0x65: {  	[sflag:s22] =	ssyncadd.s32 $0xFFFFC000  }
0x66: {  	[spmem:s2] =	stream.indirect.scatter.add.f32 [tilespmem:s19], [sflag:$0x3], $0x80, s3, s20, $0xb8;
	[tilespmem:$0x1B980] =	vst v63  }
0x67: {  	_ =	swait.ge [sflag:s23], $0x4000  }
0x68: {  	[sflag:s23] =	ssyncset.done $0x0  }
0x69: {  	s31 =	sadd.s32 s26, s14;
	[sflag:s23] =	ssyncadd.s32 $0xFFFFC000  }
0x6a: {  	[tilespmem:s3], [sflag:$0x1] =	stream.linear.gather [hbm4b:s31+s3], $0x80, $0x38;
	[tilespmem:$0x1B980] =	vst v63  }
0x6b: {  	_ = 	snop  }
0x6c: {  	[tilespmem:s19], [sflag:$0x1] =	stream.linear.gather [hbm4b:s28+s3], $0x4000, $0x38;
	[tilespmem:$0x1B980] =	vst v63  }
0x6d: {  	_ =	swait.ge [sflag:s24], $0x80  }
0x6e: {  	[sflag:s24] =	ssyncset.done $0x0  }
0x6f: {  	[sflag:s24] =	ssyncadd.s32 $0xFFFFFF80  }
0x70: {  	_ =	swait.ge [sflag:s24], $0x4000  }
0x71: {  	[sflag:s24] =	ssyncset.done $0x0  }
0x72: {  	[sflag:s24] =	ssyncadd.s32 $0xFFFFC000  }
0x73: {  	[spmem:s2] =	stream.indirect.scatter.add.f32 [tilespmem:s21], [sflag:$0x3], $0x80, s20, s20, $0xb8;
	[tilespmem:$0x1B980] =	vst v63  }
0x74: {  	_ =	swait.ge [sflag:s23], $0x4000  }
0x75: {  	[sflag:s23] =	ssyncset.done $0x0  }
0x76: {  	[sflag:s23] =	ssyncadd.s32 $0xFFFFC000  }
0x77: {  	[tilespmem:s20], [sflag:$0x2] =	stream.linear.gather [hbm4b:s8+s3], $0x80, $0x38;
	[tilespmem:$0x1B980] =	vst v63  }
0x78: {  	_ = 	snop  }
0x79: {  	[tilespmem:s21], [sflag:$0x2] =	stream.linear.gather [hbm4b:s9+s3], $0x4000, $0x38;
	[tilespmem:$0x1B980] =	vst v63  }
0x7a: {  	_ =	swait.ge [sflag:s22], $0x80  }
0x7b: {  	[sflag:s22] =	ssyncset.done $0x0  }
0x7c: {  	[sflag:s22] =	ssyncadd.s32 $0xFFFFFF80  }
0x7d: {  	_ =	swait.ge [sflag:s22], $0x4000  }
0x7e: {  	[sflag:s22] =	ssyncset.done $0x0  }
0x7f: {  	[sflag:s22] =	ssyncadd.s32 $0xFFFFC000  }
0x80: {  	[spmem:s2] =	stream.indirect.scatter.add.f32 [tilespmem:s19], [sflag:$0x3], $0x80, s3, s20, $0xb8;
	[tilespmem:$0x1B980] =	vst v63  }
0x81: {  	_ =	swait.ge [sflag:s23], $0x4000  }
0x82: {  	[sflag:s23] =	ssyncset.done $0x0  }
0x83: {  	[sflag:s23] =	ssyncadd.s32 $0xFFFFC000  }
0x84: {  	_ =	swait.ge [sflag:s24], $0x80  }
0x85: {  	[sflag:s24] =	ssyncset.done $0x0  }
0x86: {  	[sflag:s24] =	ssyncadd.s32 $0xFFFFFF80  }
0x87: {  	_ =	swait.ge [sflag:s24], $0x4000  }
0x88: {  	[sflag:s24] =	ssyncset.done $0x0  }
0x89: {  	[sflag:s24] =	ssyncadd.s32 $0xFFFFC000  }
0x8a: {  	[spmem:s2] =	stream.indirect.scatter.add.f32 [tilespmem:s21], [sflag:$0x3], $0x80, s20, s20, $0xb8;
	[tilespmem:$0x1B980] =	vst v63  }
0x8b: {  	_ =	swait.ge [sflag:s23], $0x4000  }
0x8c: {  	[sflag:s23] =	ssyncset.done $0x0  }
0x8d: {  	[sflag:s23] =	ssyncadd.s32 $0xFFFFC000  }
0x8e: {  	s0 =	simm.s32 @p0 $0x1FC3;
	[bflag:$0x0] =	sbarrier.arrive $0xFFFF  }
0x8f: {  	[hbm:s11], [sflag:s0] =	dma.local @p0 [spmem:s16], $0x2800  }
0x90: {  	s0 =	simm.s32 @p0 $0x3  }
0x91: {  	s25 =	sadd.s32 $0x1, s25;
	_ =	swait.ge @p0 [sflag:s0], $0x2800  }
0x92: {  	p1 =	sne.s32 s25, s12;
	[sflag:s0] =	ssyncset.done @p0 $0x0  }
.Ltmp1:
0x93: {  	[sflag:s0] =	ssyncadd.s32 @p0 $0xFFFFD800;
	s0 =	simm.s32 @!p0 $0x3;
	(pc) =	sbr.rel @p1 .LBB2_1-.Ltmp1, $4  }
0x94: {  	[hbm:s10], [sflag:s17] =	dma.local @!p0 [spmem:s18], $0x2700  }
0x95: {  	_ =	swait.ge @!p0 [sflag:s0], $0x2700  }
0x96: {  	[sflag:s0] =	ssyncset.done @!p0 $0x0  }
0x97: {  	[sflag:s0] =	ssyncadd.s32 @!p0 $0xFFFFD900  }
0x98: {  	_ =	sfence.sel $0x180000  }
0x99: {  	[bflag:$0x0] =	sbarrier.arrive $0xFFFF  }
0x9a: {  	_ =	strace $0x9000004D  }
0x9b: {  	[bflag:$0x2] =	sbarrier.arrive $0xFFFF  }
0x9c: {  	p0 =	sne.s32 s1, $0x0;
	s0 =	rddreg [dreg:$0x3]  }
0x9d: {  	s0 =	sadd.s32 @!p0 $0x100000, s0  }
0x9e: {  	[sflag:s0] =	ssyncadd.tile.s32 @!p0 $0x1;
	_ =	shalt  }
.Lfunc_end2:
_tile_overlayer_lowered:
.L_overlay_start_2:
0x9f: {  	(tag) =	ssettag $0x2  }
0xa0: {  	s0 =	rddreg [dreg:$0x0];
	s2 =	stileid.u32  }
0xa1: {  	s1 =	rddreg [dreg:$0x1];
	p0 =	sne.s32 s2, $0x0  }
0xa2: {  	s3 =	rddreg [dreg:$0x2];
	[bflag:$0x3] =	sbarrier.arrive $0xFFFF;
	s2 =	simm.s32 @!p0 $0x1C03  }
0xa3: {  	[timem:s3], [sflag:s2] =	dma.local @!p0 [hbm:s0], s1  }
0xa4: {  	s0 =	simm.s32 @!p0 $0x3  }
0xa5: {  	_ =	swait.ge @!p0 [sflag:s0], s1  }
0xa6: {  	s1 =	ssub.s32 @!p0 $0x0, s1;
	[sflag:s0] =	ssyncset.done @!p0 $0x0  }
0xa7: {  	[sflag:s0] =	ssyncadd.s32 @!p0 s1  }
0xa8: {  	[bflag:$0x3] =	sbarrier.arrive $0xFFFF  }
0xa9: {  	_ =	shalt  }

// kernel: kernel.14.cloned.1.call-start
scs
__scs_entry_jumppad:
0x0: {  	(pc) =	sbr.rel $0x88, $3  }
0x1: {  	(tag) =	ssettag $0x0;
	lr =	simm.s32 $0x1  }
0x2: {  	[smem:$0x3F81] =	sst lr;
	_ =	strace $0xD0000000  }
0x3: {  	_ = 	snop  }
0x4: {  	_ = 	snop  }
0x5: {  	_ = 	snop  }
0x6: {  	_ = 	snop  }
0x7: {  	_ = 	snop  }
__scs_overlays_trampoline_lowered:
0x8: {  	[smem:$0x3F90] =	sst s0  }
0x9: {  	[smem:$0x3F91] =	sst s1  }
0xa: {  	[smem:$0x3F92] =	sst s2  }
0xb: {  	[smem:$0x3F93] =	sst s3  }
0xc: {  	[smem:$0x3F94] =	sst s4  }
0xd: {  	[smem:$0x3F95] =	sst s5  }
0xe: {  	[smem:$0x3F96] =	sst s6  }
0xf: {  	[smem:$0x3F97] =	sst s7  }
0x10: {  	[smem:$0x3F98] =	sst s8  }
0x11: {  	[smem:$0x3F99] =	sst s9;
	s0 =	simm.s32 @!p0 $0x0  }
0x12: {  	s1 =	sld [smem:$0x3F7F];
	s0 =	simm.s32 @p0 $0x1  }
0x13: {  	[smem:$0x3F9A] =	sst s0;
	s0 =	simm.s32 @!p1 $0x0  }
0x14: {  	s2 =	sld [smem:$0x3F7E];
	s0 =	simm.s32 @p1 $0x1  }
0x15: {  	[smem:$0x3F9B] =	sst s0;
	s0 =	simm.s32 @!p2 $0x0  }
0x16: {  	s3 =	sld [smem:$0x3FDB];
	s0 =	simm.s32 @p2 $0x1  }
0x17: {  	s4 =	simm.s32 $0x1BF5;
	[smem:$0x3F9D] =	sst s0  }
0x18: {  	s0 =	sld [smem:$0x3F80];
	_ =	swait.ge [sflag:s4], $0x0  }
0x19: {  	s7 =	sld [smem:$0x3F81]  }
0x1a: {  	s8 =	sadd.s32 $0xFFFFE003, lr  }
0x1b: {  	s9 =	sadd.s32 $0xFFFFFEF7, lr;
	s5 =	simm.s32 $0xFFFFFFFF;
	p2 =	slt.u32 s8, $0xFFFFF086  }
0x1c: {  	p1 =	slt.u32 s9, $0xF7A;
	s5 =	simm.s32 @!p2 $0x0  }
0x1d: {  	s5 =	simm.s32 @p1 $0x1;
	p0 =	seq.s32 s7, s2  }
0x1e: {  	s7 =	smul.u32 @!p0 $0xF7A, s2;
	p2 =	seq.s32 @!p0 s5, $0x0  }
0x1f: {  	s9 =	smul.u32 $0xF7A, s1;
	s8 =	simm.s32 @!p0 $0x1BF5;
	p2 =	por !p2, p0  }
0x20: {  	[sflag:s8] =	ssyncset.s32 @!p0 $0xFFFFF086;
	s6 =	sadd.s32 @!p0 s3, s7;
	s7 =	simm.s32 @!p0 $0x108  }
0x21: {  	s3 =	sadd.s32 s3, s9;
	s6 =	sadd.s32 @!p0 $0x88, s6;
	s7 =	simm.s32 @p2 $0x1082  }
0x22: {  	[simem:s7], [sflag:s8] =	dma.local @!p0 [hbm:s6], $0xF7A  }
0x23: {  	s9 =	sor.u32 $0xD0000000, s2;
	s6 =	simm.s32 $0x108;
	_ =	swait.ge @!p0 [sflag:s8], $0x0  }
0x24: {  	s3 =	sadd.s32 $0x88, s3;
	s6 =	simm.s32 @!p1 $0x1082;
	[sflag:s4] =	ssyncset.s32 $0xFFFFF086  }
0x25: {  	[simem:s6], [sflag:s4] =	dma.local [hbm:s3], $0xF7A  }
0x26: {  	[smem:$0x3F81] =	sst s1;
	(tag) =	ssettag s2;
	_ =	strace s9  }
0x27: {  	s1 =	sld [smem:$0x3F91]  }
0x28: {  	s2 =	sld [smem:$0x3F92]  }
0x29: {  	s4 =	sld [smem:$0x3F94]  }
0x2a: {  	p0 =	seq.s32 s5, $0x0;
	s5 =	sld [smem:$0x3F95]  }
0x2b: {  	s6 =	sld [smem:$0x3F96]  }
0x2c: {  	s7 =	sld [smem:$0x3F97]  }
0x2d: {  	s3 =	simm.s32 $0x108;
	s8 =	sld [smem:$0x3F98]  }
0x2e: {  	s3 =	simm.s32 @!p0 $0x1082;
	s9 =	sld [smem:$0x3F99]  }
0x2f: {  	lr =	sadd.s32 s0, s3;
	s0 =	sld [smem:$0x3F90]  }
0x30: {  	s3 =	sld [smem:$0x3F93]  }
0x31: {  	[smem:$0x3F9C] =	sst s10  }
0x32: {  	s10 =	sld [smem:$0x3F9A];
	_ =	sdelay $0x3  }
0x33: {  	p0 =	seq.s32 s10, $0x1;
	s10 =	sld [smem:$0x3F9C];
	_ =	sdelay $0x3  }
0x34: {  	[smem:$0x3F9C] =	sst s10  }
0x35: {  	s10 =	sld [smem:$0x3F9B];
	_ =	sdelay $0x3  }
0x36: {  	p1 =	seq.s32 s10, $0x1;
	s10 =	sld [smem:$0x3F9C];
	_ =	sdelay $0x3  }
0x37: {  	[smem:$0x3F9C] =	sst s10  }
0x38: {  	s10 =	sld [smem:$0x3F9D]  }
0x39: {  	_ = 	snop;
	(pc) =	sbr.ind lr, $3  }
0x3a: {  	_ = 	snop  }
0x3b: {  	_ = 	snop  }
0x3c: {  	p2 =	seq.s32 s10, $0x1;
	s10 =	sld [smem:$0x3F9C]  }
0x3d: {  	_ =	shalt  }
0x3e: {  	_ =	shalt  }
0x3f: {  	_ =	shalt  }
0x40: {  	_ =	shalt  }
0x41: {  	_ =	shalt  }
0x42: {  	_ =	shalt  }
0x43: {  	_ =	shalt  }
0x44: {  	_ =	shalt  }
0x45: {  	_ =	shalt  }
0x46: {  	_ =	shalt  }
0x47: {  	_ =	shalt  }
0x48: {  	_ =	shalt  }
0x49: {  	_ =	shalt  }
0x4a: {  	_ =	shalt  }
0x4b: {  	_ =	shalt  }
0x4c: {  	_ =	shalt  }
0x4d: {  	_ =	shalt  }
0x4e: {  	_ =	shalt  }
0x4f: {  	_ =	shalt  }
0x50: {  	_ =	shalt  }
0x51: {  	_ =	shalt  }
0x52: {  	_ =	shalt  }
0x53: {  	_ =	shalt  }
0x54: {  	_ =	shalt  }
0x55: {  	_ =	shalt  }
0x56: {  	_ =	shalt  }
0x57: {  	_ =	shalt  }
0x58: {  	_ =	shalt  }
0x59: {  	_ =	shalt  }
0x5a: {  	_ =	shalt  }
0x5b: {  	_ =	shalt  }
0x5c: {  	_ =	shalt  }
0x5d: {  	_ =	shalt  }
0x5e: {  	_ =	shalt  }
0x5f: {  	_ =	shalt  }
0x60: {  	_ =	shalt  }
0x61: {  	_ =	shalt  }
0x62: {  	_ =	shalt  }
0x63: {  	_ =	shalt  }
0x64: {  	_ =	shalt  }
0x65: {  	_ =	shalt  }
0x66: {  	_ =	shalt  }
0x67: {  	_ =	shalt  }
0x68: {  	_ =	shalt  }
0x69: {  	_ =	shalt  }
0x6a: {  	_ =	shalt  }
0x6b: {  	_ =	shalt  }
0x6c: {  	_ =	shalt  }
0x6d: {  	_ =	shalt  }
0x6e: {  	_ =	shalt  }
0x6f: {  	_ =	shalt  }
0x70: {  	_ =	shalt  }
0x71: {  	_ =	shalt  }
0x72: {  	_ =	shalt  }
0x73: {  	_ =	shalt  }
0x74: {  	_ =	shalt  }
0x75: {  	_ =	shalt  }
0x76: {  	_ =	shalt  }
0x77: {  	_ =	shalt  }
0x78: {  	_ =	shalt  }
0x79: {  	_ =	shalt  }
0x7a: {  	_ =	shalt  }
0x7b: {  	_ =	shalt  }
0x7c: {  	_ =	shalt  }
0x7d: {  	_ =	shalt  }
0x7e: {  	_ =	shalt  }
0x7f: {  	_ =	shalt  }
0x80: {  	_ =	shalt  }
0x81: {  	_ =	shalt  }
0x82: {  	_ =	shalt  }
0x83: {  	_ =	shalt  }
0x84: {  	_ =	shalt  }
0x85: {  	_ =	shalt  }
0x86: {  	_ =	shalt  }
0x87: {  	_ =	shalt  }
.Lfunc_end0:
.L_simem_size_0:
called_computation.2_lowered:
.L_overlay_start_0:
0x88: {  	s2 =	sld [smem:$0x3FD9]  }
0x89: {  	s3 =	sld [smem:$0x3FFE];
	_ =	sdelay $0x1  }
0x8a: {  	s1 =	srdreg.scid  }
0x8b: {  	s0 =	sand.u32 $0x1, s1  }
0x8c: {  	s16 =	sshll.u32 s0, $0xA;
	s2 =	sadd.s32 s3, s2  }
0x8d: {  	s2 =	sadd.s32 s2, s16  }
0x8e: {  	[smem:$0x3FA8] =	sst s2  }
0x8f: {  	_ = 	snop  }
0x90: {  	(tm) =	ssettm $0x1  }
0x91: {  	s17 =	sld [smem:$0x3FFB];
	_ =	sdelay $0x3  }
0x92: {  	_ =	strace s17  }
0x93: {  	s2 =	sld [smem:$0x3FFC];
	_ =	sdelay $0x3  }
0x94: {  	_ =	strace s2  }
0x95: {  	s2 =	sld [smem:$0x3FFD];
	_ =	sdelay $0x3  }
0x96: {  	_ =	strace s2  }
0x97: {  	_ =	strace $0x8FFFFFFF  }
0x98: {  	s18 =	sld [smem:$0x3FDB];
	_ =	sdelay $0x1  }
0x99: {  	s19 =	simm.s32 $_scs_section_size  }
0x9a: {  	s4 =	simm.s32 $_size__tile_overlayer_lowered;
	s5 =	simm.s32 $_tile_overlayer_lowered  }
0x9b: {  	s22 =	simm.s32 $0x1BFF;
	s21 =	sshll.u32 s5, $0x1;
	s2 =	sadd.s32 s19, s18  }
0x9c: {  	s6 =	simm.s32 $0x0;
	s20 =	sshll.u32 s4, $0x1;
	s4 =	sadd.s32 s21, s2  }
0x9d: {  	[timem:s6], [sflag:s22] =	dma.local [hbm:s4], s20  }
0x9e: {  	_ =	swait.ge [sflag:s22], s20  }
0x9f: {  	s3 =	ssub.s32 $0x0, s20;
	[sflag:s22] =	ssyncset.done $0x0  }
0xa0: {  	[sflag:s22] =	ssyncadd.s32 s3;
	_ =	sdelay $0x1  }
0xa1: {  	s23 =	simm.s32 $0x1B8B  }
0xa2: {  	_ =	swait.ge [sflag:s23], $0x1  }
0xa3: {  	[sflag:s23] =	ssyncset.done $0x0  }
0xa4: {  	s25 =	simm.s32 $0x1B8E;
	s24 =	sld [smem:$0x3FFE];
	[sflag:s23] =	ssyncadd.s32 $0xFFFFFFFF  }
0xa5: {  	s26 =	simm.s32 $execute0_lowered;
	[smem:$0x3FD2] =	sst s25  }
0xa6: {  	s4 =	sshll.u32 s26, $0x1;
	_ =	strace $0x80000049;
	[dreg:$0x1] =	wrdreg $0xFFFFFFFF  }
0xa7: {  	s28 =	simm.s32 $_size_execute0_lowered;
	s2 =	sadd.s32 s2, s4;
	[dreg:$0x0] =	wrdreg $0x0  }
0xa8: {  	s4 =	sshll.u32 s28, $0x1;
	[dreg:$0x2] =	wrdreg s2  }
0xa9: {  	[dreg:$0x3] =	wrdreg s4  }
0xaa: {  	[dreg:$0x4] =	wrdreg $0xC0  }
0xab: {  	_ =	task [dreg:s6], $0x5FFFF  }
0xac: {  	[dreg:$0x1] =	wrdreg $0xFFFFFFFF  }
0xad: {  	[dreg:$0x0] =	wrdreg $0x60  }
0xae: {  	[dreg:$0x2] =	wrdreg s24  }
0xaf: {  	[dreg:$0x3] =	wrdreg $0x81000  }
0xb0: {  	[dreg:$0x4] =	wrdreg $0xA  }
0xb1: {  	_ =	task.clear_ibuf [dreg:s6], $0x5FFFF;
	_ =	strace $0x90000049  }
0xb2: {  	s29 =	simm.s32 $0xA;
	_ =	strace $0x8000004B  }
0xb3: {  	_ =	swait.ge [sflag:s29], $0x1  }
0xb4: {  	[sflag:s29] =	ssyncadd.s32 $0xFFFFFFFF  }
0xb5: {  	_ =	strace $0x9000004B  }
0xb6: {  	_ =	sfence  }
0xb7: {  	s30 =	sld [smem:$0x0];
	_ =	sdelay $0x2  }
0xb8: {  	s31 =	sshll.u32 s1, $0xD;
	s1 =	sshrl.u32 s1, $0x2  }
0xb9: {  	s3 =	sand.u32 $0x4000, s31;
	s1 =	sadd.s32 s1, s30  }
0xba: {  	s0 =	sor.u32 s3, s0;
	s1 =	sshll.u32 s1, $0x11  }
0xbb: {  	s0 =	sor.u32 s1, s0  }
0xbc: {  	s0 =	sadd.s32 $0x8F2B, s0  }
0xbd: {  	[sflag:s0] =	ssyncadd.remote.s32 $0x1  }
0xbe: {  	_ =	sfence.sel $0xFFFF  }
0xbf: {  	[dreg:$0x0] =	wrdreg $0xFFFFFFFF;
	(pc) =	sbr.abs _section_cstart, $3  }
0xc0: {  	[dreg:$0x1] =	wrdreg $0xFFFFFFFF  }
0xc1: {  	_ =	task.clear_ibuf [dreg:s6], $0x2FFFF;
	_ =	strace $0x9FFFFFFF  }
0xc2: {  	(tm) =	ssettm $0x7FFFFFFF  }
0xc3: {  	_ =	shalt  }
tec
execute0_lowered:
.L_overlay_start_1:
0x0: {  	(tag) =	ssettag $0x1  }
0x1: {  	s5 =	rddreg [dreg:$0x0]  }
0x2: {  	s2 =	rddreg [dreg:$0x1];
	s1 =	stileid.u32  }
0x3: {  	s3 =	simm.s32 $0x0;
	s4 =	srdreg.scid;
	s10 =	smul.u32 $0x2700, s1  }
0x4: {  	s22 =	simm.s32 $0x1;
	[smem:$0x7FF] =	sst s3;
	s23 =	smul.u32 $0x4E000, s1  }
0x5: {  	s11 =	sand.u32 $0x1, s4;
	s12 =	sadd.s32 $0x100BE00, s5;
	s15 =	sadd.s32 $0x101E00, s5  }
0x6: {  	s8 =	smul.u32 $0x2800, s1;
	s13 =	sadd.s32 $0x78C00, s5;
	s17 =	sadd.s32 $0x124800, s2  }
0x7: {  	s29 =	smul.u32 $0x28000, s1;
	p0 =	seq.s32 s1, $0xF;
	_ =	strace $0x8000004A  }
0x8: {  	s6 =	smul.u32 $0x28000, s11;
	s7 =	ssub.s32 $0x2, s11;
	s19 =	sxor.u32 $0x1, s11  }
0x9: {  	s21 =	smul.u32 $0x280000, s11;
	s9 =	sadd.s32 s10, s5;
	s14 =	sshrl.u32 s7, $0x1  }
0xa: {  	s4 =	sshrl.u32 s23, $0x2;
	s5 =	sadd.s32 $0x76300, s5;
	s20 =	smul.u32 $0x138800, s19  }
0xb: {  	s19 =	smul.u32 $0x27100, s19;
	s23 =	simm.s32 $0x3;
	s14 =	ssub.s32 s7, s14  }
0xc: {  	s16 =	sadd.s32 s8, s6;
	s18 =	sadd.s32 s4, s2;
	s4 =	sadd.s32 $0x51A00, s9  }
0xd: {  	s30 =	sadd.s32 s21, s12;
	s21 =	simm.s32 $0x4100;
	s6 =	sshrl.u32 s16, $0x3  }
0xe: {  	s24 =	sshll.u32 s16, $0x4;
	s25 =	sadd.s32 $0x2780, s16;
	s20 =	sshrl.u32 s20, $0x3  }
0xf: {  	s10 =	sadd.s32 s10, s19;
	s31 =	sor.u32 $0x100, s16;
	s16 =	sor.u32 $0x80, s16  }
0x10: {  	s18 =	sshrl.u32 @!p0 s18, $0x3;
	s19 =	simm.s32 $0x100;
	s6 =	sadd.s32 s15, s6  }
0x11: {  	s7 =	sadd.s32 s12, s24;
	s26 =	sshrl.u32 s25, $0x3;
	s9 =	sshll.u32 s25, $0x4  }
0x12: {  	s28 =	sadd.s32 s13, s20;
	s10 =	sadd.s32 s13, s10;
	s13 =	sadd.s32 s29, s30  }
0x13: {  	s16 =	sshrl.u32 s16, $0x3;
	s20 =	simm.s32 $0x80;
	s24 =	simm.s32 $0x2  }
0x14: {  	s9 =	sadd.s32 s12, s9;
	s12 =	smax.u32 s14, $0x1;
	s14 =	sshrl.u32 s31, $0x3  }
0x15: {  	s25 =	simm.s32 $0x0;
	s8 =	sadd.s32 s15, s26;
	s14 =	sadd.s32 s14, s15  }
0x16: {  	s15 =	sadd.s32 s16, s15;
	s16 =	sshrl.u32 @p0 s17, $0x3;
	s17 =	sshll.u32 @!p0 s1, $0x6  }
0x17: {  	s11 =	sadd.s32 $0x24900, s28;
	s13 =	sadd.s32 $0x1000, s13;
	s17 =	sor.u32 @!p0 $0x1C03, s17  }
.LBB2_1:
0x18: {  	s26 =	simm.s32 @p0 $0x1FC3  }
0x19: {  	[spmem:s16], [sflag:s26] =	dma.local @p0 [hbm:s5], $0x2800  }
0x1a: {  	s26 =	simm.s32 @p0 $0x3  }
0x1b: {  	_ =	swait.ge @p0 [sflag:s26], $0x2800  }
0x1c: {  	[sflag:s26] =	ssyncset.done @p0 $0x0  }
0x1d: {  	[sflag:s26] =	ssyncadd.s32 @p0 $0xFFFFD800;
	s26 =	simm.s32 @!p0 $0x3  }
0x1e: {  	[spmem:s18], [sflag:s17] =	dma.local @!p0 [hbm:s4], $0x2700  }
0x1f: {  	_ =	swait.ge @!p0 [sflag:s26], $0x2700  }
0x20: {  	[sflag:s26] =	ssyncset.done @!p0 $0x0  }
0x21: {  	[sflag:s26] =	ssyncadd.s32 @!p0 $0xFFFFD900  }
0x22: {  	[bflag:$0x0] =	sbarrier.arrive $0xFFFF  }
0x23: {  	[tilespmem:s3], [sflag:$0x1] =	stream.linear.gather [hbm4b:s6+s3], $0x80, $0x38;
	[tilespmem:$0x1B980] =	vst v63  }
0x24: {  	_ = 	snop  }
0x25: {  	[tilespmem:s19], [sflag:$0x1] =	stream.linear.gather [hbm4b:s7+s3], $0x4000, $0x38;
	[tilespmem:$0x1B980] =	vst v63  }
0x26: {  	s0 =	sadd.s32 $0x0, s15  }
0x27: {  	[tilespmem:s20], [sflag:$0x2] =	stream.linear.gather [hbm4b:s0+s3], $0x80, $0x38;
	[tilespmem:$0x1B980] =	vst v63  }
0x28: {  	s30 =	sadd.s32 $0xFFFFF800, s13  }
0x29: {  	[tilespmem:s21], [sflag:$0x2] =	stream.linear.gather [hbm4b:s30+s3], $0x4000, $0x38;
	[tilespmem:$0x1B980] =	vst v63  }
0x2a: {  	_ =	swait.ge [sflag:s22], $0x80  }
0x2b: {  	[sflag:s22] =	ssyncset.done $0x0  }
0x2c: {  	[sflag:s22] =	ssyncadd.s32 $0xFFFFFF80  }
0x2d: {  	_ =	swait.ge [sflag:s22], $0x4000  }
0x2e: {  	[sflag:s22] =	ssyncset.done $0x0  }
0x2f: {  	[sflag:s22] =	ssyncadd.s32 $0xFFFFC000  }
0x30: {  	[spmem:s2] =	stream.indirect.scatter.add.f32 [tilespmem:s19], [sflag:$0x3], $0x80, s3, s20, $0xb8;
	[tilespmem:$0x1B980] =	vst v63  }
0x31: {  	_ =	swait.ge [sflag:s23], $0x4000  }
0x32: {  	[sflag:s23] =	ssyncset.done $0x0  }
0x33: {  	s31 =	sadd.s32 $0x0, s14;
	[sflag:s23] =	ssyncadd.s32 $0xFFFFC000  }
0x34: {  	[tilespmem:s3], [sflag:$0x1] =	stream.linear.gather [hbm4b:s31+s3], $0x80, $0x38;
	[tilespmem:$0x1B980] =	vst v63  }
0x35: {  	_ = 	snop  }
0x36: {  	[tilespmem:s19], [sflag:$0x1] =	stream.linear.gather [hbm4b:s13+s3], $0x4000, $0x38;
	[tilespmem:$0x1B980] =	vst v63  }
0x37: {  	_ =	swait.ge [sflag:s24], $0x80  }
0x38: {  	[sflag:s24] =	ssyncset.done $0x0  }
0x39: {  	[sflag:s24] =	ssyncadd.s32 $0xFFFFFF80  }
0x3a: {  	_ =	swait.ge [sflag:s24], $0x4000  }
0x3b: {  	[sflag:s24] =	ssyncset.done $0x0  }
0x3c: {  	[sflag:s24] =	ssyncadd.s32 $0xFFFFC000  }
0x3d: {  	[spmem:s2] =	stream.indirect.scatter.add.f32 [tilespmem:s21], [sflag:$0x3], $0x80, s20, s20, $0xb8;
	[tilespmem:$0x1B980] =	vst v63  }
0x3e: {  	s29 =	simm.s32 $0x40;
	_ =	swait.ge [sflag:s23], $0x4000  }
0x3f: {  	s28 =	sadd.s32 $0x1000, s13;
	s26 =	simm.s32 $0x20;
	[sflag:s23] =	ssyncset.done $0x0  }
.LBB2_2:
0x40: {  	s30 =	sadd.s32 s26, s15  }
0x41: {  	[sflag:s23] =	ssyncadd.s32 $0xFFFFC000;
	s31 =	smov.u32 s29;
	s0 =	sadd.s32 $0x20, s29  }
0x42: {  	[tilespmem:s20], [sflag:$0x2] =	stream.linear.gather [hbm4b:s30+s3], $0x80, $0x38;
	[tilespmem:$0x1B980] =	vst v63  }
0x43: {  	p1 =	sne.s32 s29, $0x4C0;
	s29 =	sadd.s32 $0xFFFFF800, s28  }
0x44: {  	[tilespmem:s21], [sflag:$0x2] =	stream.linear.gather [hbm4b:s29+s3], $0x4000, $0x38;
	[tilespmem:$0x1B980] =	vst v63  }
0x45: {  	_ =	swait.ge [sflag:s22], $0x80  }
0x46: {  	[sflag:s22] =	ssyncset.done $0x0  }
0x47: {  	[sflag:s22] =	ssyncadd.s32 $0xFFFFFF80  }
0x48: {  	_ =	swait.ge [sflag:s22], $0x4000  }
0x49: {  	[sflag:s22] =	ssyncset.done $0x0  }
0x4a: {  	[sflag:s22] =	ssyncadd.s32 $0xFFFFC000  }
0x4b: {  	[spmem:s2] =	stream.indirect.scatter.add.f32 [tilespmem:s19], [sflag:$0x3], $0x80, s3, s20, $0xb8;
	[tilespmem:$0x1B980] =	vst v63  }
0x4c: {  	_ =	swait.ge [sflag:s23], $0x4000  }
0x4d: {  	[sflag:s23] =	ssyncset.done $0x0  }
0x4e: {  	s29 =	sadd.s32 s26, s14;
	s26 =	smov.u32 s31;
	[sflag:s23] =	ssyncadd.s32 $0xFFFFC000  }
0x4f: {  	[tilespmem:s3], [sflag:$0x1] =	stream.linear.gather [hbm4b:s29+s3], $0x80, $0x38;
	[tilespmem:$0x1B980] =	vst v63  }
0x50: {  	_ = 	snop  }
0x51: {  	[tilespmem:s19], [sflag:$0x1] =	stream.linear.gather [hbm4b:s28+s3], $0x4000, $0x38;
	[tilespmem:$0x1B980] =	vst v63  }
0x52: {  	_ =	swait.ge [sflag:s24], $0x80  }
0x53: {  	[sflag:s24] =	ssyncset.done $0x0  }
0x54: {  	[sflag:s24] =	ssyncadd.s32 $0xFFFFFF80  }
0x55: {  	_ =	swait.ge [sflag:s24], $0x4000  }
.Ltmp0:
0x56: {  	[sflag:s24] =	ssyncset.done $0x0;
	(pc) =	sbr.rel @p1 .LBB2_2-.Ltmp0, $4  }
0x57: {  	[sflag:s24] =	ssyncadd.s32 $0xFFFFC000  }
0x58: {  	[spmem:s2] =	stream.indirect.scatter.add.f32 [tilespmem:s21], [sflag:$0x3], $0x80, s20, s20, $0xb8;
	[tilespmem:$0x1B980] =	vst v63  }
0x59: {  	_ =	swait.ge [sflag:s23], $0x4000  }
0x5a: {  	s29 =	smov.u32 s0;
	s28 =	sadd.s32 $0x1000, s28;
	[sflag:s23] =	ssyncset.done $0x0  }
0x5b: {  	s0 =	sadd.s32 s26, s15;
	[sflag:s23] =	ssyncadd.s32 $0xFFFFC000  }
0x5c: {  	[tilespmem:s20], [sflag:$0x2] =	stream.linear.gather [hbm4b:s0+s3], $0x80, $0x38;
	[tilespmem:$0x1B980] =	vst v63  }
0x5d: {  	s30 =	sadd.s32 $0xFFFFF800, s28  }
0x5e: {  	[tilespmem:s21], [sflag:$0x2] =	stream.linear.gather [hbm4b:s30+s3], $0x4000, $0x38;
	[tilespmem:$0x1B980] =	vst v63  }
0x5f: {  	_ =	swait.ge [sflag:s22], $0x80  }
0x60: {  	[sflag:s22] =	ssyncset.done $0x0  }
0x61: {  	[sflag:s22] =	ssyncadd.s32 $0xFFFFFF80  }
0x62: {  	_ =	swait.ge [sflag:s22], $0x4000  }
0x63: {  	[sflag:s22] =	ssyncset.done $0x0  }
0x64: {  	[sflag:s22] =	ssyncadd.s32 $0xFFFFC000  }
0x65: {  	[spmem:s2] =	stream.indirect.scatter.add.f32 [tilespmem:s19], [sflag:$0x3], $0x80, s3, s20, $0xb8;
	[tilespmem:$0x1B980] =	vst v63  }
0x66: {  	_ =	swait.ge [sflag:s23], $0x4000  }
0x67: {  	[sflag:s23] =	ssyncset.done $0x0  }
0x68: {  	s31 =	sadd.s32 s26, s14;
	[sflag:s23] =	ssyncadd.s32 $0xFFFFC000  }
0x69: {  	[tilespmem:s3], [sflag:$0x1] =	stream.linear.gather [hbm4b:s31+s3], $0x80, $0x38;
	[tilespmem:$0x1B980] =	vst v63  }
0x6a: {  	_ = 	snop  }
0x6b: {  	[tilespmem:s19], [sflag:$0x1] =	stream.linear.gather [hbm4b:s28+s3], $0x4000, $0x38;
	[tilespmem:$0x1B980] =	vst v63  }
0x6c: {  	_ =	swait.ge [sflag:s24], $0x80  }
0x6d: {  	[sflag:s24] =	ssyncset.done $0x0  }
0x6e: {  	[sflag:s24] =	ssyncadd.s32 $0xFFFFFF80  }
0x6f: {  	_ =	swait.ge [sflag:s24], $0x4000  }
0x70: {  	[sflag:s24] =	ssyncset.done $0x0  }
0x71: {  	[sflag:s24] =	ssyncadd.s32 $0xFFFFC000  }
0x72: {  	[spmem:s2] =	stream.indirect.scatter.add.f32 [tilespmem:s21], [sflag:$0x3], $0x80, s20, s20, $0xb8;
	[tilespmem:$0x1B980] =	vst v63  }
0x73: {  	_ =	swait.ge [sflag:s23], $0x4000  }
0x74: {  	[sflag:s23] =	ssyncset.done $0x0  }
0x75: {  	[sflag:s23] =	ssyncadd.s32 $0xFFFFC000  }
0x76: {  	[tilespmem:s20], [sflag:$0x2] =	stream.linear.gather [hbm4b:s8+s3], $0x80, $0x38;
	[tilespmem:$0x1B980] =	vst v63  }
0x77: {  	_ = 	snop  }
0x78: {  	[tilespmem:s21], [sflag:$0x2] =	stream.linear.gather [hbm4b:s9+s3], $0x4000, $0x38;
	[tilespmem:$0x1B980] =	vst v63  }
0x79: {  	_ =	swait.ge [sflag:s22], $0x80  }
0x7a: {  	[sflag:s22] =	ssyncset.done $0x0  }
0x7b: {  	[sflag:s22] =	ssyncadd.s32 $0xFFFFFF80  }
0x7c: {  	_ =	swait.ge [sflag:s22], $0x4000  }
0x7d: {  	[sflag:s22] =	ssyncset.done $0x0  }
0x7e: {  	[sflag:s22] =	ssyncadd.s32 $0xFFFFC000  }
0x7f: {  	[spmem:s2] =	stream.indirect.scatter.add.f32 [tilespmem:s19], [sflag:$0x3], $0x80, s3, s20, $0xb8;
	[tilespmem:$0x1B980] =	vst v63  }
0x80: {  	_ =	swait.ge [sflag:s23], $0x4000  }
0x81: {  	[sflag:s23] =	ssyncset.done $0x0  }
0x82: {  	[sflag:s23] =	ssyncadd.s32 $0xFFFFC000  }
0x83: {  	_ =	swait.ge [sflag:s24], $0x80  }
0x84: {  	[sflag:s24] =	ssyncset.done $0x0  }
0x85: {  	[sflag:s24] =	ssyncadd.s32 $0xFFFFFF80  }
0x86: {  	_ =	swait.ge [sflag:s24], $0x4000  }
0x87: {  	[sflag:s24] =	ssyncset.done $0x0  }
0x88: {  	[sflag:s24] =	ssyncadd.s32 $0xFFFFC000  }
0x89: {  	[spmem:s2] =	stream.indirect.scatter.add.f32 [tilespmem:s21], [sflag:$0x3], $0x80, s20, s20, $0xb8;
	[tilespmem:$0x1B980] =	vst v63  }
0x8a: {  	_ =	swait.ge [sflag:s23], $0x4000  }
0x8b: {  	[sflag:s23] =	ssyncset.done $0x0  }
0x8c: {  	[sflag:s23] =	ssyncadd.s32 $0xFFFFC000  }
0x8d: {  	s0 =	simm.s32 @p0 $0x1FC3;
	[bflag:$0x0] =	sbarrier.arrive $0xFFFF  }
0x8e: {  	[hbm:s11], [sflag:s0] =	dma.local @p0 [spmem:s16], $0x2800  }
0x8f: {  	s0 =	simm.s32 @p0 $0x3  }
0x90: {  	s25 =	sadd.s32 $0x1, s25;
	_ =	swait.ge @p0 [sflag:s0], $0x2800  }
0x91: {  	p1 =	sne.s32 s25, s12;
	[sflag:s0] =	ssyncset.done @p0 $0x0  }
.Ltmp1:
0x92: {  	[sflag:s0] =	ssyncadd.s32 @p0 $0xFFFFD800;
	s0 =	simm.s32 @!p0 $0x3;
	(pc) =	sbr.rel @p1 .LBB2_1-.Ltmp1, $4  }
0x93: {  	[hbm:s10], [sflag:s17] =	dma.local @!p0 [spmem:s18], $0x2700  }
0x94: {  	_ =	swait.ge @!p0 [sflag:s0], $0x2700  }
0x95: {  	[sflag:s0] =	ssyncset.done @!p0 $0x0  }
0x96: {  	[sflag:s0] =	ssyncadd.s32 @!p0 $0xFFFFD900  }
0x97: {  	_ =	sfence.sel $0x180000  }
0x98: {  	[bflag:$0x0] =	sbarrier.arrive $0xFFFF  }
0x99: {  	_ =	strace $0x9000004A  }
0x9a: {  	[bflag:$0x2] =	sbarrier.arrive $0xFFFF  }
0x9b: {  	p0 =	sne.s32 s1, $0x0;
	s0 =	rddreg [dreg:$0x2]  }
0x9c: {  	s0 =	sadd.s32 @!p0 $0x100000, s0  }
0x9d: {  	[sflag:s0] =	ssyncadd.tile.s32 @!p0 $0x1;
	_ =	shalt  }
.Lfunc_end2:
_tile_overlayer_lowered:
.L_overlay_start_2:
0x9e: {  	(tag) =	ssettag $0x2  }
0x9f: {  	s0 =	rddreg [dreg:$0x0];
	s2 =	stileid.u32  }
0xa0: {  	s1 =	rddreg [dreg:$0x1];
	p0 =	sne.s32 s2, $0x0  }
0xa1: {  	s3 =	rddreg [dreg:$0x2];
	[bflag:$0x3] =	sbarrier.arrive $0xFFFF;
	s2 =	simm.s32 @!p0 $0x1C03  }
0xa2: {  	[timem:s3], [sflag:s2] =	dma.local @!p0 [hbm:s0], s1  }
0xa3: {  	s0 =	simm.s32 @!p0 $0x3  }
0xa4: {  	_ =	swait.ge @!p0 [sflag:s0], s1  }
0xa5: {  	s1 =	ssub.s32 @!p0 $0x0, s1;
	[sflag:s0] =	ssyncset.done @!p0 $0x0  }
0xa6: {  	[sflag:s0] =	ssyncadd.s32 @!p0 s1  }
0xa7: {  	[bflag:$0x3] =	sbarrier.arrive $0xFFFF  }
0xa8: {  	_ =	shalt  }

// kernel: kernel.8.cloned.1.call-start
scs
__scs_entry_jumppad:
0x0: {  	(pc) =	sbr.rel $0x88, $3  }
0x1: {  	(tag) =	ssettag $0x0;
	lr =	simm.s32 $0x1  }
0x2: {  	[smem:$0x3F81] =	sst lr;
	_ =	strace $0xD0000000  }
0x3: {  	_ = 	snop  }
0x4: {  	_ = 	snop  }
0x5: {  	_ = 	snop  }
0x6: {  	_ = 	snop  }
0x7: {  	_ = 	snop  }
__scs_overlays_trampoline_lowered:
0x8: {  	[smem:$0x3F90] =	sst s0  }
0x9: {  	[smem:$0x3F91] =	sst s1  }
0xa: {  	[smem:$0x3F92] =	sst s2  }
0xb: {  	[smem:$0x3F93] =	sst s3  }
0xc: {  	[smem:$0x3F94] =	sst s4  }
0xd: {  	[smem:$0x3F95] =	sst s5  }
0xe: {  	[smem:$0x3F96] =	sst s6  }
0xf: {  	[smem:$0x3F97] =	sst s7  }
0x10: {  	[smem:$0x3F98] =	sst s8  }
0x11: {  	[smem:$0x3F99] =	sst s9;
	s0 =	simm.s32 @!p0 $0x0  }
0x12: {  	s1 =	sld [smem:$0x3F7F];
	s0 =	simm.s32 @p0 $0x1  }
0x13: {  	[smem:$0x3F9A] =	sst s0;
	s0 =	simm.s32 @!p1 $0x0  }
0x14: {  	s2 =	sld [smem:$0x3F7E];
	s0 =	simm.s32 @p1 $0x1  }
0x15: {  	[smem:$0x3F9B] =	sst s0;
	s0 =	simm.s32 @!p2 $0x0  }
0x16: {  	s3 =	sld [smem:$0x3FDB];
	s0 =	simm.s32 @p2 $0x1  }
0x17: {  	s4 =	simm.s32 $0x1BF5;
	[smem:$0x3F9D] =	sst s0  }
0x18: {  	s0 =	sld [smem:$0x3F80];
	_ =	swait.ge [sflag:s4], $0x0  }
0x19: {  	s7 =	sld [smem:$0x3F81]  }
0x1a: {  	s8 =	sadd.s32 $0xFFFFE003, lr  }
0x1b: {  	s9 =	sadd.s32 $0xFFFFFEF7, lr;
	s5 =	simm.s32 $0xFFFFFFFF;
	p2 =	slt.u32 s8, $0xFFFFF086  }
0x1c: {  	p1 =	slt.u32 s9, $0xF7A;
	s5 =	simm.s32 @!p2 $0x0  }
0x1d: {  	s5 =	simm.s32 @p1 $0x1;
	p0 =	seq.s32 s7, s2  }
0x1e: {  	s7 =	smul.u32 @!p0 $0xF7A, s2;
	p2 =	seq.s32 @!p0 s5, $0x0  }
0x1f: {  	s9 =	smul.u32 $0xF7A, s1;
	s8 =	simm.s32 @!p0 $0x1BF5;
	p2 =	por !p2, p0  }
0x20: {  	[sflag:s8] =	ssyncset.s32 @!p0 $0xFFFFF086;
	s6 =	sadd.s32 @!p0 s3, s7;
	s7 =	simm.s32 @!p0 $0x108  }
0x21: {  	s3 =	sadd.s32 s3, s9;
	s6 =	sadd.s32 @!p0 $0x88, s6;
	s7 =	simm.s32 @p2 $0x1082  }
0x22: {  	[simem:s7], [sflag:s8] =	dma.local @!p0 [hbm:s6], $0xF7A  }
0x23: {  	s9 =	sor.u32 $0xD0000000, s2;
	s6 =	simm.s32 $0x108;
	_ =	swait.ge @!p0 [sflag:s8], $0x0  }
0x24: {  	s3 =	sadd.s32 $0x88, s3;
	s6 =	simm.s32 @!p1 $0x1082;
	[sflag:s4] =	ssyncset.s32 $0xFFFFF086  }
0x25: {  	[simem:s6], [sflag:s4] =	dma.local [hbm:s3], $0xF7A  }
0x26: {  	[smem:$0x3F81] =	sst s1;
	(tag) =	ssettag s2;
	_ =	strace s9  }
0x27: {  	s1 =	sld [smem:$0x3F91]  }
0x28: {  	s2 =	sld [smem:$0x3F92]  }
0x29: {  	s4 =	sld [smem:$0x3F94]  }
0x2a: {  	p0 =	seq.s32 s5, $0x0;
	s5 =	sld [smem:$0x3F95]  }
0x2b: {  	s6 =	sld [smem:$0x3F96]  }
0x2c: {  	s7 =	sld [smem:$0x3F97]  }
0x2d: {  	s3 =	simm.s32 $0x108;
	s8 =	sld [smem:$0x3F98]  }
0x2e: {  	s3 =	simm.s32 @!p0 $0x1082;
	s9 =	sld [smem:$0x3F99]  }
0x2f: {  	lr =	sadd.s32 s0, s3;
	s0 =	sld [smem:$0x3F90]  }
0x30: {  	s3 =	sld [smem:$0x3F93]  }
0x31: {  	[smem:$0x3F9C] =	sst s10  }
0x32: {  	s10 =	sld [smem:$0x3F9A];
	_ =	sdelay $0x3  }
0x33: {  	p0 =	seq.s32 s10, $0x1;
	s10 =	sld [smem:$0x3F9C];
	_ =	sdelay $0x3  }
0x34: {  	[smem:$0x3F9C] =	sst s10  }
0x35: {  	s10 =	sld [smem:$0x3F9B];
	_ =	sdelay $0x3  }
0x36: {  	p1 =	seq.s32 s10, $0x1;
	s10 =	sld [smem:$0x3F9C];
	_ =	sdelay $0x3  }
0x37: {  	[smem:$0x3F9C] =	sst s10  }
0x38: {  	s10 =	sld [smem:$0x3F9D]  }
0x39: {  	_ = 	snop;
	(pc) =	sbr.ind lr, $3  }
0x3a: {  	_ = 	snop  }
0x3b: {  	_ = 	snop  }
0x3c: {  	p2 =	seq.s32 s10, $0x1;
	s10 =	sld [smem:$0x3F9C]  }
0x3d: {  	_ =	shalt  }
0x3e: {  	_ =	shalt  }
0x3f: {  	_ =	shalt  }
0x40: {  	_ =	shalt  }
0x41: {  	_ =	shalt  }
0x42: {  	_ =	shalt  }
0x43: {  	_ =	shalt  }
0x44: {  	_ =	shalt  }
0x45: {  	_ =	shalt  }
0x46: {  	_ =	shalt  }
0x47: {  	_ =	shalt  }
0x48: {  	_ =	shalt  }
0x49: {  	_ =	shalt  }
0x4a: {  	_ =	shalt  }
0x4b: {  	_ =	shalt  }
0x4c: {  	_ =	shalt  }
0x4d: {  	_ =	shalt  }
0x4e: {  	_ =	shalt  }
0x4f: {  	_ =	shalt  }
0x50: {  	_ =	shalt  }
0x51: {  	_ =	shalt  }
0x52: {  	_ =	shalt  }
0x53: {  	_ =	shalt  }
0x54: {  	_ =	shalt  }
0x55: {  	_ =	shalt  }
0x56: {  	_ =	shalt  }
0x57: {  	_ =	shalt  }
0x58: {  	_ =	shalt  }
0x59: {  	_ =	shalt  }
0x5a: {  	_ =	shalt  }
0x5b: {  	_ =	shalt  }
0x5c: {  	_ =	shalt  }
0x5d: {  	_ =	shalt  }
0x5e: {  	_ =	shalt  }
0x5f: {  	_ =	shalt  }
0x60: {  	_ =	shalt  }
0x61: {  	_ =	shalt  }
0x62: {  	_ =	shalt  }
0x63: {  	_ =	shalt  }
0x64: {  	_ =	shalt  }
0x65: {  	_ =	shalt  }
0x66: {  	_ =	shalt  }
0x67: {  	_ =	shalt  }
0x68: {  	_ =	shalt  }
0x69: {  	_ =	shalt  }
0x6a: {  	_ =	shalt  }
0x6b: {  	_ =	shalt  }
0x6c: {  	_ =	shalt  }
0x6d: {  	_ =	shalt  }
0x6e: {  	_ =	shalt  }
0x6f: {  	_ =	shalt  }
0x70: {  	_ =	shalt  }
0x71: {  	_ =	shalt  }
0x72: {  	_ =	shalt  }
0x73: {  	_ =	shalt  }
0x74: {  	_ =	shalt  }
0x75: {  	_ =	shalt  }
0x76: {  	_ =	shalt  }
0x77: {  	_ =	shalt  }
0x78: {  	_ =	shalt  }
0x79: {  	_ =	shalt  }
0x7a: {  	_ =	shalt  }
0x7b: {  	_ =	shalt  }
0x7c: {  	_ =	shalt  }
0x7d: {  	_ =	shalt  }
0x7e: {  	_ =	shalt  }
0x7f: {  	_ =	shalt  }
0x80: {  	_ =	shalt  }
0x81: {  	_ =	shalt  }
0x82: {  	_ =	shalt  }
0x83: {  	_ =	shalt  }
0x84: {  	_ =	shalt  }
0x85: {  	_ =	shalt  }
0x86: {  	_ =	shalt  }
0x87: {  	_ =	shalt  }
.Lfunc_end0:
.L_simem_size_0:
called_computation_lowered:
.L_overlay_start_0:
0x88: {  	s2 =	sld [smem:$0x3FD9]  }
0x89: {  	s3 =	sld [smem:$0x3FFE];
	_ =	sdelay $0x1  }
0x8a: {  	s1 =	srdreg.scid  }
0x8b: {  	s0 =	sand.u32 $0x1, s1  }
0x8c: {  	s17 =	sshll.u32 s0, $0xA;
	s2 =	sadd.s32 s3, s2  }
0x8d: {  	s2 =	sadd.s32 s2, s17  }
0x8e: {  	[smem:$0x3FA8] =	sst s2  }
0x8f: {  	_ = 	snop  }
0x90: {  	s2 =	sld [smem:$0x3FD0];
	(tm) =	ssettm $0x1  }
0x91: {  	s18 =	sld [smem:$0x3FFB];
	_ =	sdelay $0x3  }
0x92: {  	_ =	strace s18  }
0x93: {  	s3 =	sld [smem:$0x3FFC];
	_ =	sdelay $0x3  }
0x94: {  	_ =	strace s3  }
0x95: {  	s3 =	sld [smem:$0x3FFD];
	_ =	sdelay $0x3  }
0x96: {  	_ =	strace s3  }
0x97: {  	_ =	strace $0x8FFFFFFF  }
0x98: {  	s19 =	sld [smem:$0x3FDB];
	_ =	sdelay $0x1  }
0x99: {  	s4 =	simm.s32 $_scs_section_size  }
0x9a: {  	s5 =	simm.s32 $_size__tile_overlayer_lowered;
	s6 =	simm.s32 $_tile_overlayer_lowered  }
0x9b: {  	s22 =	simm.s32 $0x1BFF;
	s21 =	sshll.u32 s6, $0x1;
	s3 =	sadd.s32 s4, s19  }
0x9c: {  	s7 =	simm.s32 $0x0;
	s20 =	sshll.u32 s5, $0x1;
	s5 =	sadd.s32 s21, s3  }
0x9d: {  	[timem:s7], [sflag:s22] =	dma.local [hbm:s5], s20  }
0x9e: {  	_ =	swait.ge [sflag:s22], s20  }
0x9f: {  	s4 =	ssub.s32 $0x0, s20;
	[sflag:s22] =	ssyncset.done $0x0  }
0xa0: {  	[sflag:s22] =	ssyncadd.s32 s4;
	_ =	sdelay $0x1  }
0xa1: {  	s23 =	simm.s32 $0x1B8B  }
0xa2: {  	_ =	swait.ge [sflag:s23], $0x1  }
0xa3: {  	[sflag:s23] =	ssyncset.done $0x0  }
0xa4: {  	s25 =	simm.s32 $0x1B8E;
	s24 =	sld [smem:$0x3FFE];
	[sflag:s23] =	ssyncadd.s32 $0xFFFFFFFF  }
0xa5: {  	s26 =	simm.s32 $execute0_lowered;
	[smem:$0x3FD2] =	sst s25  }
0xa6: {  	s5 =	sshll.u32 s26, $0x1;
	_ =	strace $0x80000046;
	[dreg:$0x1] =	wrdreg $0xFFFFFFFF  }
0xa7: {  	s28 =	simm.s32 $_size_execute0_lowered;
	s3 =	sadd.s32 s3, s5;
	[dreg:$0x0] =	wrdreg $0x0  }
0xa8: {  	s5 =	sshll.u32 s28, $0x1;
	[dreg:$0x2] =	wrdreg s3  }
0xa9: {  	[dreg:$0x3] =	wrdreg s5  }
0xaa: {  	[dreg:$0x4] =	wrdreg $0xC0  }
0xab: {  	_ =	task [dreg:s7], $0x5FFFF  }
0xac: {  	[dreg:$0x1] =	wrdreg $0xFFFFFFFF  }
0xad: {  	[dreg:$0x0] =	wrdreg $0x60  }
0xae: {  	[dreg:$0x2] =	wrdreg s2  }
0xaf: {  	[dreg:$0x3] =	wrdreg s24  }
0xb0: {  	[dreg:$0x4] =	wrdreg $0x9  }
0xb1: {  	_ =	task.clear_ibuf [dreg:s7], $0x5FFFF;
	_ =	strace $0x90000046  }
0xb2: {  	s29 =	simm.s32 $0x9;
	_ =	strace $0x80000048  }
0xb3: {  	_ =	swait.ge [sflag:s29], $0x1  }
0xb4: {  	[sflag:s29] =	ssyncadd.s32 $0xFFFFFFFF  }
0xb5: {  	_ =	strace $0x90000048  }
0xb6: {  	_ =	sfence  }
0xb7: {  	s30 =	sld [smem:$0x0];
	_ =	sdelay $0x2  }
0xb8: {  	s31 =	sshll.u32 s1, $0xD;
	s1 =	sshrl.u32 s1, $0x2  }
0xb9: {  	s3 =	sand.u32 $0x4000, s31;
	s1 =	sadd.s32 s1, s30  }
0xba: {  	s0 =	sor.u32 s3, s0;
	s1 =	sshll.u32 s1, $0x11  }
0xbb: {  	s0 =	sor.u32 s1, s0  }
0xbc: {  	s0 =	sadd.s32 $0x8F2B, s0  }
0xbd: {  	[sflag:s0] =	ssyncadd.remote.s32 $0x1  }
0xbe: {  	_ =	sfence.sel $0xFFFF  }
0xbf: {  	[dreg:$0x0] =	wrdreg $0xFFFFFFFF;
	(pc) =	sbr.abs _section_cstart, $3  }
0xc0: {  	[dreg:$0x1] =	wrdreg $0xFFFFFFFF  }
0xc1: {  	_ =	task.clear_ibuf [dreg:s7], $0x2FFFF;
	_ =	strace $0x9FFFFFFF  }
0xc2: {  	(tm) =	ssettm $0x7FFFFFFF  }
0xc3: {  	_ =	shalt  }
tec
execute0_lowered:
.L_overlay_start_1:
0x0: {  	(tag) =	ssettag $0x1  }
0x1: {  	s0 =	srdreg.scid;
	s2 =	rddreg [dreg:$0x0]  }
0x2: {  	s11 =	stileid.u32;
	s5 =	rddreg [dreg:$0x1];
	s3 =	simm.s32 $0x0  }
0x3: {  	s14 =	simm.s32 $0x3;
	s16 =	simm.s32 $0x80;
	s17 =	simm.s32 $0x5000  }
0x4: {  	s18 =	simm.s32 $0xD000;
	s15 =	simm.s32 $0xD800;
	s13 =	simm.s32 $0x11000  }
0x5: {  	s28 =	simm.s32 $0x1;
	s29 =	simm.s32 $0x2;
	s0 =	sand.u32 $0x1, s0  }
0x6: {  	s1 =	sshll.u32 s11, $0x1;
	[smem:$0x7FF] =	sst s3;
	s22 =	smul.u32 $0xA0000, s11  }
0x7: {  	s4 =	sadd.s32 $0x51A00, s5;
	s8 =	sadd.s32 $0x10BE00, s5;
	s25 =	smul.u32 $0x50000, s11  }
0x8: {  	s11 =	simm.s32 $0x10000;
	s1 =	sor.u32 s0, s1;
	s24 =	smul.u32 $0x50000, s0  }
0x9: {  	_ =	strace $0x80000047;
	s7 =	ssub.s32 $0x2, s0;
	s0 =	smul.u32 $0x28000, s0  }
0xa: {  	s1 =	smul.u32 $0x2800, s1;
	s9 =	sshrl.u32 s7, $0x1;
	s31 =	sadd.s32 s25, s8  }
0xb: {  	s25 =	simm.s32 $0x14800;
	s7 =	ssub.s32 s7, s9;
	s0 =	sadd.s32 s0, s31  }
0xc: {  	s9 =	simm.s32 $0xF000;
	s6 =	sshrl.u32 s1, $0x3;
	s10 =	sadd.s32 $0x2700, s1  }
0xd: {  	s1 =	sadd.s32 $0x2780, s1;
	s30 =	smax.u32 s7, $0x1;
	[dreg:$0xb] =	wrdreg s0  }
0xe: {  	s7 =	simm.s32 $0xE000;
	s6 =	sadd.s32 s6, s5;
	s5 =	sadd.s32 $0x60BE00, s5  }
0xf: {  	s19 =	sshll.u32 s10, $0x4;
	s21 =	sshll.u32 s10, $0x5;
	s23 =	sshll.u32 s1, $0x4  }
0x10: {  	s1 =	sshll.u32 s1, $0x5;
	[dreg:$0x9] =	wrdreg s30;
	s12 =	sadd.s32 $0xEDE00, s6  }
0x11: {  	s10 =	simm.s32 $0xF800;
	s6 =	sadd.s32 $0xF7E00, s6;
	[dreg:$0x3] =	wrdreg s12  }
0x12: {  	s20 =	sadd.s32 s8, s19;
	s1 =	sadd.s32 s5, s1;
	[dreg:$0x4] =	wrdreg s6  }
0x13: {  	s26 =	sadd.s32 s22, s5;
	s19 =	simm.s32 $0x11800;
	[dreg:$0x5] =	wrdreg s20  }
0x14: {  	s22 =	simm.s32 $0x13000;
	s6 =	sadd.s32 s5, s21;
	[dreg:$0x8] =	wrdreg s1  }
0x15: {  	s1 =	sadd.s32 s24, s26;
	s12 =	simm.s32 $0x10800;
	s20 =	simm.s32 $0x12000  }
0x16: {  	s21 =	simm.s32 $0x12800;
	s24 =	simm.s32 $0x14000;
	s5 =	simm.s32 $0x9000  }
0x17: {  	v2 =	vlaneseq.u32;
	s26 =	simm.s32 $0x15800;
	[dreg:$0x6] =	wrdreg s6;
	s6 =	sadd.s32 s8, s23  }
0x18: {  	vm0 =	vmmov $0xffff;
	v1 =	vshrl.u32 v2, $0x3;
	[dreg:$0xa] =	wrdreg s1;
	s8 =	simm.s32 $0xE800;
	s23 =	simm.s32 $0x13800  }
0x19: {  	v0 =	vand.u32 $0x7, v2;
	v2 =	vor.u32 $0x8, v2;
	v1 =	vmul.u32 $0x8, v1;
	s1 =	simm.s32 $0x0;
	[dreg:$0x7] =	wrdreg s6;
	s6 =	simm.s32 $0x15000  }
.LBB2_1:
0x1a: {  	[dreg:$0xc] =	wrdreg s1  }
0x1b: {  	s0 =	rddreg [dreg:$0x3]  }
0x1c: {  	[tilespmem:s3], [sflag:$0x3] =	stream.linear.gather [hbm4b:s0+s3], $0x2800, $0x38;
	[tilespmem:$0x1D000] =	vst v63  }
0x1d: {  	_ =	swait.ge [sflag:s14], $0x2800  }
0x1e: {  	[sflag:s14] =	ssyncset.done $0x0  }
0x1f: {  	s1 =	simm.s32 $0x2800;
	s0 =	rddreg [dreg:$0x4];
	[sflag:s14] =	ssyncadd.s32 $0xFFFFD800  }
0x20: {  	[tilespmem:s1], [sflag:$0x3] =	stream.linear.gather [hbm4b:s0+s3], $0x2800, $0x38;
	[tilespmem:$0x1D000] =	vst v63  }
0x21: {  	_ =	swait.ge [sflag:s14], $0x2800  }
0x22: {  	[sflag:s14] =	ssyncset.done $0x0  }
0x23: {  	[sflag:s14] =	ssyncadd.s32 $0xFFFFD800  }
0x24: {  	[tilespmem:s17], [sflag:$0x1] =	stream.indirect.gather [hbm4b:s2+s16], $0x80, s3, s16, $0xb8;
	[tilespmem:$0x1D000] =	vst v63  }
0x25: {  	v3 =	vld [tilespmem:$0x2800];
	_ =	sdelay $0x4  }
0x26: {  	v4 =	vshll.u32 v3, $0x1  }
0x27: {  	v3 =	vand.u32 $0x7, v3;
	v4 =	vand.u32 $0xFFFFFFF0, v4  }
0x28: {  	v3 =	vor.u32 v3, v4  }
0x29: {  	v4 =	vperm.xlane v3, v0;
	_ =	sdelay $0x1  }
0x2a: {  	v3 =	vperm.xlane v3, v2;
	v4 =	vadd.s32 v1, v4;
	_ =	sdelay $0x1  }
0x2b: {  	v3 =	vadd.s32 v1, v3;
	_ =	sdelay $0x2  }
0x2c: {  	[tilespmem:s18], [sflag:$0x1] =	stream.indirect_vreg.gather [hbm4b:s4+s3], $0x80, v4, vm0, $0xb8;
	[tilespmem:$0x1D000] =	vst v63  }
0x2d: {  	_ = 	snop  }
0x2e: {  	[tilespmem:s15], [sflag:$0x1] =	stream.indirect_vreg.gather [hbm4b:s4+s3], $0x80, v3, vm0, $0xb8;
	[tilespmem:$0x1D000] =	vst v63  }
0x2f: {  	v3 =	vld [tilespmem:$0x2810];
	_ =	sdelay $0x4  }
0x30: {  	v57 =	vshll.u32 v3, $0x1  }
0x31: {  	v3 =	vand.u32 $0x7, v3;
	v4 =	vand.u32 $0xFFFFFFF0, v57  }
0x32: {  	v3 =	vor.u32 v3, v4  }
0x33: {  	v4 =	vperm.xlane v3, v0;
	_ =	sdelay $0x1  }
0x34: {  	v3 =	vperm.xlane v3, v2;
	v4 =	vadd.s32 v1, v4;
	_ =	sdelay $0x1  }
0x35: {  	v3 =	vadd.s32 v1, v3;
	_ =	sdelay $0x2  }
0x36: {  	[tilespmem:s7], [sflag:$0x1] =	stream.indirect_vreg.gather [hbm4b:s4+s3], $0x80, v4, vm0, $0xb8;
	[tilespmem:$0x1D000] =	vst v63  }
0x37: {  	_ = 	snop  }
0x38: {  	[tilespmem:s8], [sflag:$0x1] =	stream.indirect_vreg.gather [hbm4b:s4+s3], $0x80, v3, vm0, $0xb8;
	[tilespmem:$0x1D000] =	vst v63  }
0x39: {  	v3 =	vld [tilespmem:$0x2820];
	_ =	sdelay $0x4  }
0x3a: {  	v58 =	vshll.u32 v3, $0x1  }
0x3b: {  	v3 =	vand.u32 $0x7, v3;
	v4 =	vand.u32 $0xFFFFFFF0, v58  }
0x3c: {  	v3 =	vor.u32 v3, v4  }
0x3d: {  	v4 =	vperm.xlane v3, v0;
	_ =	sdelay $0x1  }
0x3e: {  	v3 =	vperm.xlane v3, v2;
	v4 =	vadd.s32 v1, v4;
	_ =	sdelay $0x1  }
0x3f: {  	v3 =	vadd.s32 v1, v3;
	_ =	sdelay $0x2  }
0x40: {  	[tilespmem:s9], [sflag:$0x1] =	stream.indirect_vreg.gather [hbm4b:s4+s3], $0x80, v4, vm0, $0xb8;
	[tilespmem:$0x1D000] =	vst v63  }
0x41: {  	_ = 	snop  }
0x42: {  	[tilespmem:s10], [sflag:$0x1] =	stream.indirect_vreg.gather [hbm4b:s4+s3], $0x80, v3, vm0, $0xb8;
	[tilespmem:$0x1D000] =	vst v63  }
0x43: {  	v3 =	vld [tilespmem:$0x2830];
	_ =	sdelay $0x4  }
0x44: {  	v59 =	vshll.u32 v3, $0x1  }
0x45: {  	v3 =	vand.u32 $0x7, v3;
	v4 =	vand.u32 $0xFFFFFFF0, v59  }
0x46: {  	v3 =	vor.u32 v3, v4  }
0x47: {  	v4 =	vperm.xlane v3, v0;
	_ =	sdelay $0x1  }
0x48: {  	v3 =	vperm.xlane v3, v2;
	v4 =	vadd.s32 v1, v4;
	_ =	sdelay $0x1  }
0x49: {  	v3 =	vadd.s32 v1, v3;
	_ =	sdelay $0x2  }
0x4a: {  	[tilespmem:s11], [sflag:$0x1] =	stream.indirect_vreg.gather [hbm4b:s4+s3], $0x80, v4, vm0, $0xb8;
	[tilespmem:$0x1D000] =	vst v63  }
0x4b: {  	_ = 	snop  }
0x4c: {  	[tilespmem:s12], [sflag:$0x1] =	stream.indirect_vreg.gather [hbm4b:s4+s3], $0x80, v3, vm0, $0xb8;
	[tilespmem:$0x1D000] =	vst v63  }
0x4d: {  	v3 =	vld [tilespmem:$0x2840];
	_ =	sdelay $0x4  }
0x4e: {  	v60 =	vshll.u32 v3, $0x1  }
0x4f: {  	v3 =	vand.u32 $0x7, v3;
	v4 =	vand.u32 $0xFFFFFFF0, v60  }
0x50: {  	v3 =	vor.u32 v3, v4  }
0x51: {  	v4 =	vperm.xlane v3, v0;
	_ =	sdelay $0x1  }
0x52: {  	v3 =	vperm.xlane v3, v2;
	v4 =	vadd.s32 v1, v4;
	_ =	sdelay $0x1  }
0x53: {  	v3 =	vadd.s32 v1, v3;
	_ =	sdelay $0x2  }
0x54: {  	[tilespmem:s13], [sflag:$0x1] =	stream.indirect_vreg.gather [hbm4b:s4+s3], $0x80, v4, vm0, $0xb8;
	[tilespmem:$0x1D000] =	vst v63  }
0x55: {  	_ = 	snop  }
0x56: {  	[tilespmem:s19], [sflag:$0x1] =	stream.indirect_vreg.gather [hbm4b:s4+s3], $0x80, v3, vm0, $0xb8;
	[tilespmem:$0x1D000] =	vst v63  }
0x57: {  	v3 =	vld [tilespmem:$0x2850];
	_ =	sdelay $0x4  }
0x58: {  	v61 =	vshll.u32 v3, $0x1  }
0x59: {  	v3 =	vand.u32 $0x7, v3;
	v4 =	vand.u32 $0xFFFFFFF0, v61  }
0x5a: {  	v3 =	vor.u32 v3, v4  }
0x5b: {  	v4 =	vperm.xlane v3, v0;
	_ =	sdelay $0x1  }
0x5c: {  	v3 =	vperm.xlane v3, v2;
	v4 =	vadd.s32 v1, v4;
	_ =	sdelay $0x1  }
0x5d: {  	v3 =	vadd.s32 v1, v3;
	_ =	sdelay $0x2  }
0x5e: {  	[tilespmem:s20], [sflag:$0x1] =	stream.indirect_vreg.gather [hbm4b:s4+s3], $0x80, v4, vm0, $0xb8;
	[tilespmem:$0x1D000] =	vst v63  }
0x5f: {  	_ = 	snop  }
0x60: {  	[tilespmem:s21], [sflag:$0x1] =	stream.indirect_vreg.gather [hbm4b:s4+s3], $0x80, v3, vm0, $0xb8;
	[tilespmem:$0x1D000] =	vst v63  }
0x61: {  	v3 =	vld [tilespmem:$0x2860];
	_ =	sdelay $0x4  }
0x62: {  	v62 =	vshll.u32 v3, $0x1  }
0x63: {  	v3 =	vand.u32 $0x7, v3;
	v4 =	vand.u32 $0xFFFFFFF0, v62  }
0x64: {  	v3 =	vor.u32 v3, v4  }
0x65: {  	v4 =	vperm.xlane v3, v0;
	_ =	sdelay $0x1  }
0x66: {  	v3 =	vperm.xlane v3, v2;
	v4 =	vadd.s32 v1, v4;
	_ =	sdelay $0x1  }
0x67: {  	v3 =	vadd.s32 v1, v3;
	_ =	sdelay $0x2  }
0x68: {  	[tilespmem:s22], [sflag:$0x1] =	stream.indirect_vreg.gather [hbm4b:s4+s3], $0x80, v4, vm0, $0xb8;
	[tilespmem:$0x1D000] =	vst v63  }
0x69: {  	_ = 	snop  }
0x6a: {  	[tilespmem:s23], [sflag:$0x1] =	stream.indirect_vreg.gather [hbm4b:s4+s3], $0x80, v3, vm0, $0xb8;
	[tilespmem:$0x1D000] =	vst v63  }
0x6b: {  	v3 =	vld [tilespmem:$0x2870];
	_ =	sdelay $0x4  }
0x6c: {  	v63 =	vshll.u32 v3, $0x1  }
0x6d: {  	v3 =	vand.u32 $0x7, v3;
	v4 =	vand.u32 $0xFFFFFFF0, v63  }
0x6e: {  	v3 =	vor.u32 v3, v4  }
0x6f: {  	v4 =	vperm.xlane v3, v0;
	_ =	sdelay $0x1  }
0x70: {  	v3 =	vperm.xlane v3, v2;
	v4 =	vadd.s32 v1, v4  }
0x71: {  	s1 =	simm.s32 $0x0;
	s30 =	rddreg [dreg:$0xb]  }
0x72: {  	s31 =	rddreg [dreg:$0xa];
	s7 =	simm.s32 $0xE000;
	s8 =	simm.s32 $0xE800;
	v3 =	vadd.s32 v1, v3  }
0x73: {  	s9 =	simm.s32 $0xF000;
	s10 =	simm.s32 $0xF800;
	s11 =	simm.s32 $0x10000  }
0x74: {  	s12 =	simm.s32 $0x10800;
	s13 =	simm.s32 $0x11000;
	s19 =	simm.s32 $0x11800  }
0x75: {  	[tilespmem:s24], [sflag:$0x1] =	stream.indirect_vreg.gather [hbm4b:s4+s3], $0x80, v4, vm0, $0xb8;
	[tilespmem:$0x1D000] =	vst v63  }
0x76: {  	s20 =	simm.s32 $0x12000;
	s21 =	simm.s32 $0x12800;
	s22 =	simm.s32 $0x13000  }
0x77: {  	[tilespmem:s25], [sflag:$0x1] =	stream.indirect_vreg.gather [hbm4b:s4+s3], $0x80, v3, vm0, $0xb8;
	[tilespmem:$0x1D000] =	vst v63  }
0x78: {  	s23 =	simm.s32 $0x13800;
	s24 =	simm.s32 $0x14000;
	s25 =	simm.s32 $0x14800  }
.LBB2_2:
0x79: {  	s0 =	sshra.s32 s1, $0x2  }
0x7a: {  	s15 =	sadd.s32 $0x80, s0  }
0x7b: {  	[tilespmem:s5], [sflag:$0x2] =	stream.indirect.gather [hbm4b:s2+s16], $0x80, s15, s16, $0xb8;
	[tilespmem:$0x1D000] =	vst v63  }
0x7c: {  	v3 =	vld [tilespmem:s0+$0x2880];
	_ =	sdelay $0x4  }
0x7d: {  	v4 =	vshll.u32 v3, $0x1  }
0x7e: {  	v3 =	vand.u32 $0x7, v3;
	v4 =	vand.u32 $0xFFFFFFF0, v4  }
0x7f: {  	v3 =	vor.u32 v3, v4  }
0x80: {  	v4 =	vperm.xlane v3, v0;
	_ =	sdelay $0x1  }
0x81: {  	v3 =	vperm.xlane v3, v2;
	v4 =	vadd.s32 v1, v4;
	_ =	sdelay $0x1  }
0x82: {  	v3 =	vadd.s32 v1, v3;
	_ =	sdelay $0x2  }
0x83: {  	[tilespmem:s6], [sflag:$0x2] =	stream.indirect_vreg.gather [hbm4b:s4+s3], $0x80, v4, vm0, $0xb8;
	[tilespmem:$0x1D000] =	vst v63  }
0x84: {  	_ = 	snop  }
0x85: {  	[tilespmem:s26], [sflag:$0x2] =	stream.indirect_vreg.gather [hbm4b:s4+s3], $0x80, v3, vm0, $0xb8;
	[tilespmem:$0x1D000] =	vst v63  }
0x86: {  	v3 =	vld [tilespmem:s0+$0x2890];
	_ =	sdelay $0x4  }
0x87: {  	v49 =	vshll.u32 v3, $0x1  }
0x88: {  	v3 =	vand.u32 $0x7, v3;
	v4 =	vand.u32 $0xFFFFFFF0, v49  }
0x89: {  	v3 =	vor.u32 v3, v4  }
0x8a: {  	v4 =	vperm.xlane v3, v0;
	_ =	sdelay $0x1  }
0x8b: {  	v3 =	vperm.xlane v3, v2;
	v4 =	vadd.s32 v1, v4;
	_ =	sdelay $0x1  }
0x8c: {  	v3 =	vadd.s32 v1, v3;
	_ =	sdelay $0x1  }
0x8d: {  	s15 =	simm.s32 $0x16000  }
0x8e: {  	[tilespmem:s15], [sflag:$0x2] =	stream.indirect_vreg.gather [hbm4b:s4+s3], $0x80, v4, vm0, $0xb8;
	[tilespmem:$0x1D000] =	vst v63  }
0x8f: {  	s15 =	simm.s32 $0x16800  }
0x90: {  	[tilespmem:s15], [sflag:$0x2] =	stream.indirect_vreg.gather [hbm4b:s4+s3], $0x80, v3, vm0, $0xb8;
	[tilespmem:$0x1D000] =	vst v63  }
0x91: {  	v3 =	vld [tilespmem:s0+$0x28A0];
	_ =	sdelay $0x4  }
0x92: {  	v50 =	vshll.u32 v3, $0x1  }
0x93: {  	v3 =	vand.u32 $0x7, v3;
	v4 =	vand.u32 $0xFFFFFFF0, v50  }
0x94: {  	v3 =	vor.u32 v3, v4  }
0x95: {  	v4 =	vperm.xlane v3, v0;
	_ =	sdelay $0x1  }
0x96: {  	v3 =	vperm.xlane v3, v2;
	v4 =	vadd.s32 v1, v4;
	_ =	sdelay $0x1  }
0x97: {  	v3 =	vadd.s32 v1, v3;
	_ =	sdelay $0x1  }
0x98: {  	s15 =	simm.s32 $0x17000  }
0x99: {  	[tilespmem:s15], [sflag:$0x2] =	stream.indirect_vreg.gather [hbm4b:s4+s3], $0x80, v4, vm0, $0xb8;
	[tilespmem:$0x1D000] =	vst v63  }
0x9a: {  	s15 =	simm.s32 $0x17800  }
0x9b: {  	[tilespmem:s15], [sflag:$0x2] =	stream.indirect_vreg.gather [hbm4b:s4+s3], $0x80, v3, vm0, $0xb8;
	[tilespmem:$0x1D000] =	vst v63  }
0x9c: {  	v3 =	vld [tilespmem:s0+$0x28B0];
	_ =	sdelay $0x4  }
0x9d: {  	v51 =	vshll.u32 v3, $0x1  }
0x9e: {  	v3 =	vand.u32 $0x7, v3;
	v4 =	vand.u32 $0xFFFFFFF0, v51  }
0x9f: {  	v3 =	vor.u32 v3, v4  }
0xa0: {  	v4 =	vperm.xlane v3, v0;
	_ =	sdelay $0x1  }
0xa1: {  	v3 =	vperm.xlane v3, v2;
	v4 =	vadd.s32 v1, v4;
	_ =	sdelay $0x1  }
0xa2: {  	v3 =	vadd.s32 v1, v3;
	_ =	sdelay $0x1  }
0xa3: {  	s15 =	simm.s32 $0x18000  }
0xa4: {  	[tilespmem:s15], [sflag:$0x2] =	stream.indirect_vreg.gather [hbm4b:s4+s3], $0x80, v4, vm0, $0xb8;
	[tilespmem:$0x1D000] =	vst v63  }
0xa5: {  	s15 =	simm.s32 $0x18800  }
0xa6: {  	[tilespmem:s15], [sflag:$0x2] =	stream.indirect_vreg.gather [hbm4b:s4+s3], $0x80, v3, vm0, $0xb8;
	[tilespmem:$0x1D000] =	vst v63  }
0xa7: {  	v3 =	vld [tilespmem:s0+$0x28C0];
	_ =	sdelay $0x4  }
0xa8: {  	v52 =	vshll.u32 v3, $0x1  }
0xa9: {  	v3 =	vand.u32 $0x7, v3;
	v4 =	vand.u32 $0xFFFFFFF0, v52  }
0xaa: {  	v3 =	vor.u32 v3, v4  }
0xab: {  	v4 =	vperm.xlane v3, v0;
	_ =	sdelay $0x1  }
0xac: {  	v3 =	vperm.xlane v3, v2;
	v4 =	vadd.s32 v1, v4;
	_ =	sdelay $0x1  }
0xad: {  	v3 =	vadd.s32 v1, v3;
	_ =	sdelay $0x1  }
0xae: {  	s15 =	simm.s32 $0x19000  }
0xaf: {  	[tilespmem:s15], [sflag:$0x2] =	stream.indirect_vreg.gather [hbm4b:s4+s3], $0x80, v4, vm0, $0xb8;
	[tilespmem:$0x1D000] =	vst v63  }
0xb0: {  	s15 =	simm.s32 $0x19800  }
0xb1: {  	[tilespmem:s15], [sflag:$0x2] =	stream.indirect_vreg.gather [hbm4b:s4+s3], $0x80, v3, vm0, $0xb8;
	[tilespmem:$0x1D000] =	vst v63  }
0xb2: {  	v3 =	vld [tilespmem:s0+$0x28D0];
	_ =	sdelay $0x4  }
0xb3: {  	v53 =	vshll.u32 v3, $0x1  }
0xb4: {  	v3 =	vand.u32 $0x7, v3;
	v4 =	vand.u32 $0xFFFFFFF0, v53  }
0xb5: {  	v3 =	vor.u32 v3, v4  }
0xb6: {  	v4 =	vperm.xlane v3, v0;
	_ =	sdelay $0x1  }
0xb7: {  	v3 =	vperm.xlane v3, v2;
	v4 =	vadd.s32 v1, v4;
	_ =	sdelay $0x1  }
0xb8: {  	v3 =	vadd.s32 v1, v3;
	_ =	sdelay $0x1  }
0xb9: {  	s15 =	simm.s32 $0x1A000  }
0xba: {  	[tilespmem:s15], [sflag:$0x2] =	stream.indirect_vreg.gather [hbm4b:s4+s3], $0x80, v4, vm0, $0xb8;
	[tilespmem:$0x1D000] =	vst v63  }
0xbb: {  	s15 =	simm.s32 $0x1A800  }
0xbc: {  	[tilespmem:s15], [sflag:$0x2] =	stream.indirect_vreg.gather [hbm4b:s4+s3], $0x80, v3, vm0, $0xb8;
	[tilespmem:$0x1D000] =	vst v63  }
0xbd: {  	v3 =	vld [tilespmem:s0+$0x28E0];
	_ =	sdelay $0x4  }
0xbe: {  	v54 =	vshll.u32 v3, $0x1  }
0xbf: {  	v3 =	vand.u32 $0x7, v3;
	v4 =	vand.u32 $0xFFFFFFF0, v54  }
0xc0: {  	v3 =	vor.u32 v3, v4  }
0xc1: {  	v4 =	vperm.xlane v3, v0;
	_ =	sdelay $0x1  }
0xc2: {  	v3 =	vperm.xlane v3, v2;
	v4 =	vadd.s32 v1, v4;
	_ =	sdelay $0x1  }
0xc3: {  	v3 =	vadd.s32 v1, v3;
	_ =	sdelay $0x1  }
0xc4: {  	s15 =	simm.s32 $0x1B000  }
0xc5: {  	[tilespmem:s15], [sflag:$0x2] =	stream.indirect_vreg.gather [hbm4b:s4+s3], $0x80, v4, vm0, $0xb8;
	[tilespmem:$0x1D000] =	vst v63  }
0xc6: {  	s15 =	simm.s32 $0x1B800  }
0xc7: {  	[tilespmem:s15], [sflag:$0x2] =	stream.indirect_vreg.gather [hbm4b:s4+s3], $0x80, v3, vm0, $0xb8;
	[tilespmem:$0x1D000] =	vst v63  }
0xc8: {  	v3 =	vld [tilespmem:s0+$0x28F0];
	_ =	sdelay $0x4  }
0xc9: {  	v55 =	vshll.u32 v3, $0x1  }
0xca: {  	v3 =	vand.u32 $0x7, v3;
	v4 =	vand.u32 $0xFFFFFFF0, v55  }
0xcb: {  	v3 =	vor.u32 v3, v4  }
0xcc: {  	v4 =	vperm.xlane v3, v0;
	_ =	sdelay $0x1  }
0xcd: {  	v3 =	vperm.xlane v3, v2;
	v4 =	vadd.s32 v1, v4;
	_ =	sdelay $0x1  }
0xce: {  	v3 =	vadd.s32 v1, v3;
	_ =	sdelay $0x1  }
0xcf: {  	s15 =	simm.s32 $0x1C000  }
0xd0: {  	[tilespmem:s15], [sflag:$0x2] =	stream.indirect_vreg.gather [hbm4b:s4+s3], $0x80, v4, vm0, $0xb8;
	[tilespmem:$0x1D000] =	vst v63  }
0xd1: {  	s15 =	simm.s32 $0x1C800  }
0xd2: {  	[tilespmem:s15], [sflag:$0x2] =	stream.indirect_vreg.gather [hbm4b:s4+s3], $0x80, v3, vm0, $0xb8;
	[tilespmem:$0x1D000] =	vst v63  }
0xd3: {  	_ =	swait.ge [sflag:s28], $0x4000  }
0xd4: {  	[sflag:s28] =	ssyncset.done $0x0  }
0xd5: {  	[sflag:s28] =	ssyncadd.s32 $0xFFFFC000  }
0xd6: {  	_ =	swait.ge [sflag:s28], $0x8000  }
0xd7: {  	[sflag:s28] =	ssyncset.done $0x0  }
0xd8: {  	[sflag:s28] =	ssyncadd.s32 $0xFFFF8000  }
0xd9: {  	[hbm4b:s30+s3] =	stream.linear.scatter [tilespmem:s17], [sflag:$0x3], $0x4000, $0x38;
	[tilespmem:$0x1D000] =	vst v63  }
0xda: {  	_ =	swait.ge [sflag:s14], $0x4000  }
0xdb: {  	[sflag:s14] =	ssyncset.done $0x0  }
0xdc: {  	[sflag:s14] =	ssyncadd.s32 $0xFFFFC000  }
0xdd: {  	[hbm4b:s31+s3] =	stream.linear.scatter [tilespmem:s18], [sflag:$0x3], $0x8000, $0x38;
	[tilespmem:$0x1D000] =	vst v63  }
0xde: {  	_ =	swait.ge [sflag:s14], $0x8000  }
0xdf: {  	[sflag:s14] =	ssyncset.done $0x0  }
0xe0: {  	s15 =	sadd.s32 $0x100, s0;
	[sflag:s14] =	ssyncadd.s32 $0xFFFF8000  }
0xe1: {  	[tilespmem:s17], [sflag:$0x1] =	stream.indirect.gather [hbm4b:s2+s16], $0x80, s15, s16, $0xb8;
	[tilespmem:$0x1D000] =	vst v63  }
0xe2: {  	v3 =	vld [tilespmem:s0+$0x2900];
	_ =	sdelay $0x4  }
0xe3: {  	v56 =	vshll.u32 v3, $0x1  }
0xe4: {  	v3 =	vand.u32 $0x7, v3;
	v4 =	vand.u32 $0xFFFFFFF0, v56  }
0xe5: {  	v3 =	vor.u32 v3, v4  }
0xe6: {  	v4 =	vperm.xlane v3, v0;
	_ =	sdelay $0x1  }
0xe7: {  	v3 =	vperm.xlane v3, v2;
	v4 =	vadd.s32 v1, v4;
	_ =	sdelay $0x1  }
0xe8: {  	v3 =	vadd.s32 v1, v3;
	_ =	sdelay $0x2  }
0xe9: {  	[tilespmem:s18], [sflag:$0x1] =	stream.indirect_vreg.gather [hbm4b:s4+s3], $0x80, v4, vm0, $0xb8;
	[tilespmem:$0x1D000] =	vst v63  }
0xea: {  	s15 =	simm.s32 $0xD800  }
0xeb: {  	[tilespmem:s15], [sflag:$0x1] =	stream.indirect_vreg.gather [hbm4b:s4+s3], $0x80, v3, vm0, $0xb8;
	[tilespmem:$0x1D000] =	vst v63  }
0xec: {  	v3 =	vld [tilespmem:s0+$0x2910];
	_ =	sdelay $0x4  }
0xed: {  	v57 =	vshll.u32 v3, $0x1  }
0xee: {  	v3 =	vand.u32 $0x7, v3;
	v4 =	vand.u32 $0xFFFFFFF0, v57  }
0xef: {  	v3 =	vor.u32 v3, v4  }
0xf0: {  	v4 =	vperm.xlane v3, v0;
	_ =	sdelay $0x1  }
0xf1: {  	v3 =	vperm.xlane v3, v2;
	v4 =	vadd.s32 v1, v4;
	_ =	sdelay $0x1  }
0xf2: {  	v3 =	vadd.s32 v1, v3;
	_ =	sdelay $0x2  }
0xf3: {  	[tilespmem:s7], [sflag:$0x1] =	stream.indirect_vreg.gather [hbm4b:s4+s3], $0x80, v4, vm0, $0xb8;
	[tilespmem:$0x1D000] =	vst v63  }
0xf4: {  	_ = 	snop  }
0xf5: {  	[tilespmem:s8], [sflag:$0x1] =	stream.indirect_vreg.gather [hbm4b:s4+s3], $0x80, v3, vm0, $0xb8;
	[tilespmem:$0x1D000] =	vst v63  }
0xf6: {  	v3 =	vld [tilespmem:s0+$0x2920];
	_ =	sdelay $0x4  }
0xf7: {  	v58 =	vshll.u32 v3, $0x1  }
0xf8: {  	v3 =	vand.u32 $0x7, v3;
	v4 =	vand.u32 $0xFFFFFFF0, v58  }
0xf9: {  	v3 =	vor.u32 v3, v4  }
0xfa: {  	v4 =	vperm.xlane v3, v0;
	_ =	sdelay $0x1  }
0xfb: {  	v3 =	vperm.xlane v3, v2;
	v4 =	vadd.s32 v1, v4;
	_ =	sdelay $0x1  }
0xfc: {  	v3 =	vadd.s32 v1, v3;
	_ =	sdelay $0x2  }
0xfd: {  	[tilespmem:s9], [sflag:$0x1] =	stream.indirect_vreg.gather [hbm4b:s4+s3], $0x80, v4, vm0, $0xb8;
	[tilespmem:$0x1D000] =	vst v63  }
0xfe: {  	_ = 	snop  }
0xff: {  	[tilespmem:s10], [sflag:$0x1] =	stream.indirect_vreg.gather [hbm4b:s4+s3], $0x80, v3, vm0, $0xb8;
	[tilespmem:$0x1D000] =	vst v63  }
0x100: {  	v3 =	vld [tilespmem:s0+$0x2930];
	_ =	sdelay $0x4  }
0x101: {  	v59 =	vshll.u32 v3, $0x1  }
0x102: {  	v3 =	vand.u32 $0x7, v3;
	v4 =	vand.u32 $0xFFFFFFF0, v59  }
0x103: {  	v3 =	vor.u32 v3, v4  }
0x104: {  	v4 =	vperm.xlane v3, v0;
	_ =	sdelay $0x1  }
0x105: {  	v3 =	vperm.xlane v3, v2;
	v4 =	vadd.s32 v1, v4;
	_ =	sdelay $0x1  }
0x106: {  	v3 =	vadd.s32 v1, v3;
	_ =	sdelay $0x2  }
0x107: {  	[tilespmem:s11], [sflag:$0x1] =	stream.indirect_vreg.gather [hbm4b:s4+s3], $0x80, v4, vm0, $0xb8;
	[tilespmem:$0x1D000] =	vst v63  }
0x108: {  	_ = 	snop  }
0x109: {  	[tilespmem:s12], [sflag:$0x1] =	stream.indirect_vreg.gather [hbm4b:s4+s3], $0x80, v3, vm0, $0xb8;
	[tilespmem:$0x1D000] =	vst v63  }
0x10a: {  	v3 =	vld [tilespmem:s0+$0x2940];
	_ =	sdelay $0x4  }
0x10b: {  	v60 =	vshll.u32 v3, $0x1  }
0x10c: {  	v3 =	vand.u32 $0x7, v3;
	v4 =	vand.u32 $0xFFFFFFF0, v60  }
0x10d: {  	v3 =	vor.u32 v3, v4  }
0x10e: {  	v4 =	vperm.xlane v3, v0;
	_ =	sdelay $0x1  }
0x10f: {  	v3 =	vperm.xlane v3, v2;
	v4 =	vadd.s32 v1, v4;
	_ =	sdelay $0x1  }
0x110: {  	v3 =	vadd.s32 v1, v3;
	_ =	sdelay $0x2  }
0x111: {  	[tilespmem:s13], [sflag:$0x1] =	stream.indirect_vreg.gather [hbm4b:s4+s3], $0x80, v4, vm0, $0xb8;
	[tilespmem:$0x1D000] =	vst v63  }
0x112: {  	_ = 	snop  }
0x113: {  	[tilespmem:s19], [sflag:$0x1] =	stream.indirect_vreg.gather [hbm4b:s4+s3], $0x80, v3, vm0, $0xb8;
	[tilespmem:$0x1D000] =	vst v63  }
0x114: {  	v3 =	vld [tilespmem:s0+$0x2950];
	_ =	sdelay $0x4  }
0x115: {  	v61 =	vshll.u32 v3, $0x1  }
0x116: {  	v3 =	vand.u32 $0x7, v3;
	v4 =	vand.u32 $0xFFFFFFF0, v61  }
0x117: {  	v3 =	vor.u32 v3, v4  }
0x118: {  	v4 =	vperm.xlane v3, v0;
	_ =	sdelay $0x1  }
0x119: {  	v3 =	vperm.xlane v3, v2;
	v4 =	vadd.s32 v1, v4;
	_ =	sdelay $0x1  }
0x11a: {  	v3 =	vadd.s32 v1, v3;
	_ =	sdelay $0x2  }
0x11b: {  	[tilespmem:s20], [sflag:$0x1] =	stream.indirect_vreg.gather [hbm4b:s4+s3], $0x80, v4, vm0, $0xb8;
	[tilespmem:$0x1D000] =	vst v63  }
0x11c: {  	_ = 	snop  }
0x11d: {  	[tilespmem:s21], [sflag:$0x1] =	stream.indirect_vreg.gather [hbm4b:s4+s3], $0x80, v3, vm0, $0xb8;
	[tilespmem:$0x1D000] =	vst v63  }
0x11e: {  	v3 =	vld [tilespmem:s0+$0x2960];
	_ =	sdelay $0x4  }
0x11f: {  	v62 =	vshll.u32 v3, $0x1  }
0x120: {  	v3 =	vand.u32 $0x7, v3;
	v4 =	vand.u32 $0xFFFFFFF0, v62  }
0x121: {  	v3 =	vor.u32 v3, v4  }
0x122: {  	v4 =	vperm.xlane v3, v0;
	_ =	sdelay $0x1  }
0x123: {  	v3 =	vperm.xlane v3, v2;
	v4 =	vadd.s32 v1, v4;
	_ =	sdelay $0x1  }
0x124: {  	v3 =	vadd.s32 v1, v3;
	_ =	sdelay $0x2  }
0x125: {  	[tilespmem:s22], [sflag:$0x1] =	stream.indirect_vreg.gather [hbm4b:s4+s3], $0x80, v4, vm0, $0xb8;
	[tilespmem:$0x1D000] =	vst v63  }
0x126: {  	_ = 	snop  }
0x127: {  	[tilespmem:s23], [sflag:$0x1] =	stream.indirect_vreg.gather [hbm4b:s4+s3], $0x80, v3, vm0, $0xb8;
	[tilespmem:$0x1D000] =	vst v63  }
0x128: {  	v3 =	vld [tilespmem:s0+$0x2970];
	_ =	sdelay $0x4  }
0x129: {  	v63 =	vshll.u32 v3, $0x1  }
0x12a: {  	v3 =	vand.u32 $0x7, v3;
	v4 =	vand.u32 $0xFFFFFFF0, v63  }
0x12b: {  	v3 =	vor.u32 v3, v4  }
0x12c: {  	v4 =	vperm.xlane v3, v0;
	_ =	sdelay $0x1  }
0x12d: {  	v3 =	vperm.xlane v3, v2;
	v4 =	vadd.s32 v1, v4;
	_ =	sdelay $0x1  }
0x12e: {  	v3 =	vadd.s32 v1, v3;
	_ =	sdelay $0x2  }
0x12f: {  	[tilespmem:s24], [sflag:$0x1] =	stream.indirect_vreg.gather [hbm4b:s4+s3], $0x80, v4, vm0, $0xb8;
	[tilespmem:$0x1D000] =	vst v63  }
0x130: {  	_ = 	snop  }
0x131: {  	[tilespmem:s25], [sflag:$0x1] =	stream.indirect_vreg.gather [hbm4b:s4+s3], $0x80, v3, vm0, $0xb8;
	[tilespmem:$0x1D000] =	vst v63  }
0x132: {  	_ =	swait.ge [sflag:s29], $0x4000  }
0x133: {  	[sflag:s29] =	ssyncset.done $0x0  }
0x134: {  	[sflag:s29] =	ssyncadd.s32 $0xFFFFC000  }
0x135: {  	_ =	swait.ge [sflag:s29], $0x8000  }
0x136: {  	[sflag:s29] =	ssyncset.done $0x0  }
0x137: {  	s0 =	sadd.s32 $0x800, s30;
	[sflag:s29] =	ssyncadd.s32 $0xFFFF8000  }
0x138: {  	[hbm4b:s0+s3] =	stream.linear.scatter [tilespmem:s5], [sflag:$0x3], $0x4000, $0x38;
	[tilespmem:$0x1D000] =	vst v63  }
0x139: {  	_ =	swait.ge [sflag:s14], $0x4000  }
0x13a: {  	p0 =	sne.s32 s1, $0x9800;
	[sflag:s14] =	ssyncset.done $0x0  }
.Ltmp0:
0x13b: {  	s0 =	sadd.s32 $0x1000, s31;
	[sflag:s14] =	ssyncadd.s32 $0xFFFFC000;
	(pc) =	sbr.rel @p0 .LBB2_2-.Ltmp0, $4  }
0x13c: {  	[hbm4b:s0+s3] =	stream.linear.scatter [tilespmem:s6], [sflag:$0x3], $0x8000, $0x38;
	[tilespmem:$0x1D000] =	vst v63  }
0x13d: {  	_ =	swait.ge [sflag:s14], $0x8000  }
0x13e: {  	s1 =	sadd.s32 $0x400, s1;
	[sflag:s14] =	ssyncset.done $0x0  }
0x13f: {  	s30 =	sadd.s32 $0x1000, s30;
	s31 =	sadd.s32 $0x2000, s31;
	[sflag:s14] =	ssyncadd.s32 $0xFFFF8000  }
0x140: {  	s0 =	simm.s32 $0x2780  }
0x141: {  	[tilespmem:s5], [sflag:$0x2] =	stream.indirect.gather [hbm4b:s2+s16], $0x80, s0, s16, $0xb8;
	[tilespmem:$0x1D000] =	vst v63  }
0x142: {  	v3 =	vld [tilespmem:$0x4F80];
	_ =	sdelay $0x4  }
0x143: {  	v4 =	vshll.u32 v3, $0x1  }
0x144: {  	v3 =	vand.u32 $0x7, v3;
	v4 =	vand.u32 $0xFFFFFFF0, v4  }
0x145: {  	v3 =	vor.u32 v3, v4  }
0x146: {  	v4 =	vperm.xlane v3, v0;
	_ =	sdelay $0x1  }
0x147: {  	v3 =	vperm.xlane v3, v2;
	v4 =	vadd.s32 v1, v4;
	_ =	sdelay $0x1  }
0x148: {  	v3 =	vadd.s32 v1, v3;
	_ =	sdelay $0x2  }
0x149: {  	[tilespmem:s6], [sflag:$0x2] =	stream.indirect_vreg.gather [hbm4b:s4+s3], $0x80, v4, vm0, $0xb8;
	[tilespmem:$0x1D000] =	vst v63  }
0x14a: {  	_ = 	snop  }
0x14b: {  	[tilespmem:s26], [sflag:$0x2] =	stream.indirect_vreg.gather [hbm4b:s4+s3], $0x80, v3, vm0, $0xb8;
	[tilespmem:$0x1D000] =	vst v63  }
0x14c: {  	v3 =	vld [tilespmem:$0x4F90];
	_ =	sdelay $0x4  }
0x14d: {  	v57 =	vshll.u32 v3, $0x1  }
0x14e: {  	v3 =	vand.u32 $0x7, v3;
	v4 =	vand.u32 $0xFFFFFFF0, v57  }
0x14f: {  	v3 =	vor.u32 v3, v4  }
0x150: {  	v4 =	vperm.xlane v3, v0;
	_ =	sdelay $0x1  }
0x151: {  	v3 =	vperm.xlane v3, v2;
	v4 =	vadd.s32 v1, v4;
	_ =	sdelay $0x1  }
0x152: {  	v3 =	vadd.s32 v1, v3;
	_ =	sdelay $0x1  }
0x153: {  	s30 =	simm.s32 $0x16000  }
0x154: {  	[tilespmem:s30], [sflag:$0x2] =	stream.indirect_vreg.gather [hbm4b:s4+s3], $0x80, v4, vm0, $0xb8;
	[tilespmem:$0x1D000] =	vst v63  }
0x155: {  	s31 =	simm.s32 $0x16800  }
0x156: {  	[tilespmem:s31], [sflag:$0x2] =	stream.indirect_vreg.gather [hbm4b:s4+s3], $0x80, v3, vm0, $0xb8;
	[tilespmem:$0x1D000] =	vst v63  }
0x157: {  	v3 =	vld [tilespmem:$0x4FA0];
	_ =	sdelay $0x4  }
0x158: {  	v58 =	vshll.u32 v3, $0x1  }
0x159: {  	v3 =	vand.u32 $0x7, v3;
	v4 =	vand.u32 $0xFFFFFFF0, v58  }
0x15a: {  	v3 =	vor.u32 v3, v4  }
0x15b: {  	v4 =	vperm.xlane v3, v0;
	_ =	sdelay $0x1  }
0x15c: {  	v3 =	vperm.xlane v3, v2;
	v4 =	vadd.s32 v1, v4;
	_ =	sdelay $0x1  }
0x15d: {  	v3 =	vadd.s32 v1, v3;
	_ =	sdelay $0x1  }
0x15e: {  	s1 =	simm.s32 $0x17000  }
0x15f: {  	[tilespmem:s1], [sflag:$0x2] =	stream.indirect_vreg.gather [hbm4b:s4+s3], $0x80, v4, vm0, $0xb8;
	[tilespmem:$0x1D000] =	vst v63  }
0x160: {  	s7 =	simm.s32 $0x17800  }
0x161: {  	[tilespmem:s7], [sflag:$0x2] =	stream.indirect_vreg.gather [hbm4b:s4+s3], $0x80, v3, vm0, $0xb8;
	[tilespmem:$0x1D000] =	vst v63  }
0x162: {  	v3 =	vld [tilespmem:$0x4FB0];
	_ =	sdelay $0x4  }
0x163: {  	v59 =	vshll.u32 v3, $0x1  }
0x164: {  	v3 =	vand.u32 $0x7, v3;
	v4 =	vand.u32 $0xFFFFFFF0, v59  }
0x165: {  	v3 =	vor.u32 v3, v4  }
0x166: {  	v4 =	vperm.xlane v3, v0;
	_ =	sdelay $0x1  }
0x167: {  	v3 =	vperm.xlane v3, v2;
	v4 =	vadd.s32 v1, v4;
	_ =	sdelay $0x1  }
0x168: {  	v3 =	vadd.s32 v1, v3;
	_ =	sdelay $0x1  }
0x169: {  	s8 =	simm.s32 $0x18000  }
0x16a: {  	[tilespmem:s8], [sflag:$0x2] =	stream.indirect_vreg.gather [hbm4b:s4+s3], $0x80, v4, vm0, $0xb8;
	[tilespmem:$0x1D000] =	vst v63  }
0x16b: {  	s9 =	simm.s32 $0x18800  }
0x16c: {  	[tilespmem:s9], [sflag:$0x2] =	stream.indirect_vreg.gather [hbm4b:s4+s3], $0x80, v3, vm0, $0xb8;
	[tilespmem:$0x1D000] =	vst v63  }
0x16d: {  	v3 =	vld [tilespmem:$0x4FC0];
	_ =	sdelay $0x4  }
0x16e: {  	v60 =	vshll.u32 v3, $0x1  }
0x16f: {  	v3 =	vand.u32 $0x7, v3;
	v4 =	vand.u32 $0xFFFFFFF0, v60  }
0x170: {  	v3 =	vor.u32 v3, v4  }
0x171: {  	v4 =	vperm.xlane v3, v0;
	_ =	sdelay $0x1  }
0x172: {  	v3 =	vperm.xlane v3, v2;
	v4 =	vadd.s32 v1, v4;
	_ =	sdelay $0x1  }
0x173: {  	v3 =	vadd.s32 v1, v3;
	_ =	sdelay $0x1  }
0x174: {  	s10 =	simm.s32 $0x19000  }
0x175: {  	[tilespmem:s10], [sflag:$0x2] =	stream.indirect_vreg.gather [hbm4b:s4+s3], $0x80, v4, vm0, $0xb8;
	[tilespmem:$0x1D000] =	vst v63  }
0x176: {  	s11 =	simm.s32 $0x19800  }
0x177: {  	[tilespmem:s11], [sflag:$0x2] =	stream.indirect_vreg.gather [hbm4b:s4+s3], $0x80, v3, vm0, $0xb8;
	[tilespmem:$0x1D000] =	vst v63  }
0x178: {  	v3 =	vld [tilespmem:$0x4FD0];
	_ =	sdelay $0x4  }
0x179: {  	v61 =	vshll.u32 v3, $0x1  }
0x17a: {  	v3 =	vand.u32 $0x7, v3;
	v4 =	vand.u32 $0xFFFFFFF0, v61  }
0x17b: {  	v3 =	vor.u32 v3, v4  }
0x17c: {  	v4 =	vperm.xlane v3, v0;
	_ =	sdelay $0x1  }
0x17d: {  	v3 =	vperm.xlane v3, v2;
	v4 =	vadd.s32 v1, v4;
	_ =	sdelay $0x1  }
0x17e: {  	v3 =	vadd.s32 v1, v3;
	_ =	sdelay $0x1  }
0x17f: {  	s12 =	simm.s32 $0x1A000  }
0x180: {  	[tilespmem:s12], [sflag:$0x2] =	stream.indirect_vreg.gather [hbm4b:s4+s3], $0x80, v4, vm0, $0xb8;
	[tilespmem:$0x1D000] =	vst v63  }
0x181: {  	s13 =	simm.s32 $0x1A800  }
0x182: {  	[tilespmem:s13], [sflag:$0x2] =	stream.indirect_vreg.gather [hbm4b:s4+s3], $0x80, v3, vm0, $0xb8;
	[tilespmem:$0x1D000] =	vst v63  }
0x183: {  	v3 =	vld [tilespmem:$0x4FE0];
	_ =	sdelay $0x4  }
0x184: {  	v62 =	vshll.u32 v3, $0x1  }
0x185: {  	v3 =	vand.u32 $0x7, v3;
	v4 =	vand.u32 $0xFFFFFFF0, v62  }
0x186: {  	v3 =	vor.u32 v3, v4  }
0x187: {  	v4 =	vperm.xlane v3, v0;
	_ =	sdelay $0x1  }
0x188: {  	v3 =	vperm.xlane v3, v2;
	v4 =	vadd.s32 v1, v4;
	_ =	sdelay $0x1  }
0x189: {  	v3 =	vadd.s32 v1, v3;
	_ =	sdelay $0x1  }
0x18a: {  	s19 =	simm.s32 $0x1B000  }
0x18b: {  	[tilespmem:s19], [sflag:$0x2] =	stream.indirect_vreg.gather [hbm4b:s4+s3], $0x80, v4, vm0, $0xb8;
	[tilespmem:$0x1D000] =	vst v63  }
0x18c: {  	s20 =	simm.s32 $0x1B800  }
0x18d: {  	[tilespmem:s20], [sflag:$0x2] =	stream.indirect_vreg.gather [hbm4b:s4+s3], $0x80, v3, vm0, $0xb8;
	[tilespmem:$0x1D000] =	vst v63  }
0x18e: {  	v3 =	vld [tilespmem:$0x4FF0];
	_ =	sdelay $0x4  }
0x18f: {  	v63 =	vshll.u32 v3, $0x1  }
0x190: {  	v3 =	vand.u32 $0x7, v3;
	v4 =	vand.u32 $0xFFFFFFF0, v63  }
0x191: {  	v3 =	vor.u32 v3, v4  }
0x192: {  	v4 =	vperm.xlane v3, v0;
	_ =	sdelay $0x1  }
0x193: {  	v3 =	vperm.xlane v3, v2;
	v4 =	vadd.s32 v1, v4;
	_ =	sdelay $0x1  }
0x194: {  	v3 =	vadd.s32 v1, v3;
	_ =	sdelay $0x1  }
0x195: {  	s21 =	simm.s32 $0x1C000  }
0x196: {  	[tilespmem:s21], [sflag:$0x2] =	stream.indirect_vreg.gather [hbm4b:s4+s3], $0x80, v4, vm0, $0xb8;
	[tilespmem:$0x1D000] =	vst v63  }
0x197: {  	s22 =	simm.s32 $0x1C800  }
0x198: {  	[tilespmem:s22], [sflag:$0x2] =	stream.indirect_vreg.gather [hbm4b:s4+s3], $0x80, v3, vm0, $0xb8;
	[tilespmem:$0x1D000] =	vst v63  }
0x199: {  	_ =	swait.ge [sflag:s28], $0x4000  }
0x19a: {  	[sflag:s28] =	ssyncset.done $0x0  }
0x19b: {  	[sflag:s28] =	ssyncadd.s32 $0xFFFFC000  }
0x19c: {  	_ =	swait.ge [sflag:s28], $0x8000  }
0x19d: {  	[sflag:s28] =	ssyncset.done $0x0  }
0x19e: {  	s23 =	rddreg [dreg:$0x5];
	[sflag:s28] =	ssyncadd.s32 $0xFFFF8000  }
0x19f: {  	[hbm4b:s23+s3] =	stream.linear.scatter [tilespmem:s17], [sflag:$0x3], $0x4000, $0x38;
	[tilespmem:$0x1D000] =	vst v63  }
0x1a0: {  	_ =	swait.ge [sflag:s14], $0x4000  }
0x1a1: {  	[sflag:s14] =	ssyncset.done $0x0  }
0x1a2: {  	s24 =	rddreg [dreg:$0x6];
	[sflag:s14] =	ssyncadd.s32 $0xFFFFC000  }
0x1a3: {  	[hbm4b:s24+s3] =	stream.linear.scatter [tilespmem:s18], [sflag:$0x3], $0x8000, $0x38;
	[tilespmem:$0x1D000] =	vst v63  }
0x1a4: {  	_ =	swait.ge [sflag:s14], $0x8000  }
0x1a5: {  	[sflag:s14] =	ssyncset.done $0x0  }
0x1a6: {  	[sflag:s14] =	ssyncadd.s32 $0xFFFF8000  }
0x1a7: {  	_ =	swait.ge [sflag:s29], $0x4000  }
0x1a8: {  	[sflag:s29] =	ssyncset.done $0x0  }
0x1a9: {  	[sflag:s29] =	ssyncadd.s32 $0xFFFFC000  }
0x1aa: {  	_ =	swait.ge [sflag:s29], $0x8000  }
0x1ab: {  	[sflag:s29] =	ssyncset.done $0x0  }
0x1ac: {  	s25 =	rddreg [dreg:$0x7];
	[sflag:s29] =	ssyncadd.s32 $0xFFFF8000  }
0x1ad: {  	[hbm4b:s25+s3] =	stream.linear.scatter [tilespmem:s5], [sflag:$0x3], $0x4000, $0x38;
	[tilespmem:$0x1D000] =	vst v63  }
0x1ae: {  	_ =	swait.ge [sflag:s14], $0x4000  }
0x1af: {  	[sflag:s14] =	ssyncset.done $0x0  }
0x1b0: {  	s30 =	rddreg [dreg:$0x8];
	[sflag:s14] =	ssyncadd.s32 $0xFFFFC000  }
0x1b1: {  	[hbm4b:s30+s3] =	stream.linear.scatter [tilespmem:s6], [sflag:$0x3], $0x8000, $0x38;
	[tilespmem:$0x1D000] =	vst v63  }
0x1b2: {  	_ =	swait.ge [sflag:s14], $0x8000  }
0x1b3: {  	s1 =	rddreg [dreg:$0xc]  }
0x1b4: {  	s31 =	rddreg [dreg:$0x9];
	s1 =	sadd.s32 $0x1, s1  }
0x1b5: {  	s7 =	simm.s32 $0xE000;
	s8 =	simm.s32 $0xE800;
	p0 =	sne.s32 s1, s31  }
.Ltmp1:
0x1b6: {  	s9 =	simm.s32 $0xF000;
	s10 =	simm.s32 $0xF800;
	(pc) =	sbr.rel @p0 .LBB2_1-.Ltmp1, $4  }
0x1b7: {  	s11 =	simm.s32 $0x10000;
	s12 =	simm.s32 $0x10800;
	s13 =	simm.s32 $0x11000  }
0x1b8: {  	s19 =	simm.s32 $0x11800;
	s20 =	simm.s32 $0x12000;
	s21 =	simm.s32 $0x12800  }
0x1b9: {  	s22 =	simm.s32 $0x13000;
	s23 =	simm.s32 $0x13800;
	[sflag:s14] =	ssyncset.done $0x0  }
0x1ba: {  	s24 =	simm.s32 $0x14000;
	s25 =	simm.s32 $0x14800;
	[sflag:s14] =	ssyncadd.s32 $0xFFFF8000  }
0x1bb: {  	_ =	sfence.sel $0x180000  }
0x1bc: {  	[bflag:$0x0] =	sbarrier.arrive $0xFFFF  }
0x1bd: {  	_ =	strace $0x90000047  }
0x1be: {  	s0 =	stileid.u32;
	[bflag:$0x2] =	sbarrier.arrive $0xFFFF  }
0x1bf: {  	p0 =	sne.s32 s0, $0x0;
	s0 =	rddreg [dreg:$0x2]  }
0x1c0: {  	s0 =	sadd.s32 @!p0 $0x100000, s0  }
0x1c1: {  	[sflag:s0] =	ssyncadd.tile.s32 @!p0 $0x1;
	_ =	shalt  }
.Lfunc_end2:
_tile_overlayer_lowered:
.L_overlay_start_2:
0x1c2: {  	(tag) =	ssettag $0x2  }
0x1c3: {  	s0 =	rddreg [dreg:$0x0];
	s2 =	stileid.u32  }
0x1c4: {  	s1 =	rddreg [dreg:$0x1];
	p0 =	sne.s32 s2, $0x0  }
0x1c5: {  	s3 =	rddreg [dreg:$0x2];
	[bflag:$0x3] =	sbarrier.arrive $0xFFFF;
	s2 =	simm.s32 @!p0 $0x1C03  }
0x1c6: {  	[timem:s3], [sflag:s2] =	dma.local @!p0 [hbm:s0], s1  }
0x1c7: {  	s0 =	simm.s32 @!p0 $0x3  }
0x1c8: {  	_ =	swait.ge @!p0 [sflag:s0], s1  }
0x1c9: {  	s1 =	ssub.s32 @!p0 $0x0, s1;
	[sflag:s0] =	ssyncset.done @!p0 $0x0  }
0x1ca: {  	[sflag:s0] =	ssyncadd.s32 @!p0 s1  }
0x1cb: {  	[bflag:$0x3] =	sbarrier.arrive $0xFFFF  }
0x1cc: {  	_ =	shalt  }

</sc_bundles>
